<compile_context>
chip_gen: v7x
topology: tpu7x:2x2x1
jax: 0.10.2.dev20260603
libtpu: 0.0.44.dev20260713+nightly
codegen_flags: <defaults>
</compile_context>

<pallas_src>
import functools

import jax
import jax.numpy as jnp
from jax import lax
from jax.experimental import pallas as pl
from jax.experimental.pallas import tpu as pltpu
from jax.experimental.pallas import tpu_sc as plsc

_NUM_CORES = 2
_NUM_SUBCORES = 16
_NW = _NUM_CORES * _NUM_SUBCORES
_LANES = 16
_NSEM = 4


@functools.cache
def _build_gather(batch: int, dim: int):
    b_per_w = batch // _NW
    n_groups = b_per_w // _LANES
    groups_per_sem = n_groups // _NSEM
    mesh = plsc.VectorSubcoreMesh(core_axis_name="c", subcore_axis_name="s")

    @functools.partial(
        pl.kernel,
        mesh=mesh,
        out_type=jax.ShapeDtypeStruct((batch, dim), jnp.float32),
        scratch_types=[
            pltpu.VMEM((b_per_w,), jnp.int32),
            pltpu.VMEM((b_per_w, dim), jnp.float32),
        ]
        + [pltpu.SemaphoreType.DMA] * _NSEM,
    )
    def gather_kernel(idx_hbm, table_hbm, out_hbm, idx_v, rows_v, *sems):
        wid = lax.axis_index("s") * _NUM_CORES + lax.axis_index("c")
        base = wid * b_per_w
        pltpu.sync_copy(idx_hbm.at[pl.ds(base, b_per_w)], idx_v)

        @plsc.parallel_loop(0, n_groups // _NSEM, 1, unroll=2)
        def _(gg):
            for s in range(_NSEM):
                g = gg * _NSEM + s
                vec = idx_v[pl.ds(g * _LANES, _LANES)]
                for lane in range(_LANES):
                    pltpu.async_copy(
                        table_hbm.at[vec[lane]],
                        rows_v.at[g * _LANES + lane],
                        sems[s],
                    )

        rows_per_sem = groups_per_sem * _LANES
        for s in range(_NSEM):
            pltpu.make_async_copy(
                table_hbm.at[pl.ds(0, rows_per_sem)],
                rows_v.at[pl.ds(0, rows_per_sem)],
                sems[s],
            ).wait()
        pltpu.sync_copy(rows_v, out_hbm.at[pl.ds(base, b_per_w)])

    return gather_kernel


def kernel(labels, table):
    labels = labels.astype(jnp.int32)
    batch = labels.shape[0]
    dim = table.shape[1]
    table = table.astype(jnp.float32)
    return _build_gather(batch, dim)(labels, table)

# --- scband reference (transcript-rebuilt; emitter-appended) ---
"""Pipeline reference for scband-cond-embedder-label-29661044146628 (READ-ONLY COPY).

The authoritative reference and input builder live on the scoring server;
editing this copy changes nothing except your own understanding.
"""

import jax, jax.numpy as jnp
import numpy as np

NUM_CLASSES = 1000000
COND_DIM = 64
BATCH = 16384

def setup_inputs(seed: int = 0) -> dict:
    key = jax.random.key(seed)
    k_lab, k_tab = jax.random.split(key)
    labels = jax.random.randint(k_lab, (BATCH,), 0, NUM_CLASSES, dtype=jnp.int64 if jax.config.jax_enable_x64 else jnp.int32)
    # embedding table has num_classes + 1 rows (last row = null/unconditional label)
    table = jax.random.normal(k_tab, (NUM_CLASSES + 1, COND_DIM), dtype=jnp.float32)
    return {"labels": labels, "table": table}

def reference(labels, table):
    # Eval-mode forward: no classifier-free-guidance dropout, pure embedding lookup.
    return jnp.take(table, labels, axis=0)

if __name__ == "__main__":
    import jax
    _d = setup_inputs()
    print(jax.jit(kernel)(*tuple(_d.values())))

</pallas_src>

<mosaic_0001>
#map = affine_map<(d0, d1) -> (0)>
#map1 = affine_map<(d0, d1) -> (0, 0)>
module attributes {stable_mosaic.version = 14 : i64} {
  func.func @gather_kernel(%arg0: i32, %arg1: i32, %arg2: memref<16384xi32, #tpu.memory_space<hbm>>, %arg3: memref<1000001x64xf32, #tpu.memory_space<hbm>>, %arg4: memref<16384x64xf32, #tpu.memory_space<hbm>>, %arg5: memref<512xi32, #tpu.memory_space<vmem>>, %arg6: memref<512x64xf32, #tpu.memory_space<vmem>>, %arg7: memref<!tpu.dma_semaphore, #tpu.memory_space<semaphore_mem>>, %arg8: memref<!tpu.dma_semaphore, #tpu.memory_space<semaphore_mem>>, %arg9: memref<!tpu.dma_semaphore, #tpu.memory_space<semaphore_mem>>, %arg10: memref<!tpu.dma_semaphore, #tpu.memory_space<semaphore_mem>>) attributes {dimension_semantics = [#tpu.dimension_semantics<core_parallel>, #tpu.dimension_semantics<subcore_parallel>], iteration_bounds = array<i64: 2, 16>, scalar_prefetch = 0 : i64, scratch_operands = 6 : i64, tpu.core_type = #tpu.core_type<sc_vector_subcore>, window_params = [{transform_indices = #map}, {transform_indices = #map1}, {transform_indices = #map1}]} {
    %mul3A = arith.constant 2 : i32
    %mul3A_0 = arith.muli %arg1, %mul3A : i32
    %add3A = arith.addi %mul3A_0, %arg0 : i32
    %mul3A_1 = arith.constant 512 : i32
    %mul3A_2 = arith.muli %add3A, %mul3A_1 : i32
    "tpu.region"() ({
      %run_scoped3A = tpu.sem_alloc : memref<!tpu.dma_semaphore, #tpu.memory_space<semaphore_mem>>
      %dma_start3A = tpu.memref_slice %arg2[%mul3A_2] : memref<16384xi32, #tpu.memory_space<hbm>> -> memref<512xi32, #tpu.memory_space<hbm>>
      %dma_start3A_52 = tpu.memref_slice %arg2[%mul3A_2] : memref<16384xi32, #tpu.memory_space<hbm>> -> memref<512xi32, #tpu.memory_space<hbm>>
      tpu.enqueue_dma source(%dma_start3A_52 : memref<512xi32, #tpu.memory_space<hbm>>) target(%arg5 : memref<512xi32, #tpu.memory_space<vmem>>) target_semaphore(%run_scoped3A : memref<!tpu.dma_semaphore, #tpu.memory_space<semaphore_mem>>)
      %dma_wait3A_53 = tpu.memref_slice %arg2[%mul3A_2] : memref<16384xi32, #tpu.memory_space<hbm>> -> memref<512xi32, #tpu.memory_space<hbm>>
      %dma_wait3A_54 = tpu.memref_slice %arg2[%mul3A_2] : memref<16384xi32, #tpu.memory_space<hbm>> -> memref<512xi32, #tpu.memory_space<hbm>>
      tpu.wait_dma2 semaphore(%run_scoped3A : memref<!tpu.dma_semaphore, #tpu.memory_space<semaphore_mem>>) src(%dma_wait3A_54 : memref<512xi32, #tpu.memory_space<hbm>>) dst(%arg5 : memref<512xi32, #tpu.memory_space<vmem>>)
      tpu.yield
    }) : () -> ()
    %parallel_loop3A = arith.constant 0 : i32
    %parallel_loop3A_3 = arith.constant 8 : i32
    %parallel_loop3A_4 = arith.constant 1 : i32
    scf.for %parallel_loop3A_52 = %parallel_loop3A to %parallel_loop3A_3 step %parallel_loop3A_4  : i32 {
      %parallel_loop3A_53 = arith.constant 4 : i32
      %parallel_loop3A_54 = arith.muli %parallel_loop3A_52, %parallel_loop3A_53 : i32
      %parallel_loop3A_55 = arith.constant 0 : i32
      %parallel_loop3A_56 = arith.addi %parallel_loop3A_54, %parallel_loop3A_55 : i32
      %parallel_loop3A_57 = arith.constant 16 : i32
      %parallel_loop3A_58 = arith.muli %parallel_loop3A_56, %parallel_loop3A_57 : i32
      %parallel_loop3A_59 = arith.index_cast %parallel_loop3A_58 : i32 to index
      %parallel_loop3A_60 = tpu.vector_load %arg5[%parallel_loop3A_59] {strides = array<i32>} : memref<512xi32, #tpu.memory_space<vmem>>, vector<16xi32>,
      %parallel_loop3A_61 = vector.shape_cast %parallel_loop3A_60 : vector<16xi32> to vector<16xi32>
      %parallel_loop3A_62 = vector.extract_strided_slice %parallel_loop3A_61 {offsets = [0], sizes = [1], strides = [1]} : vector<16xi32> to vector<1xi32>
      %parallel_loop3A_63 = vector.extract %parallel_loop3A_62[0] : i32 from vector<1xi32>
      %parallel_loop3A_64 = arith.constant 16 : i32
      %parallel_loop3A_65 = arith.muli %parallel_loop3A_56, %parallel_loop3A_64 : i32
      %parallel_loop3A_66 = arith.constant 0 : i32
      %parallel_loop3A_67 = arith.addi %parallel_loop3A_65, %parallel_loop3A_66 : i32
      %parallel_loop3A_68 = arith.constant 0 : i32
      %parallel_loop3A_69 = tpu.memref_slice %arg6[%parallel_loop3A_67, %parallel_loop3A_68] : memref<512x64xf32, #tpu.memory_space<vmem>> -> memref<1x64xf32, #tpu.memory_space<vmem>>
      %parallel_loop3A_70 = tpu.memref_squeeze %parallel_loop3A_69 : memref<1x64xf32, #tpu.memory_space<vmem>> -> memref<64xf32, #tpu.memory_space<vmem>>
      %parallel_loop3A_71 = arith.constant 0 : i32
      %parallel_loop3A_72 = tpu.memref_slice %arg3[%parallel_loop3A_63, %parallel_loop3A_71] : memref<1000001x64xf32, #tpu.memory_space<hbm>> -> memref<1x64xf32, #tpu.memory_space<hbm>>
      %parallel_loop3A_73 = tpu.memref_squeeze %parallel_loop3A_72 : memref<1x64xf32, #tpu.memory_space<hbm>> -> memref<64xf32, #tpu.memory_space<hbm>>
      %parallel_loop3A_74 = arith.constant 0 : i32
      %parallel_loop3A_75 = tpu.memref_slice %arg6[%parallel_loop3A_67, %parallel_loop3A_74] : memref<512x64xf32, #tpu.memory_space<vmem>> -> memref<1x64xf32, #tpu.memory_space<vmem>>
      %parallel_loop3A_76 = tpu.memref_squeeze %parallel_loop3A_75 : memref<1x64xf32, #tpu.memory_space<vmem>> -> memref<64xf32, #tpu.memory_space<vmem>>
      %parallel_loop3A_77 = arith.constant 0 : i32
      %parallel_loop3A_78 = tpu.memref_slice %arg3[%parallel_loop3A_63, %parallel_loop3A_77] : memref<1000001x64xf32, #tpu.memory_space<hbm>> -> memref<1x64xf32, #tpu.memory_space<hbm>>
      %parallel_loop3A_79 = tpu.memref_squeeze %parallel_loop3A_78 : memref<1x64xf32, #tpu.memory_space<hbm>> -> memref<64xf32, #tpu.memory_space<hbm>>
      tpu.enqueue_dma source(%parallel_loop3A_79 : memref<64xf32, #tpu.memory_space<hbm>>) target(%parallel_loop3A_76 : memref<64xf32, #tpu.memory_space<vmem>>) target_semaphore(%arg7 : memref<!tpu.dma_semaphore, #tpu.memory_space<semaphore_mem>>)
      %parallel_loop3A_80 = vector.extract_strided_slice %parallel_loop3A_61 {offsets = [1], sizes = [1], strides = [1]} : vector<16xi32> to vector<1xi32>
      %parallel_loop3A_81 = vector.extract %parallel_loop3A_80[0] : i32 from vector<1xi32>
      %parallel_loop3A_82 = arith.constant 16 : i32
      %parallel_loop3A_83 = arith.muli %parallel_loop3A_56, %parallel_loop3A_82 : i32
      %parallel_loop3A_84 = arith.constant 1 : i32
      %parallel_loop3A_85 = arith.addi %parallel_loop3A_83, %parallel_loop3A_84 : i32
      %parallel_loop3A_86 = arith.constant 0 : i32
      %parallel_loop3A_87 = tpu.memref_slice %arg6[%parallel_loop3A_85, %parallel_loop3A_86] : memref<512x64xf32, #tpu.memory_space<vmem>> -> memref<1x64xf32, #tpu.memory_space<vmem>>
      %parallel_loop3A_88 = tpu.memref_squeeze %parallel_loop3A_87 : memref<1x64xf32, #tpu.memory_space<vmem>> -> memref<64xf32, #tpu.memory_space<vmem>>
      %parallel_loop3A_89 = arith.constant 0 : i32
      %parallel_loop3A_90 = tpu.memref_slice %arg3[%parallel_loop3A_81, %parallel_loop3A_89] : memref<1000001x64xf32, #tpu.memory_space<hbm>> -> memref<1x64xf32, #tpu.memory_space<hbm>>
      %parallel_loop3A_91 = tpu.memref_squeeze %parallel_loop3A_90 : memref<1x64xf32, #tpu.memory_space<hbm>> -> memref<64xf32, #tpu.memory_space<hbm>>
      %parallel_loop3A_92 = arith.constant 0 : i32
      %parallel_loop3A_93 = tpu.memref_slice %arg6[%parallel_loop3A_85, %parallel_loop3A_92] : memref<512x64xf32, #tpu.memory_space<vmem>> -> memref<1x64xf32, #tpu.memory_space<vmem>>
      %parallel_loop3A_94 = tpu.memref_squeeze %parallel_loop3A_93 : memref<1x64xf32, #tpu.memory_space<vmem>> -> memref<64xf32, #tpu.memory_space<vmem>>
      %parallel_loop3A_95 = arith.constant 0 : i32
      %parallel_loop3A_96 = tpu.memref_slice %arg3[%parallel_loop3A_81, %parallel_loop3A_95] : memref<1000001x64xf32, #tpu.memory_space<hbm>> -> memref<1x64xf32, #tpu.memory_space<hbm>>
      %parallel_loop3A_97 = tpu.memref_squeeze %parallel_loop3A_96 : memref<1x64xf32, #tpu.memory_space<hbm>> -> memref<64xf32, #tpu.memory_space<hbm>>
      tpu.enqueue_dma source(%parallel_loop3A_97 : memref<64xf32, #tpu.memory_space<hbm>>) target(%parallel_loop3A_94 : memref<64xf32, #tpu.memory_space<vmem>>) target_semaphore(%arg7 : memref<!tpu.dma_semaphore, #tpu.memory_space<semaphore_mem>>)
      %parallel_loop3A_98 = vector.extract_strided_slice %parallel_loop3A_61 {offsets = [2], sizes = [1], strides = [1]} : vector<16xi32> to vector<1xi32>
      %parallel_loop3A_99 = vector.extract %parallel_loop3A_98[0] : i32 from vector<1xi32>
      %parallel_loop3A_100 = arith.constant 16 : i32
      %parallel_loop3A_101 = arith.muli %parallel_loop3A_56, %parallel_loop3A_100 : i32
      %parallel_loop3A_102 = arith.constant 2 : i32
      %parallel_loop3A_103 = arith.addi %parallel_loop3A_101, %parallel_loop3A_102 : i32
      %parallel_loop3A_104 = arith.constant 0 : i32
      %parallel_loop3A_105 = tpu.memref_slice %arg6[%parallel_loop3A_103, %parallel_loop3A_104] : memref<512x64xf32, #tpu.memory_space<vmem>> -> memref<1x64xf32, #tpu.memory_space<vmem>>
      %parallel_loop3A_106 = tpu.memref_squeeze %parallel_loop3A_105 : memref<1x64xf32, #tpu.memory_space<vmem>> -> memref<64xf32, #tpu.memory_space<vmem>>
      %parallel_loop3A_107 = arith.constant 0 : i32
      %parallel_loop3A_108 = tpu.memref_slice %arg3[%parallel_loop3A_99, %parallel_loop3A_107] : memref<1000001x64xf32, #tpu.memory_space<hbm>> -> memref<1x64xf32, #tpu.memory_space<hbm>>
      %parallel_loop3A_109 = tpu.memref_squeeze %parallel_loop3A_108 : memref<1x64xf32, #tpu.memory_space<hbm>> -> memref<64xf32, #tpu.memory_space<hbm>>
      %parallel_loop3A_110 = arith.constant 0 : i32
      %parallel_loop3A_111 = tpu.memref_slice %arg6[%parallel_loop3A_103, %parallel_loop3A_110] : memref<512x64xf32, #tpu.memory_space<vmem>> -> memref<1x64xf32, #tpu.memory_space<vmem>>
      %parallel_loop3A_112 = tpu.memref_squeeze %parallel_loop3A_111 : memref<1x64xf32, #tpu.memory_space<vmem>> -> memref<64xf32, #tpu.memory_space<vmem>>
      %parallel_loop3A_113 = arith.constant 0 : i32
      %parallel_loop3A_114 = tpu.memref_slice %arg3[%parallel_loop3A_99, %parallel_loop3A_113] : memref<1000001x64xf32, #tpu.memory_space<hbm>> -> memref<1x64xf32, #tpu.memory_space<hbm>>
      %parallel_loop3A_115 = tpu.memref_squeeze %parallel_loop3A_114 : memref<1x64xf32, #tpu.memory_space<hbm>> -> memref<64xf32, #tpu.memory_space<hbm>>
      tpu.enqueue_dma source(%parallel_loop3A_115 : memref<64xf32, #tpu.memory_space<hbm>>) target(%parallel_loop3A_112 : memref<64xf32, #tpu.memory_space<vmem>>) target_semaphore(%arg7 : memref<!tpu.dma_semaphore, #tpu.memory_space<semaphore_mem>>)
      %parallel_loop3A_116 = vector.extract_strided_slice %parallel_loop3A_61 {offsets = [3], sizes = [1], strides = [1]} : vector<16xi32> to vector<1xi32>
      %parallel_loop3A_117 = vector.extract %parallel_loop3A_116[0] : i32 from vector<1xi32>
      %parallel_loop3A_118 = arith.constant 16 : i32
      %parallel_loop3A_119 = arith.muli %parallel_loop3A_56, %parallel_loop3A_118 : i32
      %parallel_loop3A_120 = arith.constant 3 : i32
      %parallel_loop3A_121 = arith.addi %parallel_loop3A_119, %parallel_loop3A_120 : i32
      %parallel_loop3A_122 = arith.constant 0 : i32
      %parallel_loop3A_123 = tpu.memref_slice %arg6[%parallel_loop3A_121, %parallel_loop3A_122] : memref<512x64xf32, #tpu.memory_space<vmem>> -> memref<1x64xf32, #tpu.memory_space<vmem>>
      %parallel_loop3A_124 = tpu.memref_squeeze %parallel_loop3A_123 : memref<1x64xf32, #tpu.memory_space<vmem>> -> memref<64xf32, #tpu.memory_space<vmem>>
      %parallel_loop3A_125 = arith.constant 0 : i32
      %parallel_loop3A_126 = tpu.memref_slice %arg3[%parallel_loop3A_117, %parallel_loop3A_125] : memref<1000001x64xf32, #tpu.memory_space<hbm>> -> memref<1x64xf32, #tpu.memory_space<hbm>>
      %parallel_loop3A_127 = tpu.memref_squeeze %parallel_loop3A_126 : memref<1x64xf32, #tpu.memory_space<hbm>> -> memref<64xf32, #tpu.memory_space<hbm>>
      %parallel_loop3A_128 = arith.constant 0 : i32
      %parallel_loop3A_129 = tpu.memref_slice %arg6[%parallel_loop3A_121, %parallel_loop3A_128] : memref<512x64xf32, #tpu.memory_space<vmem>> -> memref<1x64xf32, #tpu.memory_space<vmem>>
      %parallel_loop3A_130 = tpu.memref_squeeze %parallel_loop3A_129 : memref<1x64xf32, #tpu.memory_space<vmem>> -> memref<64xf32, #tpu.memory_space<vmem>>
      %parallel_loop3A_131 = arith.constant 0 : i32
      %parallel_loop3A_132 = tpu.memref_slice %arg3[%parallel_loop3A_117, %parallel_loop3A_131] : memref<1000001x64xf32, #tpu.memory_space<hbm>> -> memref<1x64xf32, #tpu.memory_space<hbm>>
      %parallel_loop3A_133 = tpu.memref_squeeze %parallel_loop3A_132 : memref<1x64xf32, #tpu.memory_space<hbm>> -> memref<64xf32, #tpu.memory_space<hbm>>
      tpu.enqueue_dma source(%parallel_loop3A_133 : memref<64xf32, #tpu.memory_space<hbm>>) target(%parallel_loop3A_130 : memref<64xf32, #tpu.memory_space<vmem>>) target_semaphore(%arg7 : memref<!tpu.dma_semaphore, #tpu.memory_space<semaphore_mem>>)
      %parallel_loop3A_134 = vector.extract_strided_slice %parallel_loop3A_61 {offsets = [4], sizes = [1], strides = [1]} : vector<16xi32> to vector<1xi32>
      %parallel_loop3A_135 = vector.extract %parallel_loop3A_134[0] : i32 from vector<1xi32>
      %parallel_loop3A_136 = arith.constant 16 : i32
      %parallel_loop3A_137 = arith.muli %parallel_loop3A_56, %parallel_loop3A_136 : i32
      %parallel_loop3A_138 = arith.constant 4 : i32
      %parallel_loop3A_139 = arith.addi %parallel_loop3A_137, %parallel_loop3A_138 : i32
      %parallel_loop3A_140 = arith.constant 0 : i32
      %parallel_loop3A_141 = tpu.memref_slice %arg6[%parallel_loop3A_139, %parallel_loop3A_140] : memref<512x64xf32, #tpu.memory_space<vmem>> -> memref<1x64xf32, #tpu.memory_space<vmem>>
      %parallel_loop3A_142 = tpu.memref_squeeze %parallel_loop3A_141 : memref<1x64xf32, #tpu.memory_space<vmem>> -> memref<64xf32, #tpu.memory_space<vmem>>
      %parallel_loop3A_143 = arith.constant 0 : i32
      %parallel_loop3A_144 = tpu.memref_slice %arg3[%parallel_loop3A_135, %parallel_loop3A_143] : memref<1000001x64xf32, #tpu.memory_space<hbm>> -> memref<1x64xf32, #tpu.memory_space<hbm>>
      %parallel_loop3A_145 = tpu.memref_squeeze %parallel_loop3A_144 : memref<1x64xf32, #tpu.memory_space<hbm>> -> memref<64xf32, #tpu.memory_space<hbm>>
      %parallel_loop3A_146 = arith.constant 0 : i32
      %parallel_loop3A_147 = tpu.memref_slice %arg6[%parallel_loop3A_139, %parallel_loop3A_146] : memref<512x64xf32, #tpu.memory_space<vmem>> -> memref<1x64xf32, #tpu.memory_space<vmem>>
      %parallel_loop3A_148 = tpu.memref_squeeze %parallel_loop3A_147 : memref<1x64xf32, #tpu.memory_space<vmem>> -> memref<64xf32, #tpu.memory_space<vmem>>
      %parallel_loop3A_149 = arith.constant 0 : i32
      %parallel_loop3A_150 = tpu.memref_slice %arg3[%parallel_loop3A_135, %parallel_loop3A_149] : memref<1000001x64xf32, #tpu.memory_space<hbm>> -> memref<1x64xf32, #tpu.memory_space<hbm>>
      %parallel_loop3A_151 = tpu.memref_squeeze %parallel_loop3A_150 : memref<1x64xf32, #tpu.memory_space<hbm>> -> memref<64xf32, #tpu.memory_space<hbm>>
      tpu.enqueue_dma source(%parallel_loop3A_151 : memref<64xf32, #tpu.memory_space<hbm>>) target(%parallel_loop3A_148 : memref<64xf32, #tpu.memory_space<vmem>>) target_semaphore(%arg7 : memref<!tpu.dma_semaphore, #tpu.memory_space<semaphore_mem>>)
      %parallel_loop3A_152 = vector.extract_strided_slice %parallel_loop3A_61 {offsets = [5], sizes = [1], strides = [1]} : vector<16xi32> to vector<1xi32>
      %parallel_loop3A_153 = vector.extract %parallel_loop3A_152[0] : i32 from vector<1xi32>
      %parallel_loop3A_154 = arith.constant 16 : i32
      %parallel_loop3A_155 = arith.muli %parallel_loop3A_56, %parallel_loop3A_154 : i32
      %parallel_loop3A_156 = arith.constant 5 : i32
      %parallel_loop3A_157 = arith.addi %parallel_loop3A_155, %parallel_loop3A_156 : i32
      %parallel_loop3A_158 = arith.constant 0 : i32
      %parallel_loop3A_159 = tpu.memref_slice %arg6[%parallel_loop3A_157, %parallel_loop3A_158] : memref<512x64xf32, #tpu.memory_space<vmem>> -> memref<1x64xf32, #tpu.memory_space<vmem>>
      %parallel_loop3A_160 = tpu.memref_squeeze %parallel_loop3A_159 : memref<1x64xf32, #tpu.memory_space<vmem>> -> memref<64xf32, #tpu.memory_space<vmem>>
      %parallel_loop3A_161 = arith.constant 0 : i32
      %parallel_loop3A_162 = tpu.memref_slice %arg3[%parallel_loop3A_153, %parallel_loop3A_161] : memref<1000001x64xf32, #tpu.memory_space<hbm>> -> memref<1x64xf32, #tpu.memory_space<hbm>>
      %parallel_loop3A_163 = tpu.memref_squeeze %parallel_loop3A_162 : memref<1x64xf32, #tpu.memory_space<hbm>> -> memref<64xf32, #tpu.memory_space<hbm>>
      %parallel_loop3A_164 = arith.constant 0 : i32
      %parallel_loop3A_165 = tpu.memref_slice %arg6[%parallel_loop3A_157, %parallel_loop3A_164] : memref<512x64xf32, #tpu.memory_space<vmem>> -> memref<1x64xf32, #tpu.memory_space<vmem>>
      %parallel_loop3A_166 = tpu.memref_squeeze %parallel_loop3A_165 : memref<1x64xf32, #tpu.memory_space<vmem>> -> memref<64xf32, #tpu.memory_space<vmem>>
      %parallel_loop3A_167 = arith.constant 0 : i32
      %parallel_loop3A_168 = tpu.memref_slice %arg3[%parallel_loop3A_153, %parallel_loop3A_167] : memref<1000001x64xf32, #tpu.memory_space<hbm>> -> memref<1x64xf32, #tpu.memory_space<hbm>>
      %parallel_loop3A_169 = tpu.memref_squeeze %parallel_loop3A_168 : memref<1x64xf32, #tpu.memory_space<hbm>> -> memref<64xf32, #tpu.memory_space<hbm>>
      tpu.enqueue_dma source(%parallel_loop3A_169 : memref<64xf32, #tpu.memory_space<hbm>>) target(%parallel_loop3A_166 : memref<64xf32, #tpu.memory_space<vmem>>) target_semaphore(%arg7 : memref<!tpu.dma_semaphore, #tpu.memory_space<semaphore_mem>>)
      %parallel_loop3A_170 = vector.extract_strided_slice %parallel_loop3A_61 {offsets = [6], sizes = [1], strides = [1]} : vector<16xi32> to vector<1xi32>
      %parallel_loop3A_171 = vector.extract %parallel_loop3A_170[0] : i32 from vector<1xi32>
      %parallel_loop3A_172 = arith.constant 16 : i32
      %parallel_loop3A_173 = arith.muli %parallel_loop3A_56, %parallel_loop3A_172 : i32
      %parallel_loop3A_174 = arith.constant 6 : i32
      %parallel_loop3A_175 = arith.addi %parallel_loop3A_173, %parallel_loop3A_174 : i32
      %parallel_loop3A_176 = arith.constant 0 : i32
      %parallel_loop3A_177 = tpu.memref_slice %arg6[%parallel_loop3A_175, %parallel_loop3A_176] : memref<512x64xf32, #tpu.memory_space<vmem>> -> memref<1x64xf32, #tpu.memory_space<vmem>>
      %parallel_loop3A_178 = tpu.memref_squeeze %parallel_loop3A_177 : memref<1x64xf32, #tpu.memory_space<vmem>> -> memref<64xf32, #tpu.memory_space<vmem>>
      %parallel_loop3A_179 = arith.constant 0 : i32
      %parallel_loop3A_180 = tpu.memref_slice %arg3[%parallel_loop3A_171, %parallel_loop3A_179] : memref<1000001x64xf32, #tpu.memory_space<hbm>> -> memref<1x64xf32, #tpu.memory_space<hbm>>
      %parallel_loop3A_181 = tpu.memref_squeeze %parallel_loop3A_180 : memref<1x64xf32, #tpu.memory_space<hbm>> -> memref<64xf32, #tpu.memory_space<hbm>>
      %parallel_loop3A_182 = arith.constant 0 : i32
      %parallel_loop3A_183 = tpu.memref_slice %arg6[%parallel_loop3A_175, %parallel_loop3A_182] : memref<512x64xf32, #tpu.memory_space<vmem>> -> memref<1x64xf32, #tpu.memory_space<vmem>>
      %parallel_loop3A_184 = tpu.memref_squeeze %parallel_loop3A_183 : memref<1x64xf32, #tpu.memory_space<vmem>> -> memref<64xf32, #tpu.memory_space<vmem>>
      %parallel_loop3A_185 = arith.constant 0 : i32
      %parallel_loop3A_186 = tpu.memref_slice %arg3[%parallel_loop3A_171, %parallel_loop3A_185] : memref<1000001x64xf32, #tpu.memory_space<hbm>> -> memref<1x64xf32, #tpu.memory_space<hbm>>
      %parallel_loop3A_187 = tpu.memref_squeeze %parallel_loop3A_186 : memref<1x64xf32, #tpu.memory_space<hbm>> -> memref<64xf32, #tpu.memory_space<hbm>>
      tpu.enqueue_dma source(%parallel_loop3A_187 : memref<64xf32, #tpu.memory_space<hbm>>) target(%parallel_loop3A_184 : memref<64xf32, #tpu.memory_space<vmem>>) target_semaphore(%arg7 : memref<!tpu.dma_semaphore, #tpu.memory_space<semaphore_mem>>)
      %parallel_loop3A_188 = vector.extract_strided_slice %parallel_loop3A_61 {offsets = [7], sizes = [1], strides = [1]} : vector<16xi32> to vector<1xi32>
      %parallel_loop3A_189 = vector.extract %parallel_loop3A_188[0] : i32 from vector<1xi32>
      %parallel_loop3A_190 = arith.constant 16 : i32
      %parallel_loop3A_191 = arith.muli %parallel_loop3A_56, %parallel_loop3A_190 : i32
      %parallel_loop3A_192 = arith.constant 7 : i32
      %parallel_loop3A_193 = arith.addi %parallel_loop3A_191, %parallel_loop3A_192 : i32
      %parallel_loop3A_194 = arith.constant 0 : i32
      %parallel_loop3A_195 = tpu.memref_slice %arg6[%parallel_loop3A_193, %parallel_loop3A_194] : memref<512x64xf32, #tpu.memory_space<vmem>> -> memref<1x64xf32, #tpu.memory_space<vmem>>
      %parallel_loop3A_196 = tpu.memref_squeeze %parallel_loop3A_195 : memref<1x64xf32, #tpu.memory_space<vmem>> -> memref<64xf32, #tpu.memory_space<vmem>>
      %parallel_loop3A_197 = arith.constant 0 : i32
      %parallel_loop3A_198 = tpu.memref_slice %arg3[%parallel_loop3A_189, %parallel_loop3A_197] : memref<1000001x64xf32, #tpu.memory_space<hbm>> -> memref<1x64xf32, #tpu.memory_space<hbm>>
      %parallel_loop3A_199 = tpu.memref_squeeze %parallel_loop3A_198 : memref<1x64xf32, #tpu.memory_space<hbm>> -> memref<64xf32, #tpu.memory_space<hbm>>
      %parallel_loop3A_200 = arith.constant 0 : i32
      %parallel_loop3A_201 = tpu.memref_slice %arg6[%parallel_loop3A_193, %parallel_loop3A_200] : memref<512x64xf32, #tpu.memory_space<vmem>> -> memref<1x64xf32, #tpu.memory_space<vmem>>
      %parallel_loop3A_202 = tpu.memref_squeeze %parallel_loop3A_201 : memref<1x64xf32, #tpu.memory_space<vmem>> -> memref<64xf32, #tpu.memory_space<vmem>>
      %parallel_loop3A_203 = arith.constant 0 : i32
      %parallel_loop3A_204 = tpu.memref_slice %arg3[%parallel_loop3A_189, %parallel_loop3A_203] : memref<1000001x64xf32, #tpu.memory_space<hbm>> -> memref<1x64xf32, #tpu.memory_space<hbm>>
      %parallel_loop3A_205 = tpu.memref_squeeze %parallel_loop3A_204 : memref<1x64xf32, #tpu.memory_space<hbm>> -> memref<64xf32, #tpu.memory_space<hbm>>
      tpu.enqueue_dma source(%parallel_loop3A_205 : memref<64xf32, #tpu.memory_space<hbm>>) target(%parallel_loop3A_202 : memref<64xf32, #tpu.memory_space<vmem>>) target_semaphore(%arg7 : memref<!tpu.dma_semaphore, #tpu.memory_space<semaphore_mem>>)
      %parallel_loop3A_206 = vector.extract_strided_slice %parallel_loop3A_61 {offsets = [8], sizes = [1], strides = [1]} : vector<16xi32> to vector<1xi32>
      %parallel_loop3A_207 = vector.extract %parallel_loop3A_206[0] : i32 from vector<1xi32>
      %parallel_loop3A_208 = arith.constant 16 : i32
      %parallel_loop3A_209 = arith.muli %parallel_loop3A_56, %parallel_loop3A_208 : i32
      %parallel_loop3A_210 = arith.constant 8 : i32
      %parallel_loop3A_211 = arith.addi %parallel_loop3A_209, %parallel_loop3A_210 : i32
      %parallel_loop3A_212 = arith.constant 0 : i32
      %parallel_loop3A_213 = tpu.memref_slice %arg6[%parallel_loop3A_211, %parallel_loop3A_212] : memref<512x64xf32, #tpu.memory_space<vmem>> -> memref<1x64xf32, #tpu.memory_space<vmem>>
      %parallel_loop3A_214 = tpu.memref_squeeze %parallel_loop3A_213 : memref<1x64xf32, #tpu.memory_space<vmem>> -> memref<64xf32, #tpu.memory_space<vmem>>
      %parallel_loop3A_215 = arith.constant 0 : i32
      %parallel_loop3A_216 = tpu.memref_slice %arg3[%parallel_loop3A_207, %parallel_loop3A_215] : memref<1000001x64xf32, #tpu.memory_space<hbm>> -> memref<1x64xf32, #tpu.memory_space<hbm>>
      %parallel_loop3A_217 = tpu.memref_squeeze %parallel_loop3A_216 : memref<1x64xf32, #tpu.memory_space<hbm>> -> memref<64xf32, #tpu.memory_space<hbm>>
      %parallel_loop3A_218 = arith.constant 0 : i32
      %parallel_loop3A_219 = tpu.memref_slice %arg6[%parallel_loop3A_211, %parallel_loop3A_218] : memref<512x64xf32, #tpu.memory_space<vmem>> -> memref<1x64xf32, #tpu.memory_space<vmem>>
      %parallel_loop3A_220 = tpu.memref_squeeze %parallel_loop3A_219 : memref<1x64xf32, #tpu.memory_space<vmem>> -> memref<64xf32, #tpu.memory_space<vmem>>
      %parallel_loop3A_221 = arith.constant 0 : i32
      %parallel_loop3A_222 = tpu.memref_slice %arg3[%parallel_loop3A_207, %parallel_loop3A_221] : memref<1000001x64xf32, #tpu.memory_space<hbm>> -> memref<1x64xf32, #tpu.memory_space<hbm>>
      %parallel_loop3A_223 = tpu.memref_squeeze %parallel_loop3A_222 : memref<1x64xf32, #tpu.memory_space<hbm>> -> memref<64xf32, #tpu.memory_space<hbm>>
      tpu.enqueue_dma source(%parallel_loop3A_223 : memref<64xf32, #tpu.memory_space<hbm>>) target(%parallel_loop3A_220 : memref<64xf32, #tpu.memory_space<vmem>>) target_semaphore(%arg7 : memref<!tpu.dma_semaphore, #tpu.memory_space<semaphore_mem>>)
      %parallel_loop3A_224 = vector.extract_strided_slice %parallel_loop3A_61 {offsets = [9], sizes = [1], strides = [1]} : vector<16xi32> to vector<1xi32>
      %parallel_loop3A_225 = vector.extract %parallel_loop3A_224[0] : i32 from vector<1xi32>
      %parallel_loop3A_226 = arith.constant 16 : i32
      %parallel_loop3A_227 = arith.muli %parallel_loop3A_56, %parallel_loop3A_226 : i32
      %parallel_loop3A_228 = arith.constant 9 : i32
      %parallel_loop3A_229 = arith.addi %parallel_loop3A_227, %parallel_loop3A_228 : i32
      %parallel_loop3A_230 = arith.constant 0 : i32
      %parallel_loop3A_231 = tpu.memref_slice %arg6[%parallel_loop3A_229, %parallel_loop3A_230] : memref<512x64xf32, #tpu.memory_space<vmem>> -> memref<1x64xf32, #tpu.memory_space<vmem>>
      %parallel_loop3A_232 = tpu.memref_squeeze %parallel_loop3A_231 : memref<1x64xf32, #tpu.memory_space<vmem>> -> memref<64xf32, #tpu.memory_space<vmem>>
      %parallel_loop3A_233 = arith.constant 0 : i32
      %parallel_loop3A_234 = tpu.memref_slice %arg3[%parallel_loop3A_225, %parallel_loop3A_233] : memref<1000001x64xf32, #tpu.memory_space<hbm>> -> memref<1x64xf32, #tpu.memory_space<hbm>>
      %parallel_loop3A_235 = tpu.memref_squeeze %parallel_loop3A_234 : memref<1x64xf32, #tpu.memory_space<hbm>> -> memref<64xf32, #tpu.memory_space<hbm>>
      %parallel_loop3A_236 = arith.constant 0 : i32
      %parallel_loop3A_237 = tpu.memref_slice %arg6[%parallel_loop3A_229, %parallel_loop3A_236] : memref<512x64xf32, #tpu.memory_space<vmem>> -> memref<1x64xf32, #tpu.memory_space<vmem>>
      %parallel_loop3A_238 = tpu.memref_squeeze %parallel_loop3A_237 : memref<1x64xf32, #tpu.memory_space<vmem>> -> memref<64xf32, #tpu.memory_space<vmem>>
      %parallel_loop3A_239 = arith.constant 0 : i32
      %parallel_loop3A_240 = tpu.memref_slice %arg3[%parallel_loop3A_225, %parallel_loop3A_239] : memref<1000001x64xf32, #tpu.memory_space<hbm>> -> memref<1x64xf32, #tpu.memory_space<hbm>>
      %parallel_loop3A_241 = tpu.memref_squeeze %parallel_loop3A_240 : memref<1x64xf32, #tpu.memory_space<hbm>> -> memref<64xf32, #tpu.memory_space<hbm>>
      tpu.enqueue_dma source(%parallel_loop3A_241 : memref<64xf32, #tpu.memory_space<hbm>>) target(%parallel_loop3A_238 : memref<64xf32, #tpu.memory_space<vmem>>) target_semaphore(%arg7 : memref<!tpu.dma_semaphore, #tpu.memory_space<semaphore_mem>>)
      %parallel_loop3A_242 = vector.extract_strided_slice %parallel_loop3A_61 {offsets = [10], sizes = [1], strides = [1]} : vector<16xi32> to vector<1xi32>
      %parallel_loop3A_243 = vector.extract %parallel_loop3A_242[0] : i32 from vector<1xi32>
      %parallel_loop3A_244 = arith.constant 16 : i32
      %parallel_loop3A_245 = arith.muli %parallel_loop3A_56, %parallel_loop3A_244 : i32
      %parallel_loop3A_246 = arith.constant 10 : i32
      %parallel_loop3A_247 = arith.addi %parallel_loop3A_245, %parallel_loop3A_246 : i32
      %parallel_loop3A_248 = arith.constant 0 : i32
      %parallel_loop3A_249 = tpu.memref_slice %arg6[%parallel_loop3A_247, %parallel_loop3A_248] : memref<512x64xf32, #tpu.memory_space<vmem>> -> memref<1x64xf32, #tpu.memory_space<vmem>>
      %parallel_loop3A_250 = tpu.memref_squeeze %parallel_loop3A_249 : memref<1x64xf32, #tpu.memory_space<vmem>> -> memref<64xf32, #tpu.memory_space<vmem>>
      %parallel_loop3A_251 = arith.constant 0 : i32
      %parallel_loop3A_252 = tpu.memref_slice %arg3[%parallel_loop3A_243, %parallel_loop3A_251] : memref<1000001x64xf32, #tpu.memory_space<hbm>> -> memref<1x64xf32, #tpu.memory_space<hbm>>
      %parallel_loop3A_253 = tpu.memref_squeeze %parallel_loop3A_252 : memref<1x64xf32, #tpu.memory_space<hbm>> -> memref<64xf32, #tpu.memory_space<hbm>>
      %parallel_loop3A_254 = arith.constant 0 : i32
      %parallel_loop3A_255 = tpu.memref_slice %arg6[%parallel_loop3A_247, %parallel_loop3A_254] : memref<512x64xf32, #tpu.memory_space<vmem>> -> memref<1x64xf32, #tpu.memory_space<vmem>>
      %parallel_loop3A_256 = tpu.memref_squeeze %parallel_loop3A_255 : memref<1x64xf32, #tpu.memory_space<vmem>> -> memref<64xf32, #tpu.memory_space<vmem>>
      %parallel_loop3A_257 = arith.constant 0 : i32
      %parallel_loop3A_258 = tpu.memref_slice %arg3[%parallel_loop3A_243, %parallel_loop3A_257] : memref<1000001x64xf32, #tpu.memory_space<hbm>> -> memref<1x64xf32, #tpu.memory_space<hbm>>
      %parallel_loop3A_259 = tpu.memref_squeeze %parallel_loop3A_258 : memref<1x64xf32, #tpu.memory_space<hbm>> -> memref<64xf32, #tpu.memory_space<hbm>>
      tpu.enqueue_dma source(%parallel_loop3A_259 : memref<64xf32, #tpu.memory_space<hbm>>) target(%parallel_loop3A_256 : memref<64xf32, #tpu.memory_space<vmem>>) target_semaphore(%arg7 : memref<!tpu.dma_semaphore, #tpu.memory_space<semaphore_mem>>)
      %parallel_loop3A_260 = vector.extract_strided_slice %parallel_loop3A_61 {offsets = [11], sizes = [1], strides = [1]} : vector<16xi32> to vector<1xi32>
      %parallel_loop3A_261 = vector.extract %parallel_loop3A_260[0] : i32 from vector<1xi32>
      %parallel_loop3A_262 = arith.constant 16 : i32
      %parallel_loop3A_263 = arith.muli %parallel_loop3A_56, %parallel_loop3A_262 : i32
      %parallel_loop3A_264 = arith.constant 11 : i32
      %parallel_loop3A_265 = arith.addi %parallel_loop3A_263, %parallel_loop3A_264 : i32
      %parallel_loop3A_266 = arith.constant 0 : i32
      %parallel_loop3A_267 = tpu.memref_slice %arg6[%parallel_loop3A_265, %parallel_loop3A_266] : memref<512x64xf32, #tpu.memory_space<vmem>> -> memref<1x64xf32, #tpu.memory_space<vmem>>
      %parallel_loop3A_268 = tpu.memref_squeeze %parallel_loop3A_267 : memref<1x64xf32, #tpu.memory_space<vmem>> -> memref<64xf32, #tpu.memory_space<vmem>>
      %parallel_loop3A_269 = arith.constant 0 : i32
      %parallel_loop3A_270 = tpu.memref_slice %arg3[%parallel_loop3A_261, %parallel_loop3A_269] : memref<1000001x64xf32, #tpu.memory_space<hbm>> -> memref<1x64xf32, #tpu.memory_space<hbm>>
      %parallel_loop3A_271 = tpu.memref_squeeze %parallel_loop3A_270 : memref<1x64xf32, #tpu.memory_space<hbm>> -> memref<64xf32, #tpu.memory_space<hbm>>
      %parallel_loop3A_272 = arith.constant 0 : i32
      %parallel_loop3A_273 = tpu.memref_slice %arg6[%parallel_loop3A_265, %parallel_loop3A_272] : memref<512x64xf32, #tpu.memory_space<vmem>> -> memref<1x64xf32, #tpu.memory_space<vmem>>
      %parallel_loop3A_274 = tpu.memref_squeeze %parallel_loop3A_273 : memref<1x64xf32, #tpu.memory_space<vmem>> -> memref<64xf32, #tpu.memory_space<vmem>>
      %parallel_loop3A_275 = arith.constant 0 : i32
      %parallel_loop3A_276 = tpu.memref_slice %arg3[%parallel_loop3A_261, %parallel_loop3A_275] : memref<1000001x64xf32, #tpu.memory_space<hbm>> -> memref<1x64xf32, #tpu.memory_space<hbm>>
      %parallel_loop3A_277 = tpu.memref_squeeze %parallel_loop3A_276 : memref<1x64xf32, #tpu.memory_space<hbm>> -> memref<64xf32, #tpu.memory_space<hbm>>
      tpu.enqueue_dma source(%parallel_loop3A_277 : memref<64xf32, #tpu.memory_space<hbm>>) target(%parallel_loop3A_274 : memref<64xf32, #tpu.memory_space<vmem>>) target_semaphore(%arg7 : memref<!tpu.dma_semaphore, #tpu.memory_space<semaphore_mem>>)
      %parallel_loop3A_278 = vector.extract_strided_slice %parallel_loop3A_61 {offsets = [12], sizes = [1], strides = [1]} : vector<16xi32> to vector<1xi32>
      %parallel_loop3A_279 = vector.extract %parallel_loop3A_278[0] : i32 from vector<1xi32>
      %parallel_loop3A_280 = arith.constant 16 : i32
      %parallel_loop3A_281 = arith.muli %parallel_loop3A_56, %parallel_loop3A_280 : i32
      %parallel_loop3A_282 = arith.constant 12 : i32
      %parallel_loop3A_283 = arith.addi %parallel_loop3A_281, %parallel_loop3A_282 : i32
      %parallel_loop3A_284 = arith.constant 0 : i32
      %parallel_loop3A_285 = tpu.memref_slice %arg6[%parallel_loop3A_283, %parallel_loop3A_284] : memref<512x64xf32, #tpu.memory_space<vmem>> -> memref<1x64xf32, #tpu.memory_space<vmem>>
      %parallel_loop3A_286 = tpu.memref_squeeze %parallel_loop3A_285 : memref<1x64xf32, #tpu.memory_space<vmem>> -> memref<64xf32, #tpu.memory_space<vmem>>
      %parallel_loop3A_287 = arith.constant 0 : i32
      %parallel_loop3A_288 = tpu.memref_slice %arg3[%parallel_loop3A_279, %parallel_loop3A_287] : memref<1000001x64xf32, #tpu.memory_space<hbm>> -> memref<1x64xf32, #tpu.memory_space<hbm>>
      %parallel_loop3A_289 = tpu.memref_squeeze %parallel_loop3A_288 : memref<1x64xf32, #tpu.memory_space<hbm>> -> memref<64xf32, #tpu.memory_space<hbm>>
      %parallel_loop3A_290 = arith.constant 0 : i32
      %parallel_loop3A_291 = tpu.memref_slice %arg6[%parallel_loop3A_283, %parallel_loop3A_290] : memref<512x64xf32, #tpu.memory_space<vmem>> -> memref<1x64xf32, #tpu.memory_space<vmem>>
      %parallel_loop3A_292 = tpu.memref_squeeze %parallel_loop3A_291 : memref<1x64xf32, #tpu.memory_space<vmem>> -> memref<64xf32, #tpu.memory_space<vmem>>
      %parallel_loop3A_293 = arith.constant 0 : i32
      %parallel_loop3A_294 = tpu.memref_slice %arg3[%parallel_loop3A_279, %parallel_loop3A_293] : memref<1000001x64xf32, #tpu.memory_space<hbm>> -> memref<1x64xf32, #tpu.memory_space<hbm>>
      %parallel_loop3A_295 = tpu.memref_squeeze %parallel_loop3A_294 : memref<1x64xf32, #tpu.memory_space<hbm>> -> memref<64xf32, #tpu.memory_space<hbm>>
      tpu.enqueue_dma source(%parallel_loop3A_295 : memref<64xf32, #tpu.memory_space<hbm>>) target(%parallel_loop3A_292 : memref<64xf32, #tpu.memory_space<vmem>>) target_semaphore(%arg7 : memref<!tpu.dma_semaphore, #tpu.memory_space<semaphore_mem>>)
      %parallel_loop3A_296 = vector.extract_strided_slice %parallel_loop3A_61 {offsets = [13], sizes = [1], strides = [1]} : vector<16xi32> to vector<1xi32>
      %parallel_loop3A_297 = vector.extract %parallel_loop3A_296[0] : i32 from vector<1xi32>
      %parallel_loop3A_298 = arith.constant 16 : i32
      %parallel_loop3A_299 = arith.muli %parallel_loop3A_56, %parallel_loop3A_298 : i32
      %parallel_loop3A_300 = arith.constant 13 : i32
      %parallel_loop3A_301 = arith.addi %parallel_loop3A_299, %parallel_loop3A_300 : i32
      %parallel_loop3A_302 = arith.constant 0 : i32
      %parallel_loop3A_303 = tpu.memref_slice %arg6[%parallel_loop3A_301, %parallel_loop3A_302] : memref<512x64xf32, #tpu.memory_space<vmem>> -> memref<1x64xf32, #tpu.memory_space<vmem>>
      %parallel_loop3A_304 = tpu.memref_squeeze %parallel_loop3A_303 : memref<1x64xf32, #tpu.memory_space<vmem>> -> memref<64xf32, #tpu.memory_space<vmem>>
      %parallel_loop3A_305 = arith.constant 0 : i32
      %parallel_loop3A_306 = tpu.memref_slice %arg3[%parallel_loop3A_297, %parallel_loop3A_305] : memref<1000001x64xf32, #tpu.memory_space<hbm>> -> memref<1x64xf32, #tpu.memory_space<hbm>>
      %parallel_loop3A_307 = tpu.memref_squeeze %parallel_loop3A_306 : memref<1x64xf32, #tpu.memory_space<hbm>> -> memref<64xf32, #tpu.memory_space<hbm>>
      %parallel_loop3A_308 = arith.constant 0 : i32
      %parallel_loop3A_309 = tpu.memref_slice %arg6[%parallel_loop3A_301, %parallel_loop3A_308] : memref<512x64xf32, #tpu.memory_space<vmem>> -> memref<1x64xf32, #tpu.memory_space<vmem>>
      %parallel_loop3A_310 = tpu.memref_squeeze %parallel_loop3A_309 : memref<1x64xf32, #tpu.memory_space<vmem>> -> memref<64xf32, #tpu.memory_space<vmem>>
      %parallel_loop3A_311 = arith.constant 0 : i32
      %parallel_loop3A_312 = tpu.memref_slice %arg3[%parallel_loop3A_297, %parallel_loop3A_311] : memref<1000001x64xf32, #tpu.memory_space<hbm>> -> memref<1x64xf32, #tpu.memory_space<hbm>>
      %parallel_loop3A_313 = tpu.memref_squeeze %parallel_loop3A_312 : memref<1x64xf32, #tpu.memory_space<hbm>> -> memref<64xf32, #tpu.memory_space<hbm>>
      tpu.enqueue_dma source(%parallel_loop3A_313 : memref<64xf32, #tpu.memory_space<hbm>>) target(%parallel_loop3A_310 : memref<64xf32, #tpu.memory_space<vmem>>) target_semaphore(%arg7 : memref<!tpu.dma_semaphore, #tpu.memory_space<semaphore_mem>>)
      %parallel_loop3A_314 = vector.extract_strided_slice %parallel_loop3A_61 {offsets = [14], sizes = [1], strides = [1]} : vector<16xi32> to vector<1xi32>
      %parallel_loop3A_315 = vector.extract %parallel_loop3A_314[0] : i32 from vector<1xi32>
      %parallel_loop3A_316 = arith.constant 16 : i32
      %parallel_loop3A_317 = arith.muli %parallel_loop3A_56, %parallel_loop3A_316 : i32
      %parallel_loop3A_318 = arith.constant 14 : i32
      %parallel_loop3A_319 = arith.addi %parallel_loop3A_317, %parallel_loop3A_318 : i32
      %parallel_loop3A_320 = arith.constant 0 : i32
      %parallel_loop3A_321 = tpu.memref_slice %arg6[%parallel_loop3A_319, %parallel_loop3A_320] : memref<512x64xf32, #tpu.memory_space<vmem>> -> memref<1x64xf32, #tpu.memory_space<vmem>>
      %parallel_loop3A_322 = tpu.memref_squeeze %parallel_loop3A_321 : memref<1x64xf32, #tpu.memory_space<vmem>> -> memref<64xf32, #tpu.memory_space<vmem>>
      %parallel_loop3A_323 = arith.constant 0 : i32
      %parallel_loop3A_324 = tpu.memref_slice %arg3[%parallel_loop3A_315, %parallel_loop3A_323] : memref<1000001x64xf32, #tpu.memory_space<hbm>> -> memref<1x64xf32, #tpu.memory_space<hbm>>
      %parallel_loop3A_325 = tpu.memref_squeeze %parallel_loop3A_324 : memref<1x64xf32, #tpu.memory_space<hbm>> -> memref<64xf32, #tpu.memory_space<hbm>>
      %parallel_loop3A_326 = arith.constant 0 : i32
      %parallel_loop3A_327 = tpu.memref_slice %arg6[%parallel_loop3A_319, %parallel_loop3A_326] : memref<512x64xf32, #tpu.memory_space<vmem>> -> memref<1x64xf32, #tpu.memory_space<vmem>>
      %parallel_loop3A_328 = tpu.memref_squeeze %parallel_loop3A_327 : memref<1x64xf32, #tpu.memory_space<vmem>> -> memref<64xf32, #tpu.memory_space<vmem>>
      %parallel_loop3A_329 = arith.constant 0 : i32
      %parallel_loop3A_330 = tpu.memref_slice %arg3[%parallel_loop3A_315, %parallel_loop3A_329] : memref<1000001x64xf32, #tpu.memory_space<hbm>> -> memref<1x64xf32, #tpu.memory_space<hbm>>
      %parallel_loop3A_331 = tpu.memref_squeeze %parallel_loop3A_330 : memref<1x64xf32, #tpu.memory_space<hbm>> -> memref<64xf32, #tpu.memory_space<hbm>>
      tpu.enqueue_dma source(%parallel_loop3A_331 : memref<64xf32, #tpu.memory_space<hbm>>) target(%parallel_loop3A_328 : memref<64xf32, #tpu.memory_space<vmem>>) target_semaphore(%arg7 : memref<!tpu.dma_semaphore, #tpu.memory_space<semaphore_mem>>)
      %parallel_loop3A_332 = vector.extract_strided_slice %parallel_loop3A_61 {offsets = [15], sizes = [1], strides = [1]} : vector<16xi32> to vector<1xi32>
      %parallel_loop3A_333 = vector.extract %parallel_loop3A_332[0] : i32 from vector<1xi32>
      %parallel_loop3A_334 = arith.constant 16 : i32
      %parallel_loop3A_335 = arith.muli %parallel_loop3A_56, %parallel_loop3A_334 : i32
      %parallel_loop3A_336 = arith.constant 15 : i32
      %parallel_loop3A_337 = arith.addi %parallel_loop3A_335, %parallel_loop3A_336 : i32
      %parallel_loop3A_338 = arith.constant 0 : i32
      %parallel_loop3A_339 = tpu.memref_slice %arg6[%parallel_loop3A_337, %parallel_loop3A_338] : memref<512x64xf32, #tpu.memory_space<vmem>> -> memref<1x64xf32, #tpu.memory_space<vmem>>
      %parallel_loop3A_340 = tpu.memref_squeeze %parallel_loop3A_339 : memref<1x64xf32, #tpu.memory_space<vmem>> -> memref<64xf32, #tpu.memory_space<vmem>>
      %parallel_loop3A_341 = arith.constant 0 : i32
      %parallel_loop3A_342 = tpu.memref_slice %arg3[%parallel_loop3A_333, %parallel_loop3A_341] : memref<1000001x64xf32, #tpu.memory_space<hbm>> -> memref<1x64xf32, #tpu.memory_space<hbm>>
      %parallel_loop3A_343 = tpu.memref_squeeze %parallel_loop3A_342 : memref<1x64xf32, #tpu.memory_space<hbm>> -> memref<64xf32, #tpu.memory_space<hbm>>
      %parallel_loop3A_344 = arith.constant 0 : i32
      %parallel_loop3A_345 = tpu.memref_slice %arg6[%parallel_loop3A_337, %parallel_loop3A_344] : memref<512x64xf32, #tpu.memory_space<vmem>> -> memref<1x64xf32, #tpu.memory_space<vmem>>
      %parallel_loop3A_346 = tpu.memref_squeeze %parallel_loop3A_345 : memref<1x64xf32, #tpu.memory_space<vmem>> -> memref<64xf32, #tpu.memory_space<vmem>>
      %parallel_loop3A_347 = arith.constant 0 : i32
      %parallel_loop3A_348 = tpu.memref_slice %arg3[%parallel_loop3A_333, %parallel_loop3A_347] : memref<1000001x64xf32, #tpu.memory_space<hbm>> -> memref<1x64xf32, #tpu.memory_space<hbm>>
      %parallel_loop3A_349 = tpu.memref_squeeze %parallel_loop3A_348 : memref<1x64xf32, #tpu.memory_space<hbm>> -> memref<64xf32, #tpu.memory_space<hbm>>
      tpu.enqueue_dma source(%parallel_loop3A_349 : memref<64xf32, #tpu.memory_space<hbm>>) target(%parallel_loop3A_346 : memref<64xf32, #tpu.memory_space<vmem>>) target_semaphore(%arg7 : memref<!tpu.dma_semaphore, #tpu.memory_space<semaphore_mem>>)
      %parallel_loop3A_350 = arith.constant 4 : i32
      %parallel_loop3A_351 = arith.muli %parallel_loop3A_52, %parallel_loop3A_350 : i32
      %parallel_loop3A_352 = arith.constant 1 : i32
      %parallel_loop3A_353 = arith.addi %parallel_loop3A_351, %parallel_loop3A_352 : i32
      %parallel_loop3A_354 = arith.constant 16 : i32
      %parallel_loop3A_355 = arith.muli %parallel_loop3A_353, %parallel_loop3A_354 : i32
      %parallel_loop3A_356 = arith.index_cast %parallel_loop3A_355 : i32 to index
      %parallel_loop3A_357 = tpu.vector_load %arg5[%parallel_loop3A_356] {strides = array<i32>} : memref<512xi32, #tpu.memory_space<vmem>>, vector<16xi32>,
      %parallel_loop3A_358 = vector.shape_cast %parallel_loop3A_357 : vector<16xi32> to vector<16xi32>
      %parallel_loop3A_359 = vector.extract_strided_slice %parallel_loop3A_358 {offsets = [0], sizes = [1], strides = [1]} : vector<16xi32> to vector<1xi32>
      %parallel_loop3A_360 = vector.extract %parallel_loop3A_359[0] : i32 from vector<1xi32>
      %parallel_loop3A_361 = arith.constant 16 : i32
      %parallel_loop3A_362 = arith.muli %parallel_loop3A_353, %parallel_loop3A_361 : i32
      %parallel_loop3A_363 = arith.constant 0 : i32
      %parallel_loop3A_364 = arith.addi %parallel_loop3A_362, %parallel_loop3A_363 : i32
      %parallel_loop3A_365 = arith.constant 0 : i32
      %parallel_loop3A_366 = tpu.memref_slice %arg6[%parallel_loop3A_364, %parallel_loop3A_365] : memref<512x64xf32, #tpu.memory_space<vmem>> -> memref<1x64xf32, #tpu.memory_space<vmem>>
      %parallel_loop3A_367 = tpu.memref_squeeze %parallel_loop3A_366 : memref<1x64xf32, #tpu.memory_space<vmem>> -> memref<64xf32, #tpu.memory_space<vmem>>
      %parallel_loop3A_368 = arith.constant 0 : i32
      %parallel_loop3A_369 = tpu.memref_slice %arg3[%parallel_loop3A_360, %parallel_loop3A_368] : memref<1000001x64xf32, #tpu.memory_space<hbm>> -> memref<1x64xf32, #tpu.memory_space<hbm>>
      %parallel_loop3A_370 = tpu.memref_squeeze %parallel_loop3A_369 : memref<1x64xf32, #tpu.memory_space<hbm>> -> memref<64xf32, #tpu.memory_space<hbm>>
      %parallel_loop3A_371 = arith.constant 0 : i32
      %parallel_loop3A_372 = tpu.memref_slice %arg6[%parallel_loop3A_364, %parallel_loop3A_371] : memref<512x64xf32, #tpu.memory_space<vmem>> -> memref<1x64xf32, #tpu.memory_space<vmem>>
      %parallel_loop3A_373 = tpu.memref_squeeze %parallel_loop3A_372 : memref<1x64xf32, #tpu.memory_space<vmem>> -> memref<64xf32, #tpu.memory_space<vmem>>
      %parallel_loop3A_374 = arith.constant 0 : i32
      %parallel_loop3A_375 = tpu.memref_slice %arg3[%parallel_loop3A_360, %parallel_loop3A_374] : memref<1000001x64xf32, #tpu.memory_space<hbm>> -> memref<1x64xf32, #tpu.memory_space<hbm>>
      %parallel_loop3A_376 = tpu.memref_squeeze %parallel_loop3A_375 : memref<1x64xf32, #tpu.memory_space<hbm>> -> memref<64xf32, #tpu.memory_space<hbm>>
      tpu.enqueue_dma source(%parallel_loop3A_376 : memref<64xf32, #tpu.memory_space<hbm>>) target(%parallel_loop3A_373 : memref<64xf32, #tpu.memory_space<vmem>>) target_semaphore(%arg8 : memref<!tpu.dma_semaphore, #tpu.memory_space<semaphore_mem>>)
      %parallel_loop3A_377 = vector.extract_strided_slice %parallel_loop3A_358 {offsets = [1], sizes = [1], strides = [1]} : vector<16xi32> to vector<1xi32>
      %parallel_loop3A_378 = vector.extract %parallel_loop3A_377[0] : i32 from vector<1xi32>
      %parallel_loop3A_379 = arith.constant 16 : i32
      %parallel_loop3A_380 = arith.muli %parallel_loop3A_353, %parallel_loop3A_379 : i32
      %parallel_loop3A_381 = arith.constant 1 : i32
      %parallel_loop3A_382 = arith.addi %parallel_loop3A_380, %parallel_loop3A_381 : i32
      %parallel_loop3A_383 = arith.constant 0 : i32
      %parallel_loop3A_384 = tpu.memref_slice %arg6[%parallel_loop3A_382, %parallel_loop3A_383] : memref<512x64xf32, #tpu.memory_space<vmem>> -> memref<1x64xf32, #tpu.memory_space<vmem>>
      %parallel_loop3A_385 = tpu.memref_squeeze %parallel_loop3A_384 : memref<1x64xf32, #tpu.memory_space<vmem>> -> memref<64xf32, #tpu.memory_space<vmem>>
      %parallel_loop3A_386 = arith.constant 0 : i32
      %parallel_loop3A_387 = tpu.memref_slice %arg3[%parallel_loop3A_378, %parallel_loop3A_386] : memref<1000001x64xf32, #tpu.memory_space<hbm>> -> memref<1x64xf32, #tpu.memory_space<hbm>>
      %parallel_loop3A_388 = tpu.memref_squeeze %parallel_loop3A_387 : memref<1x64xf32, #tpu.memory_space<hbm>> -> memref<64xf32, #tpu.memory_space<hbm>>
      %parallel_loop3A_389 = arith.constant 0 : i32
      %parallel_loop3A_390 = tpu.memref_slice %arg6[%parallel_loop3A_382, %parallel_loop3A_389] : memref<512x64xf32, #tpu.memory_space<vmem>> -> memref<1x64xf32, #tpu.memory_space<vmem>>
      %parallel_loop3A_391 = tpu.memref_squeeze %parallel_loop3A_390 : memref<1x64xf32, #tpu.memory_space<vmem>> -> memref<64xf32, #tpu.memory_space<vmem>>
      %parallel_loop3A_392 = arith.constant 0 : i32
      %parallel_loop3A_393 = tpu.memref_slice %arg3[%parallel_loop3A_378, %parallel_loop3A_392] : memref<1000001x64xf32, #tpu.memory_space<hbm>> -> memref<1x64xf32, #tpu.memory_space<hbm>>
      %parallel_loop3A_394 = tpu.memref_squeeze %parallel_loop3A_393 : memref<1x64xf32, #tpu.memory_space<hbm>> -> memref<64xf32, #tpu.memory_space<hbm>>
      tpu.enqueue_dma source(%parallel_loop3A_394 : memref<64xf32, #tpu.memory_space<hbm>>) target(%parallel_loop3A_391 : memref<64xf32, #tpu.memory_space<vmem>>) target_semaphore(%arg8 : memref<!tpu.dma_semaphore, #tpu.memory_space<semaphore_mem>>)
      %parallel_loop3A_395 = vector.extract_strided_slice %parallel_loop3A_358 {offsets = [2], sizes = [1], strides = [1]} : vector<16xi32> to vector<1xi32>
      %parallel_loop3A_396 = vector.extract %parallel_loop3A_395[0] : i32 from vector<1xi32>
      %parallel_loop3A_397 = arith.constant 16 : i32
      %parallel_loop3A_398 = arith.muli %parallel_loop3A_353, %parallel_loop3A_397 : i32
      %parallel_loop3A_399 = arith.constant 2 : i32
      %parallel_loop3A_400 = arith.addi %parallel_loop3A_398, %parallel_loop3A_399 : i32
      %parallel_loop3A_401 = arith.constant 0 : i32
      %parallel_loop3A_402 = tpu.memref_slice %arg6[%parallel_loop3A_400, %parallel_loop3A_401] : memref<512x64xf32, #tpu.memory_space<vmem>> -> memref<1x64xf32, #tpu.memory_space<vmem>>
      %parallel_loop3A_403 = tpu.memref_squeeze %parallel_loop3A_402 : memref<1x64xf32, #tpu.memory_space<vmem>> -> memref<64xf32, #tpu.memory_space<vmem>>
      %parallel_loop3A_404 = arith.constant 0 : i32
      %parallel_loop3A_405 = tpu.memref_slice %arg3[%parallel_loop3A_396, %parallel_loop3A_404] : memref<1000001x64xf32, #tpu.memory_space<hbm>> -> memref<1x64xf32, #tpu.memory_space<hbm>>
      %parallel_loop3A_406 = tpu.memref_squeeze %parallel_loop3A_405 : memref<1x64xf32, #tpu.memory_space<hbm>> -> memref<64xf32, #tpu.memory_space<hbm>>
      %parallel_loop3A_407 = arith.constant 0 : i32
      %parallel_loop3A_408 = tpu.memref_slice %arg6[%parallel_loop3A_400, %parallel_loop3A_407] : memref<512x64xf32, #tpu.memory_space<vmem>> -> memref<1x64xf32, #tpu.memory_space<vmem>>
      %parallel_loop3A_409 = tpu.memref_squeeze %parallel_loop3A_408 : memref<1x64xf32, #tpu.memory_space<vmem>> -> memref<64xf32, #tpu.memory_space<vmem>>
      %parallel_loop3A_410 = arith.constant 0 : i32
      %parallel_loop3A_411 = tpu.memref_slice %arg3[%parallel_loop3A_396, %parallel_loop3A_410] : memref<1000001x64xf32, #tpu.memory_space<hbm>> -> memref<1x64xf32, #tpu.memory_space<hbm>>
      %parallel_loop3A_412 = tpu.memref_squeeze %parallel_loop3A_411 : memref<1x64xf32, #tpu.memory_space<hbm>> -> memref<64xf32, #tpu.memory_space<hbm>>
      tpu.enqueue_dma source(%parallel_loop3A_412 : memref<64xf32, #tpu.memory_space<hbm>>) target(%parallel_loop3A_409 : memref<64xf32, #tpu.memory_space<vmem>>) target_semaphore(%arg8 : memref<!tpu.dma_semaphore, #tpu.memory_space<semaphore_mem>>)
      %parallel_loop3A_413 = vector.extract_strided_slice %parallel_loop3A_358 {offsets = [3], sizes = [1], strides = [1]} : vector<16xi32> to vector<1xi32>
      %parallel_loop3A_414 = vector.extract %parallel_loop3A_413[0] : i32 from vector<1xi32>
      %parallel_loop3A_415 = arith.constant 16 : i32
      %parallel_loop3A_416 = arith.muli %parallel_loop3A_353, %parallel_loop3A_415 : i32
      %parallel_loop3A_417 = arith.constant 3 : i32
      %parallel_loop3A_418 = arith.addi %parallel_loop3A_416, %parallel_loop3A_417 : i32
      %parallel_loop3A_419 = arith.constant 0 : i32
      %parallel_loop3A_420 = tpu.memref_slice %arg6[%parallel_loop3A_418, %parallel_loop3A_419] : memref<512x64xf32, #tpu.memory_space<vmem>> -> memref<1x64xf32, #tpu.memory_space<vmem>>
      %parallel_loop3A_421 = tpu.memref_squeeze %parallel_loop3A_420 : memref<1x64xf32, #tpu.memory_space<vmem>> -> memref<64xf32, #tpu.memory_space<vmem>>
      %parallel_loop3A_422 = arith.constant 0 : i32
      %parallel_loop3A_423 = tpu.memref_slice %arg3[%parallel_loop3A_414, %parallel_loop3A_422] : memref<1000001x64xf32, #tpu.memory_space<hbm>> -> memref<1x64xf32, #tpu.memory_space<hbm>>
      %parallel_loop3A_424 = tpu.memref_squeeze %parallel_loop3A_423 : memref<1x64xf32, #tpu.memory_space<hbm>> -> memref<64xf32, #tpu.memory_space<hbm>>
      %parallel_loop3A_425 = arith.constant 0 : i32
      %parallel_loop3A_426 = tpu.memref_slice %arg6[%parallel_loop3A_418, %parallel_loop3A_425] : memref<512x64xf32, #tpu.memory_space<vmem>> -> memref<1x64xf32, #tpu.memory_space<vmem>>
      %parallel_loop3A_427 = tpu.memref_squeeze %parallel_loop3A_426 : memref<1x64xf32, #tpu.memory_space<vmem>> -> memref<64xf32, #tpu.memory_space<vmem>>
      %parallel_loop3A_428 = arith.constant 0 : i32
      %parallel_loop3A_429 = tpu.memref_slice %arg3[%parallel_loop3A_414, %parallel_loop3A_428] : memref<1000001x64xf32, #tpu.memory_space<hbm>> -> memref<1x64xf32, #tpu.memory_space<hbm>>
      %parallel_loop3A_430 = tpu.memref_squeeze %parallel_loop3A_429 : memref<1x64xf32, #tpu.memory_space<hbm>> -> memref<64xf32, #tpu.memory_space<hbm>>
      tpu.enqueue_dma source(%parallel_loop3A_430 : memref<64xf32, #tpu.memory_space<hbm>>) target(%parallel_loop3A_427 : memref<64xf32, #tpu.memory_space<vmem>>) target_semaphore(%arg8 : memref<!tpu.dma_semaphore, #tpu.memory_space<semaphore_mem>>)
      %parallel_loop3A_431 = vector.extract_strided_slice %parallel_loop3A_358 {offsets = [4], sizes = [1], strides = [1]} : vector<16xi32> to vector<1xi32>
      %parallel_loop3A_432 = vector.extract %parallel_loop3A_431[0] : i32 from vector<1xi32>
      %parallel_loop3A_433 = arith.constant 16 : i32
      %parallel_loop3A_434 = arith.muli %parallel_loop3A_353, %parallel_loop3A_433 : i32
      %parallel_loop3A_435 = arith.constant 4 : i32
      %parallel_loop3A_436 = arith.addi %parallel_loop3A_434, %parallel_loop3A_435 : i32
      %parallel_loop3A_437 = arith.constant 0 : i32
      %parallel_loop3A_438 = tpu.memref_slice %arg6[%parallel_loop3A_436, %parallel_loop3A_437] : memref<512x64xf32, #tpu.memory_space<vmem>> -> memref<1x64xf32, #tpu.memory_space<vmem>>
      %parallel_loop3A_439 = tpu.memref_squeeze %parallel_loop3A_438 : memref<1x64xf32, #tpu.memory_space<vmem>> -> memref<64xf32, #tpu.memory_space<vmem>>
      %parallel_loop3A_440 = arith.constant 0 : i32
      %parallel_loop3A_441 = tpu.memref_slice %arg3[%parallel_loop3A_432, %parallel_loop3A_440] : memref<1000001x64xf32, #tpu.memory_space<hbm>> -> memref<1x64xf32, #tpu.memory_space<hbm>>
      %parallel_loop3A_442 = tpu.memref_squeeze %parallel_loop3A_441 : memref<1x64xf32, #tpu.memory_space<hbm>> -> memref<64xf32, #tpu.memory_space<hbm>>
      %parallel_loop3A_443 = arith.constant 0 : i32
      %parallel_loop3A_444 = tpu.memref_slice %arg6[%parallel_loop3A_436, %parallel_loop3A_443] : memref<512x64xf32, #tpu.memory_space<vmem>> -> memref<1x64xf32, #tpu.memory_space<vmem>>
      %parallel_loop3A_445 = tpu.memref_squeeze %parallel_loop3A_444 : memref<1x64xf32, #tpu.memory_space<vmem>> -> memref<64xf32, #tpu.memory_space<vmem>>
      %parallel_loop3A_446 = arith.constant 0 : i32
      %parallel_loop3A_447 = tpu.memref_slice %arg3[%parallel_loop3A_432, %parallel_loop3A_446] : memref<1000001x64xf32, #tpu.memory_space<hbm>> -> memref<1x64xf32, #tpu.memory_space<hbm>>
      %parallel_loop3A_448 = tpu.memref_squeeze %parallel_loop3A_447 : memref<1x64xf32, #tpu.memory_space<hbm>> -> memref<64xf32, #tpu.memory_space<hbm>>
      tpu.enqueue_dma source(%parallel_loop3A_448 : memref<64xf32, #tpu.memory_space<hbm>>) target(%parallel_loop3A_445 : memref<64xf32, #tpu.memory_space<vmem>>) target_semaphore(%arg8 : memref<!tpu.dma_semaphore, #tpu.memory_space<semaphore_mem>>)
      %parallel_loop3A_449 = vector.extract_strided_slice %parallel_loop3A_358 {offsets = [5], sizes = [1], strides = [1]} : vector<16xi32> to vector<1xi32>
      %parallel_loop3A_450 = vector.extract %parallel_loop3A_449[0] : i32 from vector<1xi32>
      %parallel_loop3A_451 = arith.constant 16 : i32
      %parallel_loop3A_452 = arith.muli %parallel_loop3A_353, %parallel_loop3A_451 : i32
      %parallel_loop3A_453 = arith.constant 5 : i32
      %parallel_loop3A_454 = arith.addi %parallel_loop3A_452, %parallel_loop3A_453 : i32
      %parallel_loop3A_455 = arith.constant 0 : i32
      %parallel_loop3A_456 = tpu.memref_slice %arg6[%parallel_loop3A_454, %parallel_loop3A_455] : memref<512x64xf32, #tpu.memory_space<vmem>> -> memref<1x64xf32, #tpu.memory_space<vmem>>
      %parallel_loop3A_457 = tpu.memref_squeeze %parallel_loop3A_456 : memref<1x64xf32, #tpu.memory_space<vmem>> -> memref<64xf32, #tpu.memory_space<vmem>>
      %parallel_loop3A_458 = arith.constant 0 : i32
      %parallel_loop3A_459 = tpu.memref_slice %arg3[%parallel_loop3A_450, %parallel_loop3A_458] : memref<1000001x64xf32, #tpu.memory_space<hbm>> -> memref<1x64xf32, #tpu.memory_space<hbm>>
      %parallel_loop3A_460 = tpu.memref_squeeze %parallel_loop3A_459 : memref<1x64xf32, #tpu.memory_space<hbm>> -> memref<64xf32, #tpu.memory_space<hbm>>
      %parallel_loop3A_461 = arith.constant 0 : i32
      %parallel_loop3A_462 = tpu.memref_slice %arg6[%parallel_loop3A_454, %parallel_loop3A_461] : memref<512x64xf32, #tpu.memory_space<vmem>> -> memref<1x64xf32, #tpu.memory_space<vmem>>
      %parallel_loop3A_463 = tpu.memref_squeeze %parallel_loop3A_462 : memref<1x64xf32, #tpu.memory_space<vmem>> -> memref<64xf32, #tpu.memory_space<vmem>>
      %parallel_loop3A_464 = arith.constant 0 : i32
      %parallel_loop3A_465 = tpu.memref_slice %arg3[%parallel_loop3A_450, %parallel_loop3A_464] : memref<1000001x64xf32, #tpu.memory_space<hbm>> -> memref<1x64xf32, #tpu.memory_space<hbm>>
      %parallel_loop3A_466 = tpu.memref_squeeze %parallel_loop3A_465 : memref<1x64xf32, #tpu.memory_space<hbm>> -> memref<64xf32, #tpu.memory_space<hbm>>
      tpu.enqueue_dma source(%parallel_loop3A_466 : memref<64xf32, #tpu.memory_space<hbm>>) target(%parallel_loop3A_463 : memref<64xf32, #tpu.memory_space<vmem>>) target_semaphore(%arg8 : memref<!tpu.dma_semaphore, #tpu.memory_space<semaphore_mem>>)
      %parallel_loop3A_467 = vector.extract_strided_slice %parallel_loop3A_358 {offsets = [6], sizes = [1], strides = [1]} : vector<16xi32> to vector<1xi32>
      %parallel_loop3A_468 = vector.extract %parallel_loop3A_467[0] : i32 from vector<1xi32>
      %parallel_loop3A_469 = arith.constant 16 : i32
      %parallel_loop3A_470 = arith.muli %parallel_loop3A_353, %parallel_loop3A_469 : i32
      %parallel_loop3A_471 = arith.constant 6 : i32
      %parallel_loop3A_472 = arith.addi %parallel_loop3A_470, %parallel_loop3A_471 : i32
      %parallel_loop3A_473 = arith.constant 0 : i32
      %parallel_loop3A_474 = tpu.memref_slice %arg6[%parallel_loop3A_472, %parallel_loop3A_473] : memref<512x64xf32, #tpu.memory_space<vmem>> -> memref<1x64xf32, #tpu.memory_space<vmem>>
      %parallel_loop3A_475 = tpu.memref_squeeze %parallel_loop3A_474 : memref<1x64xf32, #tpu.memory_space<vmem>> -> memref<64xf32, #tpu.memory_space<vmem>>
      %parallel_loop3A_476 = arith.constant 0 : i32
      %parallel_loop3A_477 = tpu.memref_slice %arg3[%parallel_loop3A_468, %parallel_loop3A_476] : memref<1000001x64xf32, #tpu.memory_space<hbm>> -> memref<1x64xf32, #tpu.memory_space<hbm>>
      %parallel_loop3A_478 = tpu.memref_squeeze %parallel_loop3A_477 : memref<1x64xf32, #tpu.memory_space<hbm>> -> memref<64xf32, #tpu.memory_space<hbm>>
      %parallel_loop3A_479 = arith.constant 0 : i32
      %parallel_loop3A_480 = tpu.memref_slice %arg6[%parallel_loop3A_472, %parallel_loop3A_479] : memref<512x64xf32, #tpu.memory_space<vmem>> -> memref<1x64xf32, #tpu.memory_space<vmem>>
      %parallel_loop3A_481 = tpu.memref_squeeze %parallel_loop3A_480 : memref<1x64xf32, #tpu.memory_space<vmem>> -> memref<64xf32, #tpu.memory_space<vmem>>
      %parallel_loop3A_482 = arith.constant 0 : i32
      %parallel_loop3A_483 = tpu.memref_slice %arg3[%parallel_loop3A_468, %parallel_loop3A_482] : memref<1000001x64xf32, #tpu.memory_space<hbm>> -> memref<1x64xf32, #tpu.memory_space<hbm>>
      %parallel_loop3A_484 = tpu.memref_squeeze %parallel_loop3A_483 : memref<1x64xf32, #tpu.memory_space<hbm>> -> memref<64xf32, #tpu.memory_space<hbm>>
      tpu.enqueue_dma source(%parallel_loop3A_484 : memref<64xf32, #tpu.memory_space<hbm>>) target(%parallel_loop3A_481 : memref<64xf32, #tpu.memory_space<vmem>>) target_semaphore(%arg8 : memref<!tpu.dma_semaphore, #tpu.memory_space<semaphore_mem>>)
      %parallel_loop3A_485 = vector.extract_strided_slice %parallel_loop3A_358 {offsets = [7], sizes = [1], strides = [1]} : vector<16xi32> to vector<1xi32>
      %parallel_loop3A_486 = vector.extract %parallel_loop3A_485[0] : i32 from vector<1xi32>
      %parallel_loop3A_487 = arith.constant 16 : i32
      %parallel_loop3A_488 = arith.muli %parallel_loop3A_353, %parallel_loop3A_487 : i32
      %parallel_loop3A_489 = arith.constant 7 : i32
      %parallel_loop3A_490 = arith.addi %parallel_loop3A_488, %parallel_loop3A_489 : i32
      %parallel_loop3A_491 = arith.constant 0 : i32
      %parallel_loop3A_492 = tpu.memref_slice %arg6[%parallel_loop3A_490, %parallel_loop3A_491] : memref<512x64xf32, #tpu.memory_space<vmem>> -> memref<1x64xf32, #tpu.memory_space<vmem>>
      %parallel_loop3A_493 = tpu.memref_squeeze %parallel_loop3A_492 : memref<1x64xf32, #tpu.memory_space<vmem>> -> memref<64xf32, #tpu.memory_space<vmem>>
      %parallel_loop3A_494 = arith.constant 0 : i32
      %parallel_loop3A_495 = tpu.memref_slice %arg3[%parallel_loop3A_486, %parallel_loop3A_494] : memref<1000001x64xf32, #tpu.memory_space<hbm>> -> memref<1x64xf32, #tpu.memory_space<hbm>>
      %parallel_loop3A_496 = tpu.memref_squeeze %parallel_loop3A_495 : memref<1x64xf32, #tpu.memory_space<hbm>> -> memref<64xf32, #tpu.memory_space<hbm>>
      %parallel_loop3A_497 = arith.constant 0 : i32
      %parallel_loop3A_498 = tpu.memref_slice %arg6[%parallel_loop3A_490, %parallel_loop3A_497] : memref<512x64xf32, #tpu.memory_space<vmem>> -> memref<1x64xf32, #tpu.memory_space<vmem>>
      %parallel_loop3A_499 = tpu.memref_squeeze %parallel_loop3A_498 : memref<1x64xf32, #tpu.memory_space<vmem>> -> memref<64xf32, #tpu.memory_space<vmem>>
      %parallel_loop3A_500 = arith.constant 0 : i32
      %parallel_loop3A_501 = tpu.memref_slice %arg3[%parallel_loop3A_486, %parallel_loop3A_500] : memref<1000001x64xf32, #tpu.memory_space<hbm>> -> memref<1x64xf32, #tpu.memory_space<hbm>>
      %parallel_loop3A_502 = tpu.memref_squeeze %parallel_loop3A_501 : memref<1x64xf32, #tpu.memory_space<hbm>> -> memref<64xf32, #tpu.memory_space<hbm>>
      tpu.enqueue_dma source(%parallel_loop3A_502 : memref<64xf32, #tpu.memory_space<hbm>>) target(%parallel_loop3A_499 : memref<64xf32, #tpu.memory_space<vmem>>) target_semaphore(%arg8 : memref<!tpu.dma_semaphore, #tpu.memory_space<semaphore_mem>>)
      %parallel_loop3A_503 = vector.extract_strided_slice %parallel_loop3A_358 {offsets = [8], sizes = [1], strides = [1]} : vector<16xi32> to vector<1xi32>
      %parallel_loop3A_504 = vector.extract %parallel_loop3A_503[0] : i32 from vector<1xi32>
      %parallel_loop3A_505 = arith.constant 16 : i32
      %parallel_loop3A_506 = arith.muli %parallel_loop3A_353, %parallel_loop3A_505 : i32
      %parallel_loop3A_507 = arith.constant 8 : i32
      %parallel_loop3A_508 = arith.addi %parallel_loop3A_506, %parallel_loop3A_507 : i32
      %parallel_loop3A_509 = arith.constant 0 : i32
      %parallel_loop3A_510 = tpu.memref_slice %arg6[%parallel_loop3A_508, %parallel_loop3A_509] : memref<512x64xf32, #tpu.memory_space<vmem>> -> memref<1x64xf32, #tpu.memory_space<vmem>>
      %parallel_loop3A_511 = tpu.memref_squeeze %parallel_loop3A_510 : memref<1x64xf32, #tpu.memory_space<vmem>> -> memref<64xf32, #tpu.memory_space<vmem>>
      %parallel_loop3A_512 = arith.constant 0 : i32
      %parallel_loop3A_513 = tpu.memref_slice %arg3[%parallel_loop3A_504, %parallel_loop3A_512] : memref<1000001x64xf32, #tpu.memory_space<hbm>> -> memref<1x64xf32, #tpu.memory_space<hbm>>
      %parallel_loop3A_514 = tpu.memref_squeeze %parallel_loop3A_513 : memref<1x64xf32, #tpu.memory_space<hbm>> -> memref<64xf32, #tpu.memory_space<hbm>>
      %parallel_loop3A_515 = arith.constant 0 : i32
      %parallel_loop3A_516 = tpu.memref_slice %arg6[%parallel_loop3A_508, %parallel_loop3A_515] : memref<512x64xf32, #tpu.memory_space<vmem>> -> memref<1x64xf32, #tpu.memory_space<vmem>>
      %parallel_loop3A_517 = tpu.memref_squeeze %parallel_loop3A_516 : memref<1x64xf32, #tpu.memory_space<vmem>> -> memref<64xf32, #tpu.memory_space<vmem>>
      %parallel_loop3A_518 = arith.constant 0 : i32
      %parallel_loop3A_519 = tpu.memref_slice %arg3[%parallel_loop3A_504, %parallel_loop3A_518] : memref<1000001x64xf32, #tpu.memory_space<hbm>> -> memref<1x64xf32, #tpu.memory_space<hbm>>
      %parallel_loop3A_520 = tpu.memref_squeeze %parallel_loop3A_519 : memref<1x64xf32, #tpu.memory_space<hbm>> -> memref<64xf32, #tpu.memory_space<hbm>>
      tpu.enqueue_dma source(%parallel_loop3A_520 : memref<64xf32, #tpu.memory_space<hbm>>) target(%parallel_loop3A_517 : memref<64xf32, #tpu.memory_space<vmem>>) target_semaphore(%arg8 : memref<!tpu.dma_semaphore, #tpu.memory_space<semaphore_mem>>)
      %parallel_loop3A_521 = vector.extract_strided_slice %parallel_loop3A_358 {offsets = [9], sizes = [1], strides = [1]} : vector<16xi32> to vector<1xi32>
      %parallel_loop3A_522 = vector.extract %parallel_loop3A_521[0] : i32 from vector<1xi32>
      %parallel_loop3A_523 = arith.constant 16 : i32
      %parallel_loop3A_524 = arith.muli %parallel_loop3A_353, %parallel_loop3A_523 : i32
      %parallel_loop3A_525 = arith.constant 9 : i32
      %parallel_loop3A_526 = arith.addi %parallel_loop3A_524, %parallel_loop3A_525 : i32
      %parallel_loop3A_527 = arith.constant 0 : i32
      %parallel_loop3A_528 = tpu.memref_slice %arg6[%parallel_loop3A_526, %parallel_loop3A_527] : memref<512x64xf32, #tpu.memory_space<vmem>> -> memref<1x64xf32, #tpu.memory_space<vmem>>
      %parallel_loop3A_529 = tpu.memref_squeeze %parallel_loop3A_528 : memref<1x64xf32, #tpu.memory_space<vmem>> -> memref<64xf32, #tpu.memory_space<vmem>>
      %parallel_loop3A_530 = arith.constant 0 : i32
      %parallel_loop3A_531 = tpu.memref_slice %arg3[%parallel_loop3A_522, %parallel_loop3A_530] : memref<1000001x64xf32, #tpu.memory_space<hbm>> -> memref<1x64xf32, #tpu.memory_space<hbm>>
      %parallel_loop3A_532 = tpu.memref_squeeze %parallel_loop3A_531 : memref<1x64xf32, #tpu.memory_space<hbm>> -> memref<64xf32, #tpu.memory_space<hbm>>
      %parallel_loop3A_533 = arith.constant 0 : i32
      %parallel_loop3A_534 = tpu.memref_slice %arg6[%parallel_loop3A_526, %parallel_loop3A_533] : memref<512x64xf32, #tpu.memory_space<vmem>> -> memref<1x64xf32, #tpu.memory_space<vmem>>
      %parallel_loop3A_535 = tpu.memref_squeeze %parallel_loop3A_534 : memref<1x64xf32, #tpu.memory_space<vmem>> -> memref<64xf32, #tpu.memory_space<vmem>>
      %parallel_loop3A_536 = arith.constant 0 : i32
      %parallel_loop3A_537 = tpu.memref_slice %arg3[%parallel_loop3A_522, %parallel_loop3A_536] : memref<1000001x64xf32, #tpu.memory_space<hbm>> -> memref<1x64xf32, #tpu.memory_space<hbm>>
      %parallel_loop3A_538 = tpu.memref_squeeze %parallel_loop3A_537 : memref<1x64xf32, #tpu.memory_space<hbm>> -> memref<64xf32, #tpu.memory_space<hbm>>
      tpu.enqueue_dma source(%parallel_loop3A_538 : memref<64xf32, #tpu.memory_space<hbm>>) target(%parallel_loop3A_535 : memref<64xf32, #tpu.memory_space<vmem>>) target_semaphore(%arg8 : memref<!tpu.dma_semaphore, #tpu.memory_space<semaphore_mem>>)
      %parallel_loop3A_539 = vector.extract_strided_slice %parallel_loop3A_358 {offsets = [10], sizes = [1], strides = [1]} : vector<16xi32> to vector<1xi32>
      %parallel_loop3A_540 = vector.extract %parallel_loop3A_539[0] : i32 from vector<1xi32>
      %parallel_loop3A_541 = arith.constant 16 : i32
      %parallel_loop3A_542 = arith.muli %parallel_loop3A_353, %parallel_loop3A_541 : i32
      %parallel_loop3A_543 = arith.constant 10 : i32
      %parallel_loop3A_544 = arith.addi %parallel_loop3A_542, %parallel_loop3A_543 : i32
      %parallel_loop3A_545 = arith.constant 0 : i32
      %parallel_loop3A_546 = tpu.memref_slice %arg6[%parallel_loop3A_544, %parallel_loop3A_545] : memref<512x64xf32, #tpu.memory_space<vmem>> -> memref<1x64xf32, #tpu.memory_space<vmem>>
      %parallel_loop3A_547 = tpu.memref_squeeze %parallel_loop3A_546 : memref<1x64xf32, #tpu.memory_space<vmem>> -> memref<64xf32, #tpu.memory_space<vmem>>
      %parallel_loop3A_548 = arith.constant 0 : i32
      %parallel_loop3A_549 = tpu.memref_slice %arg3[%parallel_loop3A_540, %parallel_loop3A_548] : memref<1000001x64xf32, #tpu.memory_space<hbm>> -> memref<1x64xf32, #tpu.memory_space<hbm>>
      %parallel_loop3A_550 = tpu.memref_squeeze %parallel_loop3A_549 : memref<1x64xf32, #tpu.memory_space<hbm>> -> memref<64xf32, #tpu.memory_space<hbm>>
      %parallel_loop3A_551 = arith.constant 0 : i32
      %parallel_loop3A_552 = tpu.memref_slice %arg6[%parallel_loop3A_544, %parallel_loop3A_551] : memref<512x64xf32, #tpu.memory_space<vmem>> -> memref<1x64xf32, #tpu.memory_space<vmem>>
      %parallel_loop3A_553 = tpu.memref_squeeze %parallel_loop3A_552 : memref<1x64xf32, #tpu.memory_space<vmem>> -> memref<64xf32, #tpu.memory_space<vmem>>
      %parallel_loop3A_554 = arith.constant 0 : i32
      %parallel_loop3A_555 = tpu.memref_slice %arg3[%parallel_loop3A_540, %parallel_loop3A_554] : memref<1000001x64xf32, #tpu.memory_space<hbm>> -> memref<1x64xf32, #tpu.memory_space<hbm>>
      %parallel_loop3A_556 = tpu.memref_squeeze %parallel_loop3A_555 : memref<1x64xf32, #tpu.memory_space<hbm>> -> memref<64xf32, #tpu.memory_space<hbm>>
      tpu.enqueue_dma source(%parallel_loop3A_556 : memref<64xf32, #tpu.memory_space<hbm>>) target(%parallel_loop3A_553 : memref<64xf32, #tpu.memory_space<vmem>>) target_semaphore(%arg8 : memref<!tpu.dma_semaphore, #tpu.memory_space<semaphore_mem>>)
      %parallel_loop3A_557 = vector.extract_strided_slice %parallel_loop3A_358 {offsets = [11], sizes = [1], strides = [1]} : vector<16xi32> to vector<1xi32>
      %parallel_loop3A_558 = vector.extract %parallel_loop3A_557[0] : i32 from vector<1xi32>
      %parallel_loop3A_559 = arith.constant 16 : i32
      %parallel_loop3A_560 = arith.muli %parallel_loop3A_353, %parallel_loop3A_559 : i32
      %parallel_loop3A_561 = arith.constant 11 : i32
      %parallel_loop3A_562 = arith.addi %parallel_loop3A_560, %parallel_loop3A_561 : i32
      %parallel_loop3A_563 = arith.constant 0 : i32
      %parallel_loop3A_564 = tpu.memref_slice %arg6[%parallel_loop3A_562, %parallel_loop3A_563] : memref<512x64xf32, #tpu.memory_space<vmem>> -> memref<1x64xf32, #tpu.memory_space<vmem>>
      %parallel_loop3A_565 = tpu.memref_squeeze %parallel_loop3A_564 : memref<1x64xf32, #tpu.memory_space<vmem>> -> memref<64xf32, #tpu.memory_space<vmem>>
      %parallel_loop3A_566 = arith.constant 0 : i32
      %parallel_loop3A_567 = tpu.memref_slice %arg3[%parallel_loop3A_558, %parallel_loop3A_566] : memref<1000001x64xf32, #tpu.memory_space<hbm>> -> memref<1x64xf32, #tpu.memory_space<hbm>>
      %parallel_loop3A_568 = tpu.memref_squeeze %parallel_loop3A_567 : memref<1x64xf32, #tpu.memory_space<hbm>> -> memref<64xf32, #tpu.memory_space<hbm>>
      %parallel_loop3A_569 = arith.constant 0 : i32
      %parallel_loop3A_570 = tpu.memref_slice %arg6[%parallel_loop3A_562, %parallel_loop3A_569] : memref<512x64xf32, #tpu.memory_space<vmem>> -> memref<1x64xf32, #tpu.memory_space<vmem>>
      %parallel_loop3A_571 = tpu.memref_squeeze %parallel_loop3A_570 : memref<1x64xf32, #tpu.memory_space<vmem>> -> memref<64xf32, #tpu.memory_space<vmem>>
      %parallel_loop3A_572 = arith.constant 0 : i32
      %parallel_loop3A_573 = tpu.memref_slice %arg3[%parallel_loop3A_558, %parallel_loop3A_572] : memref<1000001x64xf32, #tpu.memory_space<hbm>> -> memref<1x64xf32, #tpu.memory_space<hbm>>
      %parallel_loop3A_574 = tpu.memref_squeeze %parallel_loop3A_573 : memref<1x64xf32, #tpu.memory_space<hbm>> -> memref<64xf32, #tpu.memory_space<hbm>>
      tpu.enqueue_dma source(%parallel_loop3A_574 : memref<64xf32, #tpu.memory_space<hbm>>) target(%parallel_loop3A_571 : memref<64xf32, #tpu.memory_space<vmem>>) target_semaphore(%arg8 : memref<!tpu.dma_semaphore, #tpu.memory_space<semaphore_mem>>)
      %parallel_loop3A_575 = vector.extract_strided_slice %parallel_loop3A_358 {offsets = [12], sizes = [1], strides = [1]} : vector<16xi32> to vector<1xi32>
      %parallel_loop3A_576 = vector.extract %parallel_loop3A_575[0] : i32 from vector<1xi32>
      %parallel_loop3A_577 = arith.constant 16 : i32
      %parallel_loop3A_578 = arith.muli %parallel_loop3A_353, %parallel_loop3A_577 : i32
      %parallel_loop3A_579 = arith.constant 12 : i32
      %parallel_loop3A_580 = arith.addi %parallel_loop3A_578, %parallel_loop3A_579 : i32
      %parallel_loop3A_581 = arith.constant 0 : i32
      %parallel_loop3A_582 = tpu.memref_slice %arg6[%parallel_loop3A_580, %parallel_loop3A_581] : memref<512x64xf32, #tpu.memory_space<vmem>> -> memref<1x64xf32, #tpu.memory_space<vmem>>
      %parallel_loop3A_583 = tpu.memref_squeeze %parallel_loop3A_582 : memref<1x64xf32, #tpu.memory_space<vmem>> -> memref<64xf32, #tpu.memory_space<vmem>>
      %parallel_loop3A_584 = arith.constant 0 : i32
      %parallel_loop3A_585 = tpu.memref_slice %arg3[%parallel_loop3A_576, %parallel_loop3A_584] : memref<1000001x64xf32, #tpu.memory_space<hbm>> -> memref<1x64xf32, #tpu.memory_space<hbm>>
      %parallel_loop3A_586 = tpu.memref_squeeze %parallel_loop3A_585 : memref<1x64xf32, #tpu.memory_space<hbm>> -> memref<64xf32, #tpu.memory_space<hbm>>
      %parallel_loop3A_587 = arith.constant 0 : i32
      %parallel_loop3A_588 = tpu.memref_slice %arg6[%parallel_loop3A_580, %parallel_loop3A_587] : memref<512x64xf32, #tpu.memory_space<vmem>> -> memref<1x64xf32, #tpu.memory_space<vmem>>
      %parallel_loop3A_589 = tpu.memref_squeeze %parallel_loop3A_588 : memref<1x64xf32, #tpu.memory_space<vmem>> -> memref<64xf32, #tpu.memory_space<vmem>>
      %parallel_loop3A_590 = arith.constant 0 : i32
      %parallel_loop3A_591 = tpu.memref_slice %arg3[%parallel_loop3A_576, %parallel_loop3A_590] : memref<1000001x64xf32, #tpu.memory_space<hbm>> -> memref<1x64xf32, #tpu.memory_space<hbm>>
      %parallel_loop3A_592 = tpu.memref_squeeze %parallel_loop3A_591 : memref<1x64xf32, #tpu.memory_space<hbm>> -> memref<64xf32, #tpu.memory_space<hbm>>
      tpu.enqueue_dma source(%parallel_loop3A_592 : memref<64xf32, #tpu.memory_space<hbm>>) target(%parallel_loop3A_589 : memref<64xf32, #tpu.memory_space<vmem>>) target_semaphore(%arg8 : memref<!tpu.dma_semaphore, #tpu.memory_space<semaphore_mem>>)
      %parallel_loop3A_593 = vector.extract_strided_slice %parallel_loop3A_358 {offsets = [13], sizes = [1], strides = [1]} : vector<16xi32> to vector<1xi32>
      %parallel_loop3A_594 = vector.extract %parallel_loop3A_593[0] : i32 from vector<1xi32>
      %parallel_loop3A_595 = arith.constant 16 : i32
      %parallel_loop3A_596 = arith.muli %parallel_loop3A_353, %parallel_loop3A_595 : i32
      %parallel_loop3A_597 = arith.constant 13 : i32
      %parallel_loop3A_598 = arith.addi %parallel_loop3A_596, %parallel_loop3A_597 : i32
      %parallel_loop3A_599 = arith.constant 0 : i32
      %parallel_loop3A_600 = tpu.memref_slice %arg6[%parallel_loop3A_598, %parallel_loop3A_599] : memref<512x64xf32, #tpu.memory_space<vmem>> -> memref<1x64xf32, #tpu.memory_space<vmem>>
      %parallel_loop3A_601 = tpu.memref_squeeze %parallel_loop3A_600 : memref<1x64xf32, #tpu.memory_space<vmem>> -> memref<64xf32, #tpu.memory_space<vmem>>
      %parallel_loop3A_602 = arith.constant 0 : i32
      %parallel_loop3A_603 = tpu.memref_slice %arg3[%parallel_loop3A_594, %parallel_loop3A_602] : memref<1000001x64xf32, #tpu.memory_space<hbm>> -> memref<1x64xf32, #tpu.memory_space<hbm>>
      %parallel_loop3A_604 = tpu.memref_squeeze %parallel_loop3A_603 : memref<1x64xf32, #tpu.memory_space<hbm>> -> memref<64xf32, #tpu.memory_space<hbm>>
      %parallel_loop3A_605 = arith.constant 0 : i32
      %parallel_loop3A_606 = tpu.memref_slice %arg6[%parallel_loop3A_598, %parallel_loop3A_605] : memref<512x64xf32, #tpu.memory_space<vmem>> -> memref<1x64xf32, #tpu.memory_space<vmem>>
      %parallel_loop3A_607 = tpu.memref_squeeze %parallel_loop3A_606 : memref<1x64xf32, #tpu.memory_space<vmem>> -> memref<64xf32, #tpu.memory_space<vmem>>
      %parallel_loop3A_608 = arith.constant 0 : i32
      %parallel_loop3A_609 = tpu.memref_slice %arg3[%parallel_loop3A_594, %parallel_loop3A_608] : memref<1000001x64xf32, #tpu.memory_space<hbm>> -> memref<1x64xf32, #tpu.memory_space<hbm>>
      %parallel_loop3A_610 = tpu.memref_squeeze %parallel_loop3A_609 : memref<1x64xf32, #tpu.memory_space<hbm>> -> memref<64xf32, #tpu.memory_space<hbm>>
      tpu.enqueue_dma source(%parallel_loop3A_610 : memref<64xf32, #tpu.memory_space<hbm>>) target(%parallel_loop3A_607 : memref<64xf32, #tpu.memory_space<vmem>>) target_semaphore(%arg8 : memref<!tpu.dma_semaphore, #tpu.memory_space<semaphore_mem>>)
      %parallel_loop3A_611 = vector.extract_strided_slice %parallel_loop3A_358 {offsets = [14], sizes = [1], strides = [1]} : vector<16xi32> to vector<1xi32>
      %parallel_loop3A_612 = vector.extract %parallel_loop3A_611[0] : i32 from vector<1xi32>
      %parallel_loop3A_613 = arith.constant 16 : i32
      %parallel_loop3A_614 = arith.muli %parallel_loop3A_353, %parallel_loop3A_613 : i32
      %parallel_loop3A_615 = arith.constant 14 : i32
      %parallel_loop3A_616 = arith.addi %parallel_loop3A_614, %parallel_loop3A_615 : i32
      %parallel_loop3A_617 = arith.constant 0 : i32
      %parallel_loop3A_618 = tpu.memref_slice %arg6[%parallel_loop3A_616, %parallel_loop3A_617] : memref<512x64xf32, #tpu.memory_space<vmem>> -> memref<1x64xf32, #tpu.memory_space<vmem>>
      %parallel_loop3A_619 = tpu.memref_squeeze %parallel_loop3A_618 : memref<1x64xf32, #tpu.memory_space<vmem>> -> memref<64xf32, #tpu.memory_space<vmem>>
      %parallel_loop3A_620 = arith.constant 0 : i32
      %parallel_loop3A_621 = tpu.memref_slice %arg3[%parallel_loop3A_612, %parallel_loop3A_620] : memref<1000001x64xf32, #tpu.memory_space<hbm>> -> memref<1x64xf32, #tpu.memory_space<hbm>>
      %parallel_loop3A_622 = tpu.memref_squeeze %parallel_loop3A_621 : memref<1x64xf32, #tpu.memory_space<hbm>> -> memref<64xf32, #tpu.memory_space<hbm>>
      %parallel_loop3A_623 = arith.constant 0 : i32
      %parallel_loop3A_624 = tpu.memref_slice %arg6[%parallel_loop3A_616, %parallel_loop3A_623] : memref<512x64xf32, #tpu.memory_space<vmem>> -> memref<1x64xf32, #tpu.memory_space<vmem>>
      %parallel_loop3A_625 = tpu.memref_squeeze %parallel_loop3A_624 : memref<1x64xf32, #tpu.memory_space<vmem>> -> memref<64xf32, #tpu.memory_space<vmem>>
      %parallel_loop3A_626 = arith.constant 0 : i32
      %parallel_loop3A_627 = tpu.memref_slice %arg3[%parallel_loop3A_612, %parallel_loop3A_626] : memref<1000001x64xf32, #tpu.memory_space<hbm>> -> memref<1x64xf32, #tpu.memory_space<hbm>>
      %parallel_loop3A_628 = tpu.memref_squeeze %parallel_loop3A_627 : memref<1x64xf32, #tpu.memory_space<hbm>> -> memref<64xf32, #tpu.memory_space<hbm>>
      tpu.enqueue_dma source(%parallel_loop3A_628 : memref<64xf32, #tpu.memory_space<hbm>>) target(%parallel_loop3A_625 : memref<64xf32, #tpu.memory_space<vmem>>) target_semaphore(%arg8 : memref<!tpu.dma_semaphore, #tpu.memory_space<semaphore_mem>>)
      %parallel_loop3A_629 = vector.extract_strided_slice %parallel_loop3A_358 {offsets = [15], sizes = [1], strides = [1]} : vector<16xi32> to vector<1xi32>
      %parallel_loop3A_630 = vector.extract %parallel_loop3A_629[0] : i32 from vector<1xi32>
      %parallel_loop3A_631 = arith.constant 16 : i32
      %parallel_loop3A_632 = arith.muli %parallel_loop3A_353, %parallel_loop3A_631 : i32
      %parallel_loop3A_633 = arith.constant 15 : i32
      %parallel_loop3A_634 = arith.addi %parallel_loop3A_632, %parallel_loop3A_633 : i32
      %parallel_loop3A_635 = arith.constant 0 : i32
      %parallel_loop3A_636 = tpu.memref_slice %arg6[%parallel_loop3A_634, %parallel_loop3A_635] : memref<512x64xf32, #tpu.memory_space<vmem>> -> memref<1x64xf32, #tpu.memory_space<vmem>>
      %parallel_loop3A_637 = tpu.memref_squeeze %parallel_loop3A_636 : memref<1x64xf32, #tpu.memory_space<vmem>> -> memref<64xf32, #tpu.memory_space<vmem>>
      %parallel_loop3A_638 = arith.constant 0 : i32
      %parallel_loop3A_639 = tpu.memref_slice %arg3[%parallel_loop3A_630, %parallel_loop3A_638] : memref<1000001x64xf32, #tpu.memory_space<hbm>> -> memref<1x64xf32, #tpu.memory_space<hbm>>
      %parallel_loop3A_640 = tpu.memref_squeeze %parallel_loop3A_639 : memref<1x64xf32, #tpu.memory_space<hbm>> -> memref<64xf32, #tpu.memory_space<hbm>>
      %parallel_loop3A_641 = arith.constant 0 : i32
      %parallel_loop3A_642 = tpu.memref_slice %arg6[%parallel_loop3A_634, %parallel_loop3A_641] : memref<512x64xf32, #tpu.memory_space<vmem>> -> memref<1x64xf32, #tpu.memory_space<vmem>>
      %parallel_loop3A_643 = tpu.memref_squeeze %parallel_loop3A_642 : memref<1x64xf32, #tpu.memory_space<vmem>> -> memref<64xf32, #tpu.memory_space<vmem>>
      %parallel_loop3A_644 = arith.constant 0 : i32
      %parallel_loop3A_645 = tpu.memref_slice %arg3[%parallel_loop3A_630, %parallel_loop3A_644] : memref<1000001x64xf32, #tpu.memory_space<hbm>> -> memref<1x64xf32, #tpu.memory_space<hbm>>
      %parallel_loop3A_646 = tpu.memref_squeeze %parallel_loop3A_645 : memref<1x64xf32, #tpu.memory_space<hbm>> -> memref<64xf32, #tpu.memory_space<hbm>>
      tpu.enqueue_dma source(%parallel_loop3A_646 : memref<64xf32, #tpu.memory_space<hbm>>) target(%parallel_loop3A_643 : memref<64xf32, #tpu.memory_space<vmem>>) target_semaphore(%arg8 : memref<!tpu.dma_semaphore, #tpu.memory_space<semaphore_mem>>)
      %parallel_loop3A_647 = arith.constant 4 : i32
      %parallel_loop3A_648 = arith.muli %parallel_loop3A_52, %parallel_loop3A_647 : i32
      %parallel_loop3A_649 = arith.constant 2 : i32
      %parallel_loop3A_650 = arith.addi %parallel_loop3A_648, %parallel_loop3A_649 : i32
      %parallel_loop3A_651 = arith.constant 16 : i32
      %parallel_loop3A_652 = arith.muli %parallel_loop3A_650, %parallel_loop3A_651 : i32
      %parallel_loop3A_653 = arith.index_cast %parallel_loop3A_652 : i32 to index
      %parallel_loop3A_654 = tpu.vector_load %arg5[%parallel_loop3A_653] {strides = array<i32>} : memref<512xi32, #tpu.memory_space<vmem>>, vector<16xi32>,
      %parallel_loop3A_655 = vector.shape_cast %parallel_loop3A_654 : vector<16xi32> to vector<16xi32>
      %parallel_loop3A_656 = vector.extract_strided_slice %parallel_loop3A_655 {offsets = [0], sizes = [1], strides = [1]} : vector<16xi32> to vector<1xi32>
      %parallel_loop3A_657 = vector.extract %parallel_loop3A_656[0] : i32 from vector<1xi32>
      %parallel_loop3A_658 = arith.constant 16 : i32
      %parallel_loop3A_659 = arith.muli %parallel_loop3A_650, %parallel_loop3A_658 : i32
      %parallel_loop3A_660 = arith.constant 0 : i32
      %parallel_loop3A_661 = arith.addi %parallel_loop3A_659, %parallel_loop3A_660 : i32
      %parallel_loop3A_662 = arith.constant 0 : i32
      %parallel_loop3A_663 = tpu.memref_slice %arg6[%parallel_loop3A_661, %parallel_loop3A_662] : memref<512x64xf32, #tpu.memory_space<vmem>> -> memref<1x64xf32, #tpu.memory_space<vmem>>
      %parallel_loop3A_664 = tpu.memref_squeeze %parallel_loop3A_663 : memref<1x64xf32, #tpu.memory_space<vmem>> -> memref<64xf32, #tpu.memory_space<vmem>>
      %parallel_loop3A_665 = arith.constant 0 : i32
      %parallel_loop3A_666 = tpu.memref_slice %arg3[%parallel_loop3A_657, %parallel_loop3A_665] : memref<1000001x64xf32, #tpu.memory_space<hbm>> -> memref<1x64xf32, #tpu.memory_space<hbm>>
      %parallel_loop3A_667 = tpu.memref_squeeze %parallel_loop3A_666 : memref<1x64xf32, #tpu.memory_space<hbm>> -> memref<64xf32, #tpu.memory_space<hbm>>
      %parallel_loop3A_668 = arith.constant 0 : i32
      %parallel_loop3A_669 = tpu.memref_slice %arg6[%parallel_loop3A_661, %parallel_loop3A_668] : memref<512x64xf32, #tpu.memory_space<vmem>> -> memref<1x64xf32, #tpu.memory_space<vmem>>
      %parallel_loop3A_670 = tpu.memref_squeeze %parallel_loop3A_669 : memref<1x64xf32, #tpu.memory_space<vmem>> -> memref<64xf32, #tpu.memory_space<vmem>>
      %parallel_loop3A_671 = arith.constant 0 : i32
      %parallel_loop3A_672 = tpu.memref_slice %arg3[%parallel_loop3A_657, %parallel_loop3A_671] : memref<1000001x64xf32, #tpu.memory_space<hbm>> -> memref<1x64xf32, #tpu.memory_space<hbm>>
      %parallel_loop3A_673 = tpu.memref_squeeze %parallel_loop3A_672 : memref<1x64xf32, #tpu.memory_space<hbm>> -> memref<64xf32, #tpu.memory_space<hbm>>
      tpu.enqueue_dma source(%parallel_loop3A_673 : memref<64xf32, #tpu.memory_space<hbm>>) target(%parallel_loop3A_670 : memref<64xf32, #tpu.memory_space<vmem>>) target_semaphore(%arg9 : memref<!tpu.dma_semaphore, #tpu.memory_space<semaphore_mem>>)
      %parallel_loop3A_674 = vector.extract_strided_slice %parallel_loop3A_655 {offsets = [1], sizes = [1], strides = [1]} : vector<16xi32> to vector<1xi32>
      %parallel_loop3A_675 = vector.extract %parallel_loop3A_674[0] : i32 from vector<1xi32>
      %parallel_loop3A_676 = arith.constant 16 : i32
      %parallel_loop3A_677 = arith.muli %parallel_loop3A_650, %parallel_loop3A_676 : i32
      %parallel_loop3A_678 = arith.constant 1 : i32
      %parallel_loop3A_679 = arith.addi %parallel_loop3A_677, %parallel_loop3A_678 : i32
      %parallel_loop3A_680 = arith.constant 0 : i32
      %parallel_loop3A_681 = tpu.memref_slice %arg6[%parallel_loop3A_679, %parallel_loop3A_680] : memref<512x64xf32, #tpu.memory_space<vmem>> -> memref<1x64xf32, #tpu.memory_space<vmem>>
      %parallel_loop3A_682 = tpu.memref_squeeze %parallel_loop3A_681 : memref<1x64xf32, #tpu.memory_space<vmem>> -> memref<64xf32, #tpu.memory_space<vmem>>
      %parallel_loop3A_683 = arith.constant 0 : i32
      %parallel_loop3A_684 = tpu.memref_slice %arg3[%parallel_loop3A_675, %parallel_loop3A_683] : memref<1000001x64xf32, #tpu.memory_space<hbm>> -> memref<1x64xf32, #tpu.memory_space<hbm>>
      %parallel_loop3A_685 = tpu.memref_squeeze %parallel_loop3A_684 : memref<1x64xf32, #tpu.memory_space<hbm>> -> memref<64xf32, #tpu.memory_space<hbm>>
      %parallel_loop3A_686 = arith.constant 0 : i32
      %parallel_loop3A_687 = tpu.memref_slice %arg6[%parallel_loop3A_679, %parallel_loop3A_686] : memref<512x64xf32, #tpu.memory_space<vmem>> -> memref<1x64xf32, #tpu.memory_space<vmem>>
      %parallel_loop3A_688 = tpu.memref_squeeze %parallel_loop3A_687 : memref<1x64xf32, #tpu.memory_space<vmem>> -> memref<64xf32, #tpu.memory_space<vmem>>
      %parallel_loop3A_689 = arith.constant 0 : i32
      %parallel_loop3A_690 = tpu.memref_slice %arg3[%parallel_loop3A_675, %parallel_loop3A_689] : memref<1000001x64xf32, #tpu.memory_space<hbm>> -> memref<1x64xf32, #tpu.memory_space<hbm>>
      %parallel_loop3A_691 = tpu.memref_squeeze %parallel_loop3A_690 : memref<1x64xf32, #tpu.memory_space<hbm>> -> memref<64xf32, #tpu.memory_space<hbm>>
      tpu.enqueue_dma source(%parallel_loop3A_691 : memref<64xf32, #tpu.memory_space<hbm>>) target(%parallel_loop3A_688 : memref<64xf32, #tpu.memory_space<vmem>>) target_semaphore(%arg9 : memref<!tpu.dma_semaphore, #tpu.memory_space<semaphore_mem>>)
      %parallel_loop3A_692 = vector.extract_strided_slice %parallel_loop3A_655 {offsets = [2], sizes = [1], strides = [1]} : vector<16xi32> to vector<1xi32>
      %parallel_loop3A_693 = vector.extract %parallel_loop3A_692[0] : i32 from vector<1xi32>
      %parallel_loop3A_694 = arith.constant 16 : i32
      %parallel_loop3A_695 = arith.muli %parallel_loop3A_650, %parallel_loop3A_694 : i32
      %parallel_loop3A_696 = arith.constant 2 : i32
      %parallel_loop3A_697 = arith.addi %parallel_loop3A_695, %parallel_loop3A_696 : i32
      %parallel_loop3A_698 = arith.constant 0 : i32
      %parallel_loop3A_699 = tpu.memref_slice %arg6[%parallel_loop3A_697, %parallel_loop3A_698] : memref<512x64xf32, #tpu.memory_space<vmem>> -> memref<1x64xf32, #tpu.memory_space<vmem>>
      %parallel_loop3A_700 = tpu.memref_squeeze %parallel_loop3A_699 : memref<1x64xf32, #tpu.memory_space<vmem>> -> memref<64xf32, #tpu.memory_space<vmem>>
      %parallel_loop3A_701 = arith.constant 0 : i32
      %parallel_loop3A_702 = tpu.memref_slice %arg3[%parallel_loop3A_693, %parallel_loop3A_701] : memref<1000001x64xf32, #tpu.memory_space<hbm>> -> memref<1x64xf32, #tpu.memory_space<hbm>>
      %parallel_loop3A_703 = tpu.memref_squeeze %parallel_loop3A_702 : memref<1x64xf32, #tpu.memory_space<hbm>> -> memref<64xf32, #tpu.memory_space<hbm>>
      %parallel_loop3A_704 = arith.constant 0 : i32
      %parallel_loop3A_705 = tpu.memref_slice %arg6[%parallel_loop3A_697, %parallel_loop3A_704] : memref<512x64xf32, #tpu.memory_space<vmem>> -> memref<1x64xf32, #tpu.memory_space<vmem>>
      %parallel_loop3A_706 = tpu.memref_squeeze %parallel_loop3A_705 : memref<1x64xf32, #tpu.memory_space<vmem>> -> memref<64xf32, #tpu.memory_space<vmem>>
      %parallel_loop3A_707 = arith.constant 0 : i32
      %parallel_loop3A_708 = tpu.memref_slice %arg3[%parallel_loop3A_693, %parallel_loop3A_707] : memref<1000001x64xf32, #tpu.memory_space<hbm>> -> memref<1x64xf32, #tpu.memory_space<hbm>>
      %parallel_loop3A_709 = tpu.memref_squeeze %parallel_loop3A_708 : memref<1x64xf32, #tpu.memory_space<hbm>> -> memref<64xf32, #tpu.memory_space<hbm>>
      tpu.enqueue_dma source(%parallel_loop3A_709 : memref<64xf32, #tpu.memory_space<hbm>>) target(%parallel_loop3A_706 : memref<64xf32, #tpu.memory_space<vmem>>) target_semaphore(%arg9 : memref<!tpu.dma_semaphore, #tpu.memory_space<semaphore_mem>>)
      %parallel_loop3A_710 = vector.extract_strided_slice %parallel_loop3A_655 {offsets = [3], sizes = [1], strides = [1]} : vector<16xi32> to vector<1xi32>
      %parallel_loop3A_711 = vector.extract %parallel_loop3A_710[0] : i32 from vector<1xi32>
      %parallel_loop3A_712 = arith.constant 16 : i32
      %parallel_loop3A_713 = arith.muli %parallel_loop3A_650, %parallel_loop3A_712 : i32
      %parallel_loop3A_714 = arith.constant 3 : i32
      %parallel_loop3A_715 = arith.addi %parallel_loop3A_713, %parallel_loop3A_714 : i32
      %parallel_loop3A_716 = arith.constant 0 : i32
      %parallel_loop3A_717 = tpu.memref_slice %arg6[%parallel_loop3A_715, %parallel_loop3A_716] : memref<512x64xf32, #tpu.memory_space<vmem>> -> memref<1x64xf32, #tpu.memory_space<vmem>>
      %parallel_loop3A_718 = tpu.memref_squeeze %parallel_loop3A_717 : memref<1x64xf32, #tpu.memory_space<vmem>> -> memref<64xf32, #tpu.memory_space<vmem>>
      %parallel_loop3A_719 = arith.constant 0 : i32
      %parallel_loop3A_720 = tpu.memref_slice %arg3[%parallel_loop3A_711, %parallel_loop3A_719] : memref<1000001x64xf32, #tpu.memory_space<hbm>> -> memref<1x64xf32, #tpu.memory_space<hbm>>
      %parallel_loop3A_721 = tpu.memref_squeeze %parallel_loop3A_720 : memref<1x64xf32, #tpu.memory_space<hbm>> -> memref<64xf32, #tpu.memory_space<hbm>>
      %parallel_loop3A_722 = arith.constant 0 : i32
      %parallel_loop3A_723 = tpu.memref_slice %arg6[%parallel_loop3A_715, %parallel_loop3A_722] : memref<512x64xf32, #tpu.memory_space<vmem>> -> memref<1x64xf32, #tpu.memory_space<vmem>>
      %parallel_loop3A_724 = tpu.memref_squeeze %parallel_loop3A_723 : memref<1x64xf32, #tpu.memory_space<vmem>> -> memref<64xf32, #tpu.memory_space<vmem>>
      %parallel_loop3A_725 = arith.constant 0 : i32
      %parallel_loop3A_726 = tpu.memref_slice %arg3[%parallel_loop3A_711, %parallel_loop3A_725] : memref<1000001x64xf32, #tpu.memory_space<hbm>> -> memref<1x64xf32, #tpu.memory_space<hbm>>
      %parallel_loop3A_727 = tpu.memref_squeeze %parallel_loop3A_726 : memref<1x64xf32, #tpu.memory_space<hbm>> -> memref<64xf32, #tpu.memory_space<hbm>>
      tpu.enqueue_dma source(%parallel_loop3A_727 : memref<64xf32, #tpu.memory_space<hbm>>) target(%parallel_loop3A_724 : memref<64xf32, #tpu.memory_space<vmem>>) target_semaphore(%arg9 : memref<!tpu.dma_semaphore, #tpu.memory_space<semaphore_mem>>)
      %parallel_loop3A_728 = vector.extract_strided_slice %parallel_loop3A_655 {offsets = [4], sizes = [1], strides = [1]} : vector<16xi32> to vector<1xi32>
      %parallel_loop3A_729 = vector.extract %parallel_loop3A_728[0] : i32 from vector<1xi32>
      %parallel_loop3A_730 = arith.constant 16 : i32
      %parallel_loop3A_731 = arith.muli %parallel_loop3A_650, %parallel_loop3A_730 : i32
      %parallel_loop3A_732 = arith.constant 4 : i32
      %parallel_loop3A_733 = arith.addi %parallel_loop3A_731, %parallel_loop3A_732 : i32
      %parallel_loop3A_734 = arith.constant 0 : i32
      %parallel_loop3A_735 = tpu.memref_slice %arg6[%parallel_loop3A_733, %parallel_loop3A_734] : memref<512x64xf32, #tpu.memory_space<vmem>> -> memref<1x64xf32, #tpu.memory_space<vmem>>
      %parallel_loop3A_736 = tpu.memref_squeeze %parallel_loop3A_735 : memref<1x64xf32, #tpu.memory_space<vmem>> -> memref<64xf32, #tpu.memory_space<vmem>>
      %parallel_loop3A_737 = arith.constant 0 : i32
      %parallel_loop3A_738 = tpu.memref_slice %arg3[%parallel_loop3A_729, %parallel_loop3A_737] : memref<1000001x64xf32, #tpu.memory_space<hbm>> -> memref<1x64xf32, #tpu.memory_space<hbm>>
      %parallel_loop3A_739 = tpu.memref_squeeze %parallel_loop3A_738 : memref<1x64xf32, #tpu.memory_space<hbm>> -> memref<64xf32, #tpu.memory_space<hbm>>
      %parallel_loop3A_740 = arith.constant 0 : i32
      %parallel_loop3A_741 = tpu.memref_slice %arg6[%parallel_loop3A_733, %parallel_loop3A_740] : memref<512x64xf32, #tpu.memory_space<vmem>> -> memref<1x64xf32, #tpu.memory_space<vmem>>
      %parallel_loop3A_742 = tpu.memref_squeeze %parallel_loop3A_741 : memref<1x64xf32, #tpu.memory_space<vmem>> -> memref<64xf32, #tpu.memory_space<vmem>>
      %parallel_loop3A_743 = arith.constant 0 : i32
      %parallel_loop3A_744 = tpu.memref_slice %arg3[%parallel_loop3A_729, %parallel_loop3A_743] : memref<1000001x64xf32, #tpu.memory_space<hbm>> -> memref<1x64xf32, #tpu.memory_space<hbm>>
      %parallel_loop3A_745 = tpu.memref_squeeze %parallel_loop3A_744 : memref<1x64xf32, #tpu.memory_space<hbm>> -> memref<64xf32, #tpu.memory_space<hbm>>
      tpu.enqueue_dma source(%parallel_loop3A_745 : memref<64xf32, #tpu.memory_space<hbm>>) target(%parallel_loop3A_742 : memref<64xf32, #tpu.memory_space<vmem>>) target_semaphore(%arg9 : memref<!tpu.dma_semaphore, #tpu.memory_space<semaphore_mem>>)
      %parallel_loop3A_746 = vector.extract_strided_slice %parallel_loop3A_655 {offsets = [5], sizes = [1], strides = [1]} : vector<16xi32> to vector<1xi32>
      %parallel_loop3A_747 = vector.extract %parallel_loop3A_746[0] : i32 from vector<1xi32>
      %parallel_loop3A_748 = arith.constant 16 : i32
      %parallel_loop3A_749 = arith.muli %parallel_loop3A_650, %parallel_loop3A_748 : i32
      %parallel_loop3A_750 = arith.constant 5 : i32
      %parallel_loop3A_751 = arith.addi %parallel_loop3A_749, %parallel_loop3A_750 : i32
      %parallel_loop3A_752 = arith.constant 0 : i32
      %parallel_loop3A_753 = tpu.memref_slice %arg6[%parallel_loop3A_751, %parallel_loop3A_752] : memref<512x64xf32, #tpu.memory_space<vmem>> -> memref<1x64xf32, #tpu.memory_space<vmem>>
      %parallel_loop3A_754 = tpu.memref_squeeze %parallel_loop3A_753 : memref<1x64xf32, #tpu.memory_space<vmem>> -> memref<64xf32, #tpu.memory_space<vmem>>
      %parallel_loop3A_755 = arith.constant 0 : i32
      %parallel_loop3A_756 = tpu.memref_slice %arg3[%parallel_loop3A_747, %parallel_loop3A_755] : memref<1000001x64xf32, #tpu.memory_space<hbm>> -> memref<1x64xf32, #tpu.memory_space<hbm>>
      %parallel_loop3A_757 = tpu.memref_squeeze %parallel_loop3A_756 : memref<1x64xf32, #tpu.memory_space<hbm>> -> memref<64xf32, #tpu.memory_space<hbm>>
      %parallel_loop3A_758 = arith.constant 0 : i32
      %parallel_loop3A_759 = tpu.memref_slice %arg6[%parallel_loop3A_751, %parallel_loop3A_758] : memref<512x64xf32, #tpu.memory_space<vmem>> -> memref<1x64xf32, #tpu.memory_space<vmem>>
      %parallel_loop3A_760 = tpu.memref_squeeze %parallel_loop3A_759 : memref<1x64xf32, #tpu.memory_space<vmem>> -> memref<64xf32, #tpu.memory_space<vmem>>
      %parallel_loop3A_761 = arith.constant 0 : i32
      %parallel_loop3A_762 = tpu.memref_slice %arg3[%parallel_loop3A_747, %parallel_loop3A_761] : memref<1000001x64xf32, #tpu.memory_space<hbm>> -> memref<1x64xf32, #tpu.memory_space<hbm>>
      %parallel_loop3A_763 = tpu.memref_squeeze %parallel_loop3A_762 : memref<1x64xf32, #tpu.memory_space<hbm>> -> memref<64xf32, #tpu.memory_space<hbm>>
      tpu.enqueue_dma source(%parallel_loop3A_763 : memref<64xf32, #tpu.memory_space<hbm>>) target(%parallel_loop3A_760 : memref<64xf32, #tpu.memory_space<vmem>>) target_semaphore(%arg9 : memref<!tpu.dma_semaphore, #tpu.memory_space<semaphore_mem>>)
      %parallel_loop3A_764 = vector.extract_strided_slice %parallel_loop3A_655 {offsets = [6], sizes = [1], strides = [1]} : vector<16xi32> to vector<1xi32>
      %parallel_loop3A_765 = vector.extract %parallel_loop3A_764[0] : i32 from vector<1xi32>
      %parallel_loop3A_766 = arith.constant 16 : i32
      %parallel_loop3A_767 = arith.muli %parallel_loop3A_650, %parallel_loop3A_766 : i32
      %parallel_loop3A_768 = arith.constant 6 : i32
      %parallel_loop3A_769 = arith.addi %parallel_loop3A_767, %parallel_loop3A_768 : i32
      %parallel_loop3A_770 = arith.constant 0 : i32
      %parallel_loop3A_771 = tpu.memref_slice %arg6[%parallel_loop3A_769, %parallel_loop3A_770] : memref<512x64xf32, #tpu.memory_space<vmem>> -> memref<1x64xf32, #tpu.memory_space<vmem>>
      %parallel_loop3A_772 = tpu.memref_squeeze %parallel_loop3A_771 : memref<1x64xf32, #tpu.memory_space<vmem>> -> memref<64xf32, #tpu.memory_space<vmem>>
      %parallel_loop3A_773 = arith.constant 0 : i32
      %parallel_loop3A_774 = tpu.memref_slice %arg3[%parallel_loop3A_765, %parallel_loop3A_773] : memref<1000001x64xf32, #tpu.memory_space<hbm>> -> memref<1x64xf32, #tpu.memory_space<hbm>>
      %parallel_loop3A_775 = tpu.memref_squeeze %parallel_loop3A_774 : memref<1x64xf32, #tpu.memory_space<hbm>> -> memref<64xf32, #tpu.memory_space<hbm>>
      %parallel_loop3A_776 = arith.constant 0 : i32
      %parallel_loop3A_777 = tpu.memref_slice %arg6[%parallel_loop3A_769, %parallel_loop3A_776] : memref<512x64xf32, #tpu.memory_space<vmem>> -> memref<1x64xf32, #tpu.memory_space<vmem>>
      %parallel_loop3A_778 = tpu.memref_squeeze %parallel_loop3A_777 : memref<1x64xf32, #tpu.memory_space<vmem>> -> memref<64xf32, #tpu.memory_space<vmem>>
      %parallel_loop3A_779 = arith.constant 0 : i32
      %parallel_loop3A_780 = tpu.memref_slice %arg3[%parallel_loop3A_765, %parallel_loop3A_779] : memref<1000001x64xf32, #tpu.memory_space<hbm>> -> memref<1x64xf32, #tpu.memory_space<hbm>>
      %parallel_loop3A_781 = tpu.memref_squeeze %parallel_loop3A_780 : memref<1x64xf32, #tpu.memory_space<hbm>> -> memref<64xf32, #tpu.memory_space<hbm>>
      tpu.enqueue_dma source(%parallel_loop3A_781 : memref<64xf32, #tpu.memory_space<hbm>>) target(%parallel_loop3A_778 : memref<64xf32, #tpu.memory_space<vmem>>) target_semaphore(%arg9 : memref<!tpu.dma_semaphore, #tpu.memory_space<semaphore_mem>>)
      %parallel_loop3A_782 = vector.extract_strided_slice %parallel_loop3A_655 {offsets = [7], sizes = [1], strides = [1]} : vector<16xi32> to vector<1xi32>
      %parallel_loop3A_783 = vector.extract %parallel_loop3A_782[0] : i32 from vector<1xi32>
      %parallel_loop3A_784 = arith.constant 16 : i32
      %parallel_loop3A_785 = arith.muli %parallel_loop3A_650, %parallel_loop3A_784 : i32
      %parallel_loop3A_786 = arith.constant 7 : i32
      %parallel_loop3A_787 = arith.addi %parallel_loop3A_785, %parallel_loop3A_786 : i32
      %parallel_loop3A_788 = arith.constant 0 : i32
      %parallel_loop3A_789 = tpu.memref_slice %arg6[%parallel_loop3A_787, %parallel_loop3A_788] : memref<512x64xf32, #tpu.memory_space<vmem>> -> memref<1x64xf32, #tpu.memory_space<vmem>>
      %parallel_loop3A_790 = tpu.memref_squeeze %parallel_loop3A_789 : memref<1x64xf32, #tpu.memory_space<vmem>> -> memref<64xf32, #tpu.memory_space<vmem>>
      %parallel_loop3A_791 = arith.constant 0 : i32
      %parallel_loop3A_792 = tpu.memref_slice %arg3[%parallel_loop3A_783, %parallel_loop3A_791] : memref<1000001x64xf32, #tpu.memory_space<hbm>> -> memref<1x64xf32, #tpu.memory_space<hbm>>
      %parallel_loop3A_793 = tpu.memref_squeeze %parallel_loop3A_792 : memref<1x64xf32, #tpu.memory_space<hbm>> -> memref<64xf32, #tpu.memory_space<hbm>>
      %parallel_loop3A_794 = arith.constant 0 : i32
      %parallel_loop3A_795 = tpu.memref_slice %arg6[%parallel_loop3A_787, %parallel_loop3A_794] : memref<512x64xf32, #tpu.memory_space<vmem>> -> memref<1x64xf32, #tpu.memory_space<vmem>>
      %parallel_loop3A_796 = tpu.memref_squeeze %parallel_loop3A_795 : memref<1x64xf32, #tpu.memory_space<vmem>> -> memref<64xf32, #tpu.memory_space<vmem>>
      %parallel_loop3A_797 = arith.constant 0 : i32
      %parallel_loop3A_798 = tpu.memref_slice %arg3[%parallel_loop3A_783, %parallel_loop3A_797] : memref<1000001x64xf32, #tpu.memory_space<hbm>> -> memref<1x64xf32, #tpu.memory_space<hbm>>
      %parallel_loop3A_799 = tpu.memref_squeeze %parallel_loop3A_798 : memref<1x64xf32, #tpu.memory_space<hbm>> -> memref<64xf32, #tpu.memory_space<hbm>>
      tpu.enqueue_dma source(%parallel_loop3A_799 : memref<64xf32, #tpu.memory_space<hbm>>) target(%parallel_loop3A_796 : memref<64xf32, #tpu.memory_space<vmem>>) target_semaphore(%arg9 : memref<!tpu.dma_semaphore, #tpu.memory_space<semaphore_mem>>)
      %parallel_loop3A_800 = vector.extract_strided_slice %parallel_loop3A_655 {offsets = [8], sizes = [1], strides = [1]} : vector<16xi32> to vector<1xi32>
      %parallel_loop3A_801 = vector.extract %parallel_loop3A_800[0] : i32 from vector<1xi32>
      %parallel_loop3A_802 = arith.constant 16 : i32
      %parallel_loop3A_803 = arith.muli %parallel_loop3A_650, %parallel_loop3A_802 : i32
      %parallel_loop3A_804 = arith.constant 8 : i32
      %parallel_loop3A_805 = arith.addi %parallel_loop3A_803, %parallel_loop3A_804 : i32
      %parallel_loop3A_806 = arith.constant 0 : i32
      %parallel_loop3A_807 = tpu.memref_slice %arg6[%parallel_loop3A_805, %parallel_loop3A_806] : memref<512x64xf32, #tpu.memory_space<vmem>> -> memref<1x64xf32, #tpu.memory_space<vmem>>
      %parallel_loop3A_808 = tpu.memref_squeeze %parallel_loop3A_807 : memref<1x64xf32, #tpu.memory_space<vmem>> -> memref<64xf32, #tpu.memory_space<vmem>>
      %parallel_loop3A_809 = arith.constant 0 : i32
      %parallel_loop3A_810 = tpu.memref_slice %arg3[%parallel_loop3A_801, %parallel_loop3A_809] : memref<1000001x64xf32, #tpu.memory_space<hbm>> -> memref<1x64xf32, #tpu.memory_space<hbm>>
      %parallel_loop3A_811 = tpu.memref_squeeze %parallel_loop3A_810 : memref<1x64xf32, #tpu.memory_space<hbm>> -> memref<64xf32, #tpu.memory_space<hbm>>
      %parallel_loop3A_812 = arith.constant 0 : i32
      %parallel_loop3A_813 = tpu.memref_slice %arg6[%parallel_loop3A_805, %parallel_loop3A_812] : memref<512x64xf32, #tpu.memory_space<vmem>> -> memref<1x64xf32, #tpu.memory_space<vmem>>
      %parallel_loop3A_814 = tpu.memref_squeeze %parallel_loop3A_813 : memref<1x64xf32, #tpu.memory_space<vmem>> -> memref<64xf32, #tpu.memory_space<vmem>>
      %parallel_loop3A_815 = arith.constant 0 : i32
      %parallel_loop3A_816 = tpu.memref_slice %arg3[%parallel_loop3A_801, %parallel_loop3A_815] : memref<1000001x64xf32, #tpu.memory_space<hbm>> -> memref<1x64xf32, #tpu.memory_space<hbm>>
      %parallel_loop3A_817 = tpu.memref_squeeze %parallel_loop3A_816 : memref<1x64xf32, #tpu.memory_space<hbm>> -> memref<64xf32, #tpu.memory_space<hbm>>
      tpu.enqueue_dma source(%parallel_loop3A_817 : memref<64xf32, #tpu.memory_space<hbm>>) target(%parallel_loop3A_814 : memref<64xf32, #tpu.memory_space<vmem>>) target_semaphore(%arg9 : memref<!tpu.dma_semaphore, #tpu.memory_space<semaphore_mem>>)
      %parallel_loop3A_818 = vector.extract_strided_slice %parallel_loop3A_655 {offsets = [9], sizes = [1], strides = [1]} : vector<16xi32> to vector<1xi32>
      %parallel_loop3A_819 = vector.extract %parallel_loop3A_818[0] : i32 from vector<1xi32>
      %parallel_loop3A_820 = arith.constant 16 : i32
      %parallel_loop3A_821 = arith.muli %parallel_loop3A_650, %parallel_loop3A_820 : i32
      %parallel_loop3A_822 = arith.constant 9 : i32
      %parallel_loop3A_823 = arith.addi %parallel_loop3A_821, %parallel_loop3A_822 : i32
      %parallel_loop3A_824 = arith.constant 0 : i32
      %parallel_loop3A_825 = tpu.memref_slice %arg6[%parallel_loop3A_823, %parallel_loop3A_824] : memref<512x64xf32, #tpu.memory_space<vmem>> -> memref<1x64xf32, #tpu.memory_space<vmem>>
      %parallel_loop3A_826 = tpu.memref_squeeze %parallel_loop3A_825 : memref<1x64xf32, #tpu.memory_space<vmem>> -> memref<64xf32, #tpu.memory_space<vmem>>
      %parallel_loop3A_827 = arith.constant 0 : i32
      %parallel_loop3A_828 = tpu.memref_slice %arg3[%parallel_loop3A_819, %parallel_loop3A_827] : memref<1000001x64xf32, #tpu.memory_space<hbm>> -> memref<1x64xf32, #tpu.memory_space<hbm>>
      %parallel_loop3A_829 = tpu.memref_squeeze %parallel_loop3A_828 : memref<1x64xf32, #tpu.memory_space<hbm>> -> memref<64xf32, #tpu.memory_space<hbm>>
      %parallel_loop3A_830 = arith.constant 0 : i32
      %parallel_loop3A_831 = tpu.memref_slice %arg6[%parallel_loop3A_823, %parallel_loop3A_830] : memref<512x64xf32, #tpu.memory_space<vmem>> -> memref<1x64xf32, #tpu.memory_space<vmem>>
      %parallel_loop3A_832 = tpu.memref_squeeze %parallel_loop3A_831 : memref<1x64xf32, #tpu.memory_space<vmem>> -> memref<64xf32, #tpu.memory_space<vmem>>
      %parallel_loop3A_833 = arith.constant 0 : i32
      %parallel_loop3A_834 = tpu.memref_slice %arg3[%parallel_loop3A_819, %parallel_loop3A_833] : memref<1000001x64xf32, #tpu.memory_space<hbm>> -> memref<1x64xf32, #tpu.memory_space<hbm>>
      %parallel_loop3A_835 = tpu.memref_squeeze %parallel_loop3A_834 : memref<1x64xf32, #tpu.memory_space<hbm>> -> memref<64xf32, #tpu.memory_space<hbm>>
      tpu.enqueue_dma source(%parallel_loop3A_835 : memref<64xf32, #tpu.memory_space<hbm>>) target(%parallel_loop3A_832 : memref<64xf32, #tpu.memory_space<vmem>>) target_semaphore(%arg9 : memref<!tpu.dma_semaphore, #tpu.memory_space<semaphore_mem>>)
      %parallel_loop3A_836 = vector.extract_strided_slice %parallel_loop3A_655 {offsets = [10], sizes = [1], strides = [1]} : vector<16xi32> to vector<1xi32>
      %parallel_loop3A_837 = vector.extract %parallel_loop3A_836[0] : i32 from vector<1xi32>
      %parallel_loop3A_838 = arith.constant 16 : i32
      %parallel_loop3A_839 = arith.muli %parallel_loop3A_650, %parallel_loop3A_838 : i32
      %parallel_loop3A_840 = arith.constant 10 : i32
      %parallel_loop3A_841 = arith.addi %parallel_loop3A_839, %parallel_loop3A_840 : i32
      %parallel_loop3A_842 = arith.constant 0 : i32
      %parallel_loop3A_843 = tpu.memref_slice %arg6[%parallel_loop3A_841, %parallel_loop3A_842] : memref<512x64xf32, #tpu.memory_space<vmem>> -> memref<1x64xf32, #tpu.memory_space<vmem>>
      %parallel_loop3A_844 = tpu.memref_squeeze %parallel_loop3A_843 : memref<1x64xf32, #tpu.memory_space<vmem>> -> memref<64xf32, #tpu.memory_space<vmem>>
      %parallel_loop3A_845 = arith.constant 0 : i32
      %parallel_loop3A_846 = tpu.memref_slice %arg3[%parallel_loop3A_837, %parallel_loop3A_845] : memref<1000001x64xf32, #tpu.memory_space<hbm>> -> memref<1x64xf32, #tpu.memory_space<hbm>>
      %parallel_loop3A_847 = tpu.memref_squeeze %parallel_loop3A_846 : memref<1x64xf32, #tpu.memory_space<hbm>> -> memref<64xf32, #tpu.memory_space<hbm>>
      %parallel_loop3A_848 = arith.constant 0 : i32
      %parallel_loop3A_849 = tpu.memref_slice %arg6[%parallel_loop3A_841, %parallel_loop3A_848] : memref<512x64xf32, #tpu.memory_space<vmem>> -> memref<1x64xf32, #tpu.memory_space<vmem>>
      %parallel_loop3A_850 = tpu.memref_squeeze %parallel_loop3A_849 : memref<1x64xf32, #tpu.memory_space<vmem>> -> memref<64xf32, #tpu.memory_space<vmem>>
      %parallel_loop3A_851 = arith.constant 0 : i32
      %parallel_loop3A_852 = tpu.memref_slice %arg3[%parallel_loop3A_837, %parallel_loop3A_851] : memref<1000001x64xf32, #tpu.memory_space<hbm>> -> memref<1x64xf32, #tpu.memory_space<hbm>>
      %parallel_loop3A_853 = tpu.memref_squeeze %parallel_loop3A_852 : memref<1x64xf32, #tpu.memory_space<hbm>> -> memref<64xf32, #tpu.memory_space<hbm>>
      tpu.enqueue_dma source(%parallel_loop3A_853 : memref<64xf32, #tpu.memory_space<hbm>>) target(%parallel_loop3A_850 : memref<64xf32, #tpu.memory_space<vmem>>) target_semaphore(%arg9 : memref<!tpu.dma_semaphore, #tpu.memory_space<semaphore_mem>>)
      %parallel_loop3A_854 = vector.extract_strided_slice %parallel_loop3A_655 {offsets = [11], sizes = [1], strides = [1]} : vector<16xi32> to vector<1xi32>
      %parallel_loop3A_855 = vector.extract %parallel_loop3A_854[0] : i32 from vector<1xi32>
      %parallel_loop3A_856 = arith.constant 16 : i32
      %parallel_loop3A_857 = arith.muli %parallel_loop3A_650, %parallel_loop3A_856 : i32
      %parallel_loop3A_858 = arith.constant 11 : i32
      %parallel_loop3A_859 = arith.addi %parallel_loop3A_857, %parallel_loop3A_858 : i32
      %parallel_loop3A_860 = arith.constant 0 : i32
      %parallel_loop3A_861 = tpu.memref_slice %arg6[%parallel_loop3A_859, %parallel_loop3A_860] : memref<512x64xf32, #tpu.memory_space<vmem>> -> memref<1x64xf32, #tpu.memory_space<vmem>>
      %parallel_loop3A_862 = tpu.memref_squeeze %parallel_loop3A_861 : memref<1x64xf32, #tpu.memory_space<vmem>> -> memref<64xf32, #tpu.memory_space<vmem>>
      %parallel_loop3A_863 = arith.constant 0 : i32
      %parallel_loop3A_864 = tpu.memref_slice %arg3[%parallel_loop3A_855, %parallel_loop3A_863] : memref<1000001x64xf32, #tpu.memory_space<hbm>> -> memref<1x64xf32, #tpu.memory_space<hbm>>
      %parallel_loop3A_865 = tpu.memref_squeeze %parallel_loop3A_864 : memref<1x64xf32, #tpu.memory_space<hbm>> -> memref<64xf32, #tpu.memory_space<hbm>>
      %parallel_loop3A_866 = arith.constant 0 : i32
      %parallel_loop3A_867 = tpu.memref_slice %arg6[%parallel_loop3A_859, %parallel_loop3A_866] : memref<512x64xf32, #tpu.memory_space<vmem>> -> memref<1x64xf32, #tpu.memory_space<vmem>>
      %parallel_loop3A_868 = tpu.memref_squeeze %parallel_loop3A_867 : memref<1x64xf32, #tpu.memory_space<vmem>> -> memref<64xf32, #tpu.memory_space<vmem>>
      %parallel_loop3A_869 = arith.constant 0 : i32
      %parallel_loop3A_870 = tpu.memref_slice %arg3[%parallel_loop3A_855, %parallel_loop3A_869] : memref<1000001x64xf32, #tpu.memory_space<hbm>> -> memref<1x64xf32, #tpu.memory_space<hbm>>
      %parallel_loop3A_871 = tpu.memref_squeeze %parallel_loop3A_870 : memref<1x64xf32, #tpu.memory_space<hbm>> -> memref<64xf32, #tpu.memory_space<hbm>>
      tpu.enqueue_dma source(%parallel_loop3A_871 : memref<64xf32, #tpu.memory_space<hbm>>) target(%parallel_loop3A_868 : memref<64xf32, #tpu.memory_space<vmem>>) target_semaphore(%arg9 : memref<!tpu.dma_semaphore, #tpu.memory_space<semaphore_mem>>)
      %parallel_loop3A_872 = vector.extract_strided_slice %parallel_loop3A_655 {offsets = [12], sizes = [1], strides = [1]} : vector<16xi32> to vector<1xi32>
      %parallel_loop3A_873 = vector.extract %parallel_loop3A_872[0] : i32 from vector<1xi32>
      %parallel_loop3A_874 = arith.constant 16 : i32
      %parallel_loop3A_875 = arith.muli %parallel_loop3A_650, %parallel_loop3A_874 : i32
      %parallel_loop3A_876 = arith.constant 12 : i32
      %parallel_loop3A_877 = arith.addi %parallel_loop3A_875, %parallel_loop3A_876 : i32
      %parallel_loop3A_878 = arith.constant 0 : i32
      %parallel_loop3A_879 = tpu.memref_slice %arg6[%parallel_loop3A_877, %parallel_loop3A_878] : memref<512x64xf32, #tpu.memory_space<vmem>> -> memref<1x64xf32, #tpu.memory_space<vmem>>
      %parallel_loop3A_880 = tpu.memref_squeeze %parallel_loop3A_879 : memref<1x64xf32, #tpu.memory_space<vmem>> -> memref<64xf32, #tpu.memory_space<vmem>>
      %parallel_loop3A_881 = arith.constant 0 : i32
      %parallel_loop3A_882 = tpu.memref_slice %arg3[%parallel_loop3A_873, %parallel_loop3A_881] : memref<1000001x64xf32, #tpu.memory_space<hbm>> -> memref<1x64xf32, #tpu.memory_space<hbm>>
      %parallel_loop3A_883 = tpu.memref_squeeze %parallel_loop3A_882 : memref<1x64xf32, #tpu.memory_space<hbm>> -> memref<64xf32, #tpu.memory_space<hbm>>
      %parallel_loop3A_884 = arith.constant 0 : i32
      %parallel_loop3A_885 = tpu.memref_slice %arg6[%parallel_loop3A_877, %parallel_loop3A_884] : memref<512x64xf32, #tpu.memory_space<vmem>> -> memref<1x64xf32, #tpu.memory_space<vmem>>
      %parallel_loop3A_886 = tpu.memref_squeeze %parallel_loop3A_885 : memref<1x64xf32, #tpu.memory_space<vmem>> -> memref<64xf32, #tpu.memory_space<vmem>>
      %parallel_loop3A_887 = arith.constant 0 : i32
      %parallel_loop3A_888 = tpu.memref_slice %arg3[%parallel_loop3A_873, %parallel_loop3A_887] : memref<1000001x64xf32, #tpu.memory_space<hbm>> -> memref<1x64xf32, #tpu.memory_space<hbm>>
      %parallel_loop3A_889 = tpu.memref_squeeze %parallel_loop3A_888 : memref<1x64xf32, #tpu.memory_space<hbm>> -> memref<64xf32, #tpu.memory_space<hbm>>
      tpu.enqueue_dma source(%parallel_loop3A_889 : memref<64xf32, #tpu.memory_space<hbm>>) target(%parallel_loop3A_886 : memref<64xf32, #tpu.memory_space<vmem>>) target_semaphore(%arg9 : memref<!tpu.dma_semaphore, #tpu.memory_space<semaphore_mem>>)
      %parallel_loop3A_890 = vector.extract_strided_slice %parallel_loop3A_655 {offsets = [13], sizes = [1], strides = [1]} : vector<16xi32> to vector<1xi32>
      %parallel_loop3A_891 = vector.extract %parallel_loop3A_890[0] : i32 from vector<1xi32>
      %parallel_loop3A_892 = arith.constant 16 : i32
      %parallel_loop3A_893 = arith.muli %parallel_loop3A_650, %parallel_loop3A_892 : i32
      %parallel_loop3A_894 = arith.constant 13 : i32
      %parallel_loop3A_895 = arith.addi %parallel_loop3A_893, %parallel_loop3A_894 : i32
      %parallel_loop3A_896 = arith.constant 0 : i32
      %parallel_loop3A_897 = tpu.memref_slice %arg6[%parallel_loop3A_895, %parallel_loop3A_896] : memref<512x64xf32, #tpu.memory_space<vmem>> -> memref<1x64xf32, #tpu.memory_space<vmem>>
      %parallel_loop3A_898 = tpu.memref_squeeze %parallel_loop3A_897 : memref<1x64xf32, #tpu.memory_space<vmem>> -> memref<64xf32, #tpu.memory_space<vmem>>
      %parallel_loop3A_899 = arith.constant 0 : i32
      %parallel_loop3A_900 = tpu.memref_slice %arg3[%parallel_loop3A_891, %parallel_loop3A_899] : memref<1000001x64xf32, #tpu.memory_space<hbm>> -> memref<1x64xf32, #tpu.memory_space<hbm>>
      %parallel_loop3A_901 = tpu.memref_squeeze %parallel_loop3A_900 : memref<1x64xf32, #tpu.memory_space<hbm>> -> memref<64xf32, #tpu.memory_space<hbm>>
      %parallel_loop3A_902 = arith.constant 0 : i32
      %parallel_loop3A_903 = tpu.memref_slice %arg6[%parallel_loop3A_895, %parallel_loop3A_902] : memref<512x64xf32, #tpu.memory_space<vmem>> -> memref<1x64xf32, #tpu.memory_space<vmem>>
      %parallel_loop3A_904 = tpu.memref_squeeze %parallel_loop3A_903 : memref<1x64xf32, #tpu.memory_space<vmem>> -> memref<64xf32, #tpu.memory_space<vmem>>
      %parallel_loop3A_905 = arith.constant 0 : i32
      %parallel_loop3A_906 = tpu.memref_slice %arg3[%parallel_loop3A_891, %parallel_loop3A_905] : memref<1000001x64xf32, #tpu.memory_space<hbm>> -> memref<1x64xf32, #tpu.memory_space<hbm>>
      %parallel_loop3A_907 = tpu.memref_squeeze %parallel_loop3A_906 : memref<1x64xf32, #tpu.memory_space<hbm>> -> memref<64xf32, #tpu.memory_space<hbm>>
      tpu.enqueue_dma source(%parallel_loop3A_907 : memref<64xf32, #tpu.memory_space<hbm>>) target(%parallel_loop3A_904 : memref<64xf32, #tpu.memory_space<vmem>>) target_semaphore(%arg9 : memref<!tpu.dma_semaphore, #tpu.memory_space<semaphore_mem>>)
      %parallel_loop3A_908 = vector.extract_strided_slice %parallel_loop3A_655 {offsets = [14], sizes = [1], strides = [1]} : vector<16xi32> to vector<1xi32>
      %parallel_loop3A_909 = vector.extract %parallel_loop3A_908[0] : i32 from vector<1xi32>
      %parallel_loop3A_910 = arith.constant 16 : i32
      %parallel_loop3A_911 = arith.muli %parallel_loop3A_650, %parallel_loop3A_910 : i32
      %parallel_loop3A_912 = arith.constant 14 : i32
      %parallel_loop3A_913 = arith.addi %parallel_loop3A_911, %parallel_loop3A_912 : i32
      %parallel_loop3A_914 = arith.constant 0 : i32
      %parallel_loop3A_915 = tpu.memref_slice %arg6[%parallel_loop3A_913, %parallel_loop3A_914] : memref<512x64xf32, #tpu.memory_space<vmem>> -> memref<1x64xf32, #tpu.memory_space<vmem>>
      %parallel_loop3A_916 = tpu.memref_squeeze %parallel_loop3A_915 : memref<1x64xf32, #tpu.memory_space<vmem>> -> memref<64xf32, #tpu.memory_space<vmem>>
      %parallel_loop3A_917 = arith.constant 0 : i32
      %parallel_loop3A_918 = tpu.memref_slice %arg3[%parallel_loop3A_909, %parallel_loop3A_917] : memref<1000001x64xf32, #tpu.memory_space<hbm>> -> memref<1x64xf32, #tpu.memory_space<hbm>>
      %parallel_loop3A_919 = tpu.memref_squeeze %parallel_loop3A_918 : memref<1x64xf32, #tpu.memory_space<hbm>> -> memref<64xf32, #tpu.memory_space<hbm>>
      %parallel_loop3A_920 = arith.constant 0 : i32
      %parallel_loop3A_921 = tpu.memref_slice %arg6[%parallel_loop3A_913, %parallel_loop3A_920] : memref<512x64xf32, #tpu.memory_space<vmem>> -> memref<1x64xf32, #tpu.memory_space<vmem>>
      %parallel_loop3A_922 = tpu.memref_squeeze %parallel_loop3A_921 : memref<1x64xf32, #tpu.memory_space<vmem>> -> memref<64xf32, #tpu.memory_space<vmem>>
      %parallel_loop3A_923 = arith.constant 0 : i32
      %parallel_loop3A_924 = tpu.memref_slice %arg3[%parallel_loop3A_909, %parallel_loop3A_923] : memref<1000001x64xf32, #tpu.memory_space<hbm>> -> memref<1x64xf32, #tpu.memory_space<hbm>>
      %parallel_loop3A_925 = tpu.memref_squeeze %parallel_loop3A_924 : memref<1x64xf32, #tpu.memory_space<hbm>> -> memref<64xf32, #tpu.memory_space<hbm>>
      tpu.enqueue_dma source(%parallel_loop3A_925 : memref<64xf32, #tpu.memory_space<hbm>>) target(%parallel_loop3A_922 : memref<64xf32, #tpu.memory_space<vmem>>) target_semaphore(%arg9 : memref<!tpu.dma_semaphore, #tpu.memory_space<semaphore_mem>>)
      %parallel_loop3A_926 = vector.extract_strided_slice %parallel_loop3A_655 {offsets = [15], sizes = [1], strides = [1]} : vector<16xi32> to vector<1xi32>
      %parallel_loop3A_927 = vector.extract %parallel_loop3A_926[0] : i32 from vector<1xi32>
      %parallel_loop3A_928 = arith.constant 16 : i32
      %parallel_loop3A_929 = arith.muli %parallel_loop3A_650, %parallel_loop3A_928 : i32
      %parallel_loop3A_930 = arith.constant 15 : i32
      %parallel_loop3A_931 = arith.addi %parallel_loop3A_929, %parallel_loop3A_930 : i32
      %parallel_loop3A_932 = arith.constant 0 : i32
      %parallel_loop3A_933 = tpu.memref_slice %arg6[%parallel_loop3A_931, %parallel_loop3A_932] : memref<512x64xf32, #tpu.memory_space<vmem>> -> memref<1x64xf32, #tpu.memory_space<vmem>>
      %parallel_loop3A_934 = tpu.memref_squeeze %parallel_loop3A_933 : memref<1x64xf32, #tpu.memory_space<vmem>> -> memref<64xf32, #tpu.memory_space<vmem>>
      %parallel_loop3A_935 = arith.constant 0 : i32
      %parallel_loop3A_936 = tpu.memref_slice %arg3[%parallel_loop3A_927, %parallel_loop3A_935] : memref<1000001x64xf32, #tpu.memory_space<hbm>> -> memref<1x64xf32, #tpu.memory_space<hbm>>
      %parallel_loop3A_937 = tpu.memref_squeeze %parallel_loop3A_936 : memref<1x64xf32, #tpu.memory_space<hbm>> -> memref<64xf32, #tpu.memory_space<hbm>>
      %parallel_loop3A_938 = arith.constant 0 : i32
      %parallel_loop3A_939 = tpu.memref_slice %arg6[%parallel_loop3A_931, %parallel_loop3A_938] : memref<512x64xf32, #tpu.memory_space<vmem>> -> memref<1x64xf32, #tpu.memory_space<vmem>>
      %parallel_loop3A_940 = tpu.memref_squeeze %parallel_loop3A_939 : memref<1x64xf32, #tpu.memory_space<vmem>> -> memref<64xf32, #tpu.memory_space<vmem>>
      %parallel_loop3A_941 = arith.constant 0 : i32
      %parallel_loop3A_942 = tpu.memref_slice %arg3[%parallel_loop3A_927, %parallel_loop3A_941] : memref<1000001x64xf32, #tpu.memory_space<hbm>> -> memref<1x64xf32, #tpu.memory_space<hbm>>
      %parallel_loop3A_943 = tpu.memref_squeeze %parallel_loop3A_942 : memref<1x64xf32, #tpu.memory_space<hbm>> -> memref<64xf32, #tpu.memory_space<hbm>>
      tpu.enqueue_dma source(%parallel_loop3A_943 : memref<64xf32, #tpu.memory_space<hbm>>) target(%parallel_loop3A_940 : memref<64xf32, #tpu.memory_space<vmem>>) target_semaphore(%arg9 : memref<!tpu.dma_semaphore, #tpu.memory_space<semaphore_mem>>)
      %parallel_loop3A_944 = arith.constant 4 : i32
      %parallel_loop3A_945 = arith.muli %parallel_loop3A_52, %parallel_loop3A_944 : i32
      %parallel_loop3A_946 = arith.constant 3 : i32
      %parallel_loop3A_947 = arith.addi %parallel_loop3A_945, %parallel_loop3A_946 : i32
      %parallel_loop3A_948 = arith.constant 16 : i32
      %parallel_loop3A_949 = arith.muli %parallel_loop3A_947, %parallel_loop3A_948 : i32
      %parallel_loop3A_950 = arith.index_cast %parallel_loop3A_949 : i32 to index
      %parallel_loop3A_951 = tpu.vector_load %arg5[%parallel_loop3A_950] {strides = array<i32>} : memref<512xi32, #tpu.memory_space<vmem>>, vector<16xi32>,
      %parallel_loop3A_952 = vector.shape_cast %parallel_loop3A_951 : vector<16xi32> to vector<16xi32>
      %parallel_loop3A_953 = vector.extract_strided_slice %parallel_loop3A_952 {offsets = [0], sizes = [1], strides = [1]} : vector<16xi32> to vector<1xi32>
      %parallel_loop3A_954 = vector.extract %parallel_loop3A_953[0] : i32 from vector<1xi32>
      %parallel_loop3A_955 = arith.constant 16 : i32
      %parallel_loop3A_956 = arith.muli %parallel_loop3A_947, %parallel_loop3A_955 : i32
      %parallel_loop3A_957 = arith.constant 0 : i32
      %parallel_loop3A_958 = arith.addi %parallel_loop3A_956, %parallel_loop3A_957 : i32
      %parallel_loop3A_959 = arith.constant 0 : i32
      %parallel_loop3A_960 = tpu.memref_slice %arg6[%parallel_loop3A_958, %parallel_loop3A_959] : memref<512x64xf32, #tpu.memory_space<vmem>> -> memref<1x64xf32, #tpu.memory_space<vmem>>
      %parallel_loop3A_961 = tpu.memref_squeeze %parallel_loop3A_960 : memref<1x64xf32, #tpu.memory_space<vmem>> -> memref<64xf32, #tpu.memory_space<vmem>>
      %parallel_loop3A_962 = arith.constant 0 : i32
      %parallel_loop3A_963 = tpu.memref_slice %arg3[%parallel_loop3A_954, %parallel_loop3A_962] : memref<1000001x64xf32, #tpu.memory_space<hbm>> -> memref<1x64xf32, #tpu.memory_space<hbm>>
      %parallel_loop3A_964 = tpu.memref_squeeze %parallel_loop3A_963 : memref<1x64xf32, #tpu.memory_space<hbm>> -> memref<64xf32, #tpu.memory_space<hbm>>
      %parallel_loop3A_965 = arith.constant 0 : i32
      %parallel_loop3A_966 = tpu.memref_slice %arg6[%parallel_loop3A_958, %parallel_loop3A_965] : memref<512x64xf32, #tpu.memory_space<vmem>> -> memref<1x64xf32, #tpu.memory_space<vmem>>
      %parallel_loop3A_967 = tpu.memref_squeeze %parallel_loop3A_966 : memref<1x64xf32, #tpu.memory_space<vmem>> -> memref<64xf32, #tpu.memory_space<vmem>>
      %parallel_loop3A_968 = arith.constant 0 : i32
      %parallel_loop3A_969 = tpu.memref_slice %arg3[%parallel_loop3A_954, %parallel_loop3A_968] : memref<1000001x64xf32, #tpu.memory_space<hbm>> -> memref<1x64xf32, #tpu.memory_space<hbm>>
      %parallel_loop3A_970 = tpu.memref_squeeze %parallel_loop3A_969 : memref<1x64xf32, #tpu.memory_space<hbm>> -> memref<64xf32, #tpu.memory_space<hbm>>
      tpu.enqueue_dma source(%parallel_loop3A_970 : memref<64xf32, #tpu.memory_space<hbm>>) target(%parallel_loop3A_967 : memref<64xf32, #tpu.memory_space<vmem>>) target_semaphore(%arg10 : memref<!tpu.dma_semaphore, #tpu.memory_space<semaphore_mem>>)
      %parallel_loop3A_971 = vector.extract_strided_slice %parallel_loop3A_952 {offsets = [1], sizes = [1], strides = [1]} : vector<16xi32> to vector<1xi32>
      %parallel_loop3A_972 = vector.extract %parallel_loop3A_971[0] : i32 from vector<1xi32>
      %parallel_loop3A_973 = arith.constant 16 : i32
      %parallel_loop3A_974 = arith.muli %parallel_loop3A_947, %parallel_loop3A_973 : i32
      %parallel_loop3A_975 = arith.constant 1 : i32
      %parallel_loop3A_976 = arith.addi %parallel_loop3A_974, %parallel_loop3A_975 : i32
      %parallel_loop3A_977 = arith.constant 0 : i32
      %parallel_loop3A_978 = tpu.memref_slice %arg6[%parallel_loop3A_976, %parallel_loop3A_977] : memref<512x64xf32, #tpu.memory_space<vmem>> -> memref<1x64xf32, #tpu.memory_space<vmem>>
      %parallel_loop3A_979 = tpu.memref_squeeze %parallel_loop3A_978 : memref<1x64xf32, #tpu.memory_space<vmem>> -> memref<64xf32, #tpu.memory_space<vmem>>
      %parallel_loop3A_980 = arith.constant 0 : i32
      %parallel_loop3A_981 = tpu.memref_slice %arg3[%parallel_loop3A_972, %parallel_loop3A_980] : memref<1000001x64xf32, #tpu.memory_space<hbm>> -> memref<1x64xf32, #tpu.memory_space<hbm>>
      %parallel_loop3A_982 = tpu.memref_squeeze %parallel_loop3A_981 : memref<1x64xf32, #tpu.memory_space<hbm>> -> memref<64xf32, #tpu.memory_space<hbm>>
      %parallel_loop3A_983 = arith.constant 0 : i32
      %parallel_loop3A_984 = tpu.memref_slice %arg6[%parallel_loop3A_976, %parallel_loop3A_983] : memref<512x64xf32, #tpu.memory_space<vmem>> -> memref<1x64xf32, #tpu.memory_space<vmem>>
      %parallel_loop3A_985 = tpu.memref_squeeze %parallel_loop3A_984 : memref<1x64xf32, #tpu.memory_space<vmem>> -> memref<64xf32, #tpu.memory_space<vmem>>
      %parallel_loop3A_986 = arith.constant 0 : i32
      %parallel_loop3A_987 = tpu.memref_slice %arg3[%parallel_loop3A_972, %parallel_loop3A_986] : memref<1000001x64xf32, #tpu.memory_space<hbm>> -> memref<1x64xf32, #tpu.memory_space<hbm>>
      %parallel_loop3A_988 = tpu.memref_squeeze %parallel_loop3A_987 : memref<1x64xf32, #tpu.memory_space<hbm>> -> memref<64xf32, #tpu.memory_space<hbm>>
      tpu.enqueue_dma source(%parallel_loop3A_988 : memref<64xf32, #tpu.memory_space<hbm>>) target(%parallel_loop3A_985 : memref<64xf32, #tpu.memory_space<vmem>>) target_semaphore(%arg10 : memref<!tpu.dma_semaphore, #tpu.memory_space<semaphore_mem>>)
      %parallel_loop3A_989 = vector.extract_strided_slice %parallel_loop3A_952 {offsets = [2], sizes = [1], strides = [1]} : vector<16xi32> to vector<1xi32>
      %parallel_loop3A_990 = vector.extract %parallel_loop3A_989[0] : i32 from vector<1xi32>
      %parallel_loop3A_991 = arith.constant 16 : i32
      %parallel_loop3A_992 = arith.muli %parallel_loop3A_947, %parallel_loop3A_991 : i32
      %parallel_loop3A_993 = arith.constant 2 : i32
      %parallel_loop3A_994 = arith.addi %parallel_loop3A_992, %parallel_loop3A_993 : i32
      %parallel_loop3A_995 = arith.constant 0 : i32
      %parallel_loop3A_996 = tpu.memref_slice %arg6[%parallel_loop3A_994, %parallel_loop3A_995] : memref<512x64xf32, #tpu.memory_space<vmem>> -> memref<1x64xf32, #tpu.memory_space<vmem>>
      %parallel_loop3A_997 = tpu.memref_squeeze %parallel_loop3A_996 : memref<1x64xf32, #tpu.memory_space<vmem>> -> memref<64xf32, #tpu.memory_space<vmem>>
      %parallel_loop3A_998 = arith.constant 0 : i32
      %parallel_loop3A_999 = tpu.memref_slice %arg3[%parallel_loop3A_990, %parallel_loop3A_998] : memref<1000001x64xf32, #tpu.memory_space<hbm>> -> memref<1x64xf32, #tpu.memory_space<hbm>>
      %parallel_loop3A_1000 = tpu.memref_squeeze %parallel_loop3A_999 : memref<1x64xf32, #tpu.memory_space<hbm>> -> memref<64xf32, #tpu.memory_space<hbm>>
      %parallel_loop3A_1001 = arith.constant 0 : i32
      %parallel_loop3A_1002 = tpu.memref_slice %arg6[%parallel_loop3A_994, %parallel_loop3A_1001] : memref<512x64xf32, #tpu.memory_space<vmem>> -> memref<1x64xf32, #tpu.memory_space<vmem>>
      %parallel_loop3A_1003 = tpu.memref_squeeze %parallel_loop3A_1002 : memref<1x64xf32, #tpu.memory_space<vmem>> -> memref<64xf32, #tpu.memory_space<vmem>>
      %parallel_loop3A_1004 = arith.constant 0 : i32
      %parallel_loop3A_1005 = tpu.memref_slice %arg3[%parallel_loop3A_990, %parallel_loop3A_1004] : memref<1000001x64xf32, #tpu.memory_space<hbm>> -> memref<1x64xf32, #tpu.memory_space<hbm>>
      %parallel_loop3A_1006 = tpu.memref_squeeze %parallel_loop3A_1005 : memref<1x64xf32, #tpu.memory_space<hbm>> -> memref<64xf32, #tpu.memory_space<hbm>>
      tpu.enqueue_dma source(%parallel_loop3A_1006 : memref<64xf32, #tpu.memory_space<hbm>>) target(%parallel_loop3A_1003 : memref<64xf32, #tpu.memory_space<vmem>>) target_semaphore(%arg10 : memref<!tpu.dma_semaphore, #tpu.memory_space<semaphore_mem>>)
      %parallel_loop3A_1007 = vector.extract_strided_slice %parallel_loop3A_952 {offsets = [3], sizes = [1], strides = [1]} : vector<16xi32> to vector<1xi32>
      %parallel_loop3A_1008 = vector.extract %parallel_loop3A_1007[0] : i32 from vector<1xi32>
      %parallel_loop3A_1009 = arith.constant 16 : i32
      %parallel_loop3A_1010 = arith.muli %parallel_loop3A_947, %parallel_loop3A_1009 : i32
      %parallel_loop3A_1011 = arith.constant 3 : i32
      %parallel_loop3A_1012 = arith.addi %parallel_loop3A_1010, %parallel_loop3A_1011 : i32
      %parallel_loop3A_1013 = arith.constant 0 : i32
      %parallel_loop3A_1014 = tpu.memref_slice %arg6[%parallel_loop3A_1012, %parallel_loop3A_1013] : memref<512x64xf32, #tpu.memory_space<vmem>> -> memref<1x64xf32, #tpu.memory_space<vmem>>
      %parallel_loop3A_1015 = tpu.memref_squeeze %parallel_loop3A_1014 : memref<1x64xf32, #tpu.memory_space<vmem>> -> memref<64xf32, #tpu.memory_space<vmem>>
      %parallel_loop3A_1016 = arith.constant 0 : i32
      %parallel_loop3A_1017 = tpu.memref_slice %arg3[%parallel_loop3A_1008, %parallel_loop3A_1016] : memref<1000001x64xf32, #tpu.memory_space<hbm>> -> memref<1x64xf32, #tpu.memory_space<hbm>>
      %parallel_loop3A_1018 = tpu.memref_squeeze %parallel_loop3A_1017 : memref<1x64xf32, #tpu.memory_space<hbm>> -> memref<64xf32, #tpu.memory_space<hbm>>
      %parallel_loop3A_1019 = arith.constant 0 : i32
      %parallel_loop3A_1020 = tpu.memref_slice %arg6[%parallel_loop3A_1012, %parallel_loop3A_1019] : memref<512x64xf32, #tpu.memory_space<vmem>> -> memref<1x64xf32, #tpu.memory_space<vmem>>
      %parallel_loop3A_1021 = tpu.memref_squeeze %parallel_loop3A_1020 : memref<1x64xf32, #tpu.memory_space<vmem>> -> memref<64xf32, #tpu.memory_space<vmem>>
      %parallel_loop3A_1022 = arith.constant 0 : i32
      %parallel_loop3A_1023 = tpu.memref_slice %arg3[%parallel_loop3A_1008, %parallel_loop3A_1022] : memref<1000001x64xf32, #tpu.memory_space<hbm>> -> memref<1x64xf32, #tpu.memory_space<hbm>>
      %parallel_loop3A_1024 = tpu.memref_squeeze %parallel_loop3A_1023 : memref<1x64xf32, #tpu.memory_space<hbm>> -> memref<64xf32, #tpu.memory_space<hbm>>
      tpu.enqueue_dma source(%parallel_loop3A_1024 : memref<64xf32, #tpu.memory_space<hbm>>) target(%parallel_loop3A_1021 : memref<64xf32, #tpu.memory_space<vmem>>) target_semaphore(%arg10 : memref<!tpu.dma_semaphore, #tpu.memory_space<semaphore_mem>>)
      %parallel_loop3A_1025 = vector.extract_strided_slice %parallel_loop3A_952 {offsets = [4], sizes = [1], strides = [1]} : vector<16xi32> to vector<1xi32>
      %parallel_loop3A_1026 = vector.extract %parallel_loop3A_1025[0] : i32 from vector<1xi32>
      %parallel_loop3A_1027 = arith.constant 16 : i32
      %parallel_loop3A_1028 = arith.muli %parallel_loop3A_947, %parallel_loop3A_1027 : i32
      %parallel_loop3A_1029 = arith.constant 4 : i32
      %parallel_loop3A_1030 = arith.addi %parallel_loop3A_1028, %parallel_loop3A_1029 : i32
      %parallel_loop3A_1031 = arith.constant 0 : i32
      %parallel_loop3A_1032 = tpu.memref_slice %arg6[%parallel_loop3A_1030, %parallel_loop3A_1031] : memref<512x64xf32, #tpu.memory_space<vmem>> -> memref<1x64xf32, #tpu.memory_space<vmem>>
      %parallel_loop3A_1033 = tpu.memref_squeeze %parallel_loop3A_1032 : memref<1x64xf32, #tpu.memory_space<vmem>> -> memref<64xf32, #tpu.memory_space<vmem>>
      %parallel_loop3A_1034 = arith.constant 0 : i32
      %parallel_loop3A_1035 = tpu.memref_slice %arg3[%parallel_loop3A_1026, %parallel_loop3A_1034] : memref<1000001x64xf32, #tpu.memory_space<hbm>> -> memref<1x64xf32, #tpu.memory_space<hbm>>
      %parallel_loop3A_1036 = tpu.memref_squeeze %parallel_loop3A_1035 : memref<1x64xf32, #tpu.memory_space<hbm>> -> memref<64xf32, #tpu.memory_space<hbm>>
      %parallel_loop3A_1037 = arith.constant 0 : i32
      %parallel_loop3A_1038 = tpu.memref_slice %arg6[%parallel_loop3A_1030, %parallel_loop3A_1037] : memref<512x64xf32, #tpu.memory_space<vmem>> -> memref<1x64xf32, #tpu.memory_space<vmem>>
      %parallel_loop3A_1039 = tpu.memref_squeeze %parallel_loop3A_1038 : memref<1x64xf32, #tpu.memory_space<vmem>> -> memref<64xf32, #tpu.memory_space<vmem>>
      %parallel_loop3A_1040 = arith.constant 0 : i32
      %parallel_loop3A_1041 = tpu.memref_slice %arg3[%parallel_loop3A_1026, %parallel_loop3A_1040] : memref<1000001x64xf32, #tpu.memory_space<hbm>> -> memref<1x64xf32, #tpu.memory_space<hbm>>
      %parallel_loop3A_1042 = tpu.memref_squeeze %parallel_loop3A_1041 : memref<1x64xf32, #tpu.memory_space<hbm>> -> memref<64xf32, #tpu.memory_space<hbm>>
      tpu.enqueue_dma source(%parallel_loop3A_1042 : memref<64xf32, #tpu.memory_space<hbm>>) target(%parallel_loop3A_1039 : memref<64xf32, #tpu.memory_space<vmem>>) target_semaphore(%arg10 : memref<!tpu.dma_semaphore, #tpu.memory_space<semaphore_mem>>)
      %parallel_loop3A_1043 = vector.extract_strided_slice %parallel_loop3A_952 {offsets = [5], sizes = [1], strides = [1]} : vector<16xi32> to vector<1xi32>
      %parallel_loop3A_1044 = vector.extract %parallel_loop3A_1043[0] : i32 from vector<1xi32>
      %parallel_loop3A_1045 = arith.constant 16 : i32
      %parallel_loop3A_1046 = arith.muli %parallel_loop3A_947, %parallel_loop3A_1045 : i32
      %parallel_loop3A_1047 = arith.constant 5 : i32
      %parallel_loop3A_1048 = arith.addi %parallel_loop3A_1046, %parallel_loop3A_1047 : i32
      %parallel_loop3A_1049 = arith.constant 0 : i32
      %parallel_loop3A_1050 = tpu.memref_slice %arg6[%parallel_loop3A_1048, %parallel_loop3A_1049] : memref<512x64xf32, #tpu.memory_space<vmem>> -> memref<1x64xf32, #tpu.memory_space<vmem>>
      %parallel_loop3A_1051 = tpu.memref_squeeze %parallel_loop3A_1050 : memref<1x64xf32, #tpu.memory_space<vmem>> -> memref<64xf32, #tpu.memory_space<vmem>>
      %parallel_loop3A_1052 = arith.constant 0 : i32
      %parallel_loop3A_1053 = tpu.memref_slice %arg3[%parallel_loop3A_1044, %parallel_loop3A_1052] : memref<1000001x64xf32, #tpu.memory_space<hbm>> -> memref<1x64xf32, #tpu.memory_space<hbm>>
      %parallel_loop3A_1054 = tpu.memref_squeeze %parallel_loop3A_1053 : memref<1x64xf32, #tpu.memory_space<hbm>> -> memref<64xf32, #tpu.memory_space<hbm>>
      %parallel_loop3A_1055 = arith.constant 0 : i32
      %parallel_loop3A_1056 = tpu.memref_slice %arg6[%parallel_loop3A_1048, %parallel_loop3A_1055] : memref<512x64xf32, #tpu.memory_space<vmem>> -> memref<1x64xf32, #tpu.memory_space<vmem>>
      %parallel_loop3A_1057 = tpu.memref_squeeze %parallel_loop3A_1056 : memref<1x64xf32, #tpu.memory_space<vmem>> -> memref<64xf32, #tpu.memory_space<vmem>>
      %parallel_loop3A_1058 = arith.constant 0 : i32
      %parallel_loop3A_1059 = tpu.memref_slice %arg3[%parallel_loop3A_1044, %parallel_loop3A_1058] : memref<1000001x64xf32, #tpu.memory_space<hbm>> -> memref<1x64xf32, #tpu.memory_space<hbm>>
      %parallel_loop3A_1060 = tpu.memref_squeeze %parallel_loop3A_1059 : memref<1x64xf32, #tpu.memory_space<hbm>> -> memref<64xf32, #tpu.memory_space<hbm>>
      tpu.enqueue_dma source(%parallel_loop3A_1060 : memref<64xf32, #tpu.memory_space<hbm>>) target(%parallel_loop3A_1057 : memref<64xf32, #tpu.memory_space<vmem>>) target_semaphore(%arg10 : memref<!tpu.dma_semaphore, #tpu.memory_space<semaphore_mem>>)
      %parallel_loop3A_1061 = vector.extract_strided_slice %parallel_loop3A_952 {offsets = [6], sizes = [1], strides = [1]} : vector<16xi32> to vector<1xi32>
      %parallel_loop3A_1062 = vector.extract %parallel_loop3A_1061[0] : i32 from vector<1xi32>
      %parallel_loop3A_1063 = arith.constant 16 : i32
      %parallel_loop3A_1064 = arith.muli %parallel_loop3A_947, %parallel_loop3A_1063 : i32
      %parallel_loop3A_1065 = arith.constant 6 : i32
      %parallel_loop3A_1066 = arith.addi %parallel_loop3A_1064, %parallel_loop3A_1065 : i32
      %parallel_loop3A_1067 = arith.constant 0 : i32
      %parallel_loop3A_1068 = tpu.memref_slice %arg6[%parallel_loop3A_1066, %parallel_loop3A_1067] : memref<512x64xf32, #tpu.memory_space<vmem>> -> memref<1x64xf32, #tpu.memory_space<vmem>>
      %parallel_loop3A_1069 = tpu.memref_squeeze %parallel_loop3A_1068 : memref<1x64xf32, #tpu.memory_space<vmem>> -> memref<64xf32, #tpu.memory_space<vmem>>
      %parallel_loop3A_1070 = arith.constant 0 : i32
      %parallel_loop3A_1071 = tpu.memref_slice %arg3[%parallel_loop3A_1062, %parallel_loop3A_1070] : memref<1000001x64xf32, #tpu.memory_space<hbm>> -> memref<1x64xf32, #tpu.memory_space<hbm>>
      %parallel_loop3A_1072 = tpu.memref_squeeze %parallel_loop3A_1071 : memref<1x64xf32, #tpu.memory_space<hbm>> -> memref<64xf32, #tpu.memory_space<hbm>>
      %parallel_loop3A_1073 = arith.constant 0 : i32
      %parallel_loop3A_1074 = tpu.memref_slice %arg6[%parallel_loop3A_1066, %parallel_loop3A_1073] : memref<512x64xf32, #tpu.memory_space<vmem>> -> memref<1x64xf32, #tpu.memory_space<vmem>>
      %parallel_loop3A_1075 = tpu.memref_squeeze %parallel_loop3A_1074 : memref<1x64xf32, #tpu.memory_space<vmem>> -> memref<64xf32, #tpu.memory_space<vmem>>
      %parallel_loop3A_1076 = arith.constant 0 : i32
      %parallel_loop3A_1077 = tpu.memref_slice %arg3[%parallel_loop3A_1062, %parallel_loop3A_1076] : memref<1000001x64xf32, #tpu.memory_space<hbm>> -> memref<1x64xf32, #tpu.memory_space<hbm>>
      %parallel_loop3A_1078 = tpu.memref_squeeze %parallel_loop3A_1077 : memref<1x64xf32, #tpu.memory_space<hbm>> -> memref<64xf32, #tpu.memory_space<hbm>>
      tpu.enqueue_dma source(%parallel_loop3A_1078 : memref<64xf32, #tpu.memory_space<hbm>>) target(%parallel_loop3A_1075 : memref<64xf32, #tpu.memory_space<vmem>>) target_semaphore(%arg10 : memref<!tpu.dma_semaphore, #tpu.memory_space<semaphore_mem>>)
      %parallel_loop3A_1079 = vector.extract_strided_slice %parallel_loop3A_952 {offsets = [7], sizes = [1], strides = [1]} : vector<16xi32> to vector<1xi32>
      %parallel_loop3A_1080 = vector.extract %parallel_loop3A_1079[0] : i32 from vector<1xi32>
      %parallel_loop3A_1081 = arith.constant 16 : i32
      %parallel_loop3A_1082 = arith.muli %parallel_loop3A_947, %parallel_loop3A_1081 : i32
      %parallel_loop3A_1083 = arith.constant 7 : i32
      %parallel_loop3A_1084 = arith.addi %parallel_loop3A_1082, %parallel_loop3A_1083 : i32
      %parallel_loop3A_1085 = arith.constant 0 : i32
      %parallel_loop3A_1086 = tpu.memref_slice %arg6[%parallel_loop3A_1084, %parallel_loop3A_1085] : memref<512x64xf32, #tpu.memory_space<vmem>> -> memref<1x64xf32, #tpu.memory_space<vmem>>
      %parallel_loop3A_1087 = tpu.memref_squeeze %parallel_loop3A_1086 : memref<1x64xf32, #tpu.memory_space<vmem>> -> memref<64xf32, #tpu.memory_space<vmem>>
      %parallel_loop3A_1088 = arith.constant 0 : i32
      %parallel_loop3A_1089 = tpu.memref_slice %arg3[%parallel_loop3A_1080, %parallel_loop3A_1088] : memref<1000001x64xf32, #tpu.memory_space<hbm>> -> memref<1x64xf32, #tpu.memory_space<hbm>>
      %parallel_loop3A_1090 = tpu.memref_squeeze %parallel_loop3A_1089 : memref<1x64xf32, #tpu.memory_space<hbm>> -> memref<64xf32, #tpu.memory_space<hbm>>
      %parallel_loop3A_1091 = arith.constant 0 : i32
      %parallel_loop3A_1092 = tpu.memref_slice %arg6[%parallel_loop3A_1084, %parallel_loop3A_1091] : memref<512x64xf32, #tpu.memory_space<vmem>> -> memref<1x64xf32, #tpu.memory_space<vmem>>
      %parallel_loop3A_1093 = tpu.memref_squeeze %parallel_loop3A_1092 : memref<1x64xf32, #tpu.memory_space<vmem>> -> memref<64xf32, #tpu.memory_space<vmem>>
      %parallel_loop3A_1094 = arith.constant 0 : i32
      %parallel_loop3A_1095 = tpu.memref_slice %arg3[%parallel_loop3A_1080, %parallel_loop3A_1094] : memref<1000001x64xf32, #tpu.memory_space<hbm>> -> memref<1x64xf32, #tpu.memory_space<hbm>>
      %parallel_loop3A_1096 = tpu.memref_squeeze %parallel_loop3A_1095 : memref<1x64xf32, #tpu.memory_space<hbm>> -> memref<64xf32, #tpu.memory_space<hbm>>
      tpu.enqueue_dma source(%parallel_loop3A_1096 : memref<64xf32, #tpu.memory_space<hbm>>) target(%parallel_loop3A_1093 : memref<64xf32, #tpu.memory_space<vmem>>) target_semaphore(%arg10 : memref<!tpu.dma_semaphore, #tpu.memory_space<semaphore_mem>>)
      %parallel_loop3A_1097 = vector.extract_strided_slice %parallel_loop3A_952 {offsets = [8], sizes = [1], strides = [1]} : vector<16xi32> to vector<1xi32>
      %parallel_loop3A_1098 = vector.extract %parallel_loop3A_1097[0] : i32 from vector<1xi32>
      %parallel_loop3A_1099 = arith.constant 16 : i32
      %parallel_loop3A_1100 = arith.muli %parallel_loop3A_947, %parallel_loop3A_1099 : i32
      %parallel_loop3A_1101 = arith.constant 8 : i32
      %parallel_loop3A_1102 = arith.addi %parallel_loop3A_1100, %parallel_loop3A_1101 : i32
      %parallel_loop3A_1103 = arith.constant 0 : i32
      %parallel_loop3A_1104 = tpu.memref_slice %arg6[%parallel_loop3A_1102, %parallel_loop3A_1103] : memref<512x64xf32, #tpu.memory_space<vmem>> -> memref<1x64xf32, #tpu.memory_space<vmem>>
      %parallel_loop3A_1105 = tpu.memref_squeeze %parallel_loop3A_1104 : memref<1x64xf32, #tpu.memory_space<vmem>> -> memref<64xf32, #tpu.memory_space<vmem>>
      %parallel_loop3A_1106 = arith.constant 0 : i32
      %parallel_loop3A_1107 = tpu.memref_slice %arg3[%parallel_loop3A_1098, %parallel_loop3A_1106] : memref<1000001x64xf32, #tpu.memory_space<hbm>> -> memref<1x64xf32, #tpu.memory_space<hbm>>
      %parallel_loop3A_1108 = tpu.memref_squeeze %parallel_loop3A_1107 : memref<1x64xf32, #tpu.memory_space<hbm>> -> memref<64xf32, #tpu.memory_space<hbm>>
      %parallel_loop3A_1109 = arith.constant 0 : i32
      %parallel_loop3A_1110 = tpu.memref_slice %arg6[%parallel_loop3A_1102, %parallel_loop3A_1109] : memref<512x64xf32, #tpu.memory_space<vmem>> -> memref<1x64xf32, #tpu.memory_space<vmem>>
      %parallel_loop3A_1111 = tpu.memref_squeeze %parallel_loop3A_1110 : memref<1x64xf32, #tpu.memory_space<vmem>> -> memref<64xf32, #tpu.memory_space<vmem>>
      %parallel_loop3A_1112 = arith.constant 0 : i32
      %parallel_loop3A_1113 = tpu.memref_slice %arg3[%parallel_loop3A_1098, %parallel_loop3A_1112] : memref<1000001x64xf32, #tpu.memory_space<hbm>> -> memref<1x64xf32, #tpu.memory_space<hbm>>
      %parallel_loop3A_1114 = tpu.memref_squeeze %parallel_loop3A_1113 : memref<1x64xf32, #tpu.memory_space<hbm>> -> memref<64xf32, #tpu.memory_space<hbm>>
      tpu.enqueue_dma source(%parallel_loop3A_1114 : memref<64xf32, #tpu.memory_space<hbm>>) target(%parallel_loop3A_1111 : memref<64xf32, #tpu.memory_space<vmem>>) target_semaphore(%arg10 : memref<!tpu.dma_semaphore, #tpu.memory_space<semaphore_mem>>)
      %parallel_loop3A_1115 = vector.extract_strided_slice %parallel_loop3A_952 {offsets = [9], sizes = [1], strides = [1]} : vector<16xi32> to vector<1xi32>
      %parallel_loop3A_1116 = vector.extract %parallel_loop3A_1115[0] : i32 from vector<1xi32>
      %parallel_loop3A_1117 = arith.constant 16 : i32
      %parallel_loop3A_1118 = arith.muli %parallel_loop3A_947, %parallel_loop3A_1117 : i32
      %parallel_loop3A_1119 = arith.constant 9 : i32
      %parallel_loop3A_1120 = arith.addi %parallel_loop3A_1118, %parallel_loop3A_1119 : i32
      %parallel_loop3A_1121 = arith.constant 0 : i32
      %parallel_loop3A_1122 = tpu.memref_slice %arg6[%parallel_loop3A_1120, %parallel_loop3A_1121] : memref<512x64xf32, #tpu.memory_space<vmem>> -> memref<1x64xf32, #tpu.memory_space<vmem>>
      %parallel_loop3A_1123 = tpu.memref_squeeze %parallel_loop3A_1122 : memref<1x64xf32, #tpu.memory_space<vmem>> -> memref<64xf32, #tpu.memory_space<vmem>>
      %parallel_loop3A_1124 = arith.constant 0 : i32
      %parallel_loop3A_1125 = tpu.memref_slice %arg3[%parallel_loop3A_1116, %parallel_loop3A_1124] : memref<1000001x64xf32, #tpu.memory_space<hbm>> -> memref<1x64xf32, #tpu.memory_space<hbm>>
      %parallel_loop3A_1126 = tpu.memref_squeeze %parallel_loop3A_1125 : memref<1x64xf32, #tpu.memory_space<hbm>> -> memref<64xf32, #tpu.memory_space<hbm>>
      %parallel_loop3A_1127 = arith.constant 0 : i32
      %parallel_loop3A_1128 = tpu.memref_slice %arg6[%parallel_loop3A_1120, %parallel_loop3A_1127] : memref<512x64xf32, #tpu.memory_space<vmem>> -> memref<1x64xf32, #tpu.memory_space<vmem>>
      %parallel_loop3A_1129 = tpu.memref_squeeze %parallel_loop3A_1128 : memref<1x64xf32, #tpu.memory_space<vmem>> -> memref<64xf32, #tpu.memory_space<vmem>>
      %parallel_loop3A_1130 = arith.constant 0 : i32
      %parallel_loop3A_1131 = tpu.memref_slice %arg3[%parallel_loop3A_1116, %parallel_loop3A_1130] : memref<1000001x64xf32, #tpu.memory_space<hbm>> -> memref<1x64xf32, #tpu.memory_space<hbm>>
      %parallel_loop3A_1132 = tpu.memref_squeeze %parallel_loop3A_1131 : memref<1x64xf32, #tpu.memory_space<hbm>> -> memref<64xf32, #tpu.memory_space<hbm>>
      tpu.enqueue_dma source(%parallel_loop3A_1132 : memref<64xf32, #tpu.memory_space<hbm>>) target(%parallel_loop3A_1129 : memref<64xf32, #tpu.memory_space<vmem>>) target_semaphore(%arg10 : memref<!tpu.dma_semaphore, #tpu.memory_space<semaphore_mem>>)
      %parallel_loop3A_1133 = vector.extract_strided_slice %parallel_loop3A_952 {offsets = [10], sizes = [1], strides = [1]} : vector<16xi32> to vector<1xi32>
      %parallel_loop3A_1134 = vector.extract %parallel_loop3A_1133[0] : i32 from vector<1xi32>
      %parallel_loop3A_1135 = arith.constant 16 : i32
      %parallel_loop3A_1136 = arith.muli %parallel_loop3A_947, %parallel_loop3A_1135 : i32
      %parallel_loop3A_1137 = arith.constant 10 : i32
      %parallel_loop3A_1138 = arith.addi %parallel_loop3A_1136, %parallel_loop3A_1137 : i32
      %parallel_loop3A_1139 = arith.constant 0 : i32
      %parallel_loop3A_1140 = tpu.memref_slice %arg6[%parallel_loop3A_1138, %parallel_loop3A_1139] : memref<512x64xf32, #tpu.memory_space<vmem>> -> memref<1x64xf32, #tpu.memory_space<vmem>>
      %parallel_loop3A_1141 = tpu.memref_squeeze %parallel_loop3A_1140 : memref<1x64xf32, #tpu.memory_space<vmem>> -> memref<64xf32, #tpu.memory_space<vmem>>
      %parallel_loop3A_1142 = arith.constant 0 : i32
      %parallel_loop3A_1143 = tpu.memref_slice %arg3[%parallel_loop3A_1134, %parallel_loop3A_1142] : memref<1000001x64xf32, #tpu.memory_space<hbm>> -> memref<1x64xf32, #tpu.memory_space<hbm>>
      %parallel_loop3A_1144 = tpu.memref_squeeze %parallel_loop3A_1143 : memref<1x64xf32, #tpu.memory_space<hbm>> -> memref<64xf32, #tpu.memory_space<hbm>>
      %parallel_loop3A_1145 = arith.constant 0 : i32
      %parallel_loop3A_1146 = tpu.memref_slice %arg6[%parallel_loop3A_1138, %parallel_loop3A_1145] : memref<512x64xf32, #tpu.memory_space<vmem>> -> memref<1x64xf32, #tpu.memory_space<vmem>>
      %parallel_loop3A_1147 = tpu.memref_squeeze %parallel_loop3A_1146 : memref<1x64xf32, #tpu.memory_space<vmem>> -> memref<64xf32, #tpu.memory_space<vmem>>
      %parallel_loop3A_1148 = arith.constant 0 : i32
      %parallel_loop3A_1149 = tpu.memref_slice %arg3[%parallel_loop3A_1134, %parallel_loop3A_1148] : memref<1000001x64xf32, #tpu.memory_space<hbm>> -> memref<1x64xf32, #tpu.memory_space<hbm>>
      %parallel_loop3A_1150 = tpu.memref_squeeze %parallel_loop3A_1149 : memref<1x64xf32, #tpu.memory_space<hbm>> -> memref<64xf32, #tpu.memory_space<hbm>>
      tpu.enqueue_dma source(%parallel_loop3A_1150 : memref<64xf32, #tpu.memory_space<hbm>>) target(%parallel_loop3A_1147 : memref<64xf32, #tpu.memory_space<vmem>>) target_semaphore(%arg10 : memref<!tpu.dma_semaphore, #tpu.memory_space<semaphore_mem>>)
      %parallel_loop3A_1151 = vector.extract_strided_slice %parallel_loop3A_952 {offsets = [11], sizes = [1], strides = [1]} : vector<16xi32> to vector<1xi32>
      %parallel_loop3A_1152 = vector.extract %parallel_loop3A_1151[0] : i32 from vector<1xi32>
      %parallel_loop3A_1153 = arith.constant 16 : i32
      %parallel_loop3A_1154 = arith.muli %parallel_loop3A_947, %parallel_loop3A_1153 : i32
      %parallel_loop3A_1155 = arith.constant 11 : i32
      %parallel_loop3A_1156 = arith.addi %parallel_loop3A_1154, %parallel_loop3A_1155 : i32
      %parallel_loop3A_1157 = arith.constant 0 : i32
      %parallel_loop3A_1158 = tpu.memref_slice %arg6[%parallel_loop3A_1156, %parallel_loop3A_1157] : memref<512x64xf32, #tpu.memory_space<vmem>> -> memref<1x64xf32, #tpu.memory_space<vmem>>
      %parallel_loop3A_1159 = tpu.memref_squeeze %parallel_loop3A_1158 : memref<1x64xf32, #tpu.memory_space<vmem>> -> memref<64xf32, #tpu.memory_space<vmem>>
      %parallel_loop3A_1160 = arith.constant 0 : i32
      %parallel_loop3A_1161 = tpu.memref_slice %arg3[%parallel_loop3A_1152, %parallel_loop3A_1160] : memref<1000001x64xf32, #tpu.memory_space<hbm>> -> memref<1x64xf32, #tpu.memory_space<hbm>>
      %parallel_loop3A_1162 = tpu.memref_squeeze %parallel_loop3A_1161 : memref<1x64xf32, #tpu.memory_space<hbm>> -> memref<64xf32, #tpu.memory_space<hbm>>
      %parallel_loop3A_1163 = arith.constant 0 : i32
      %parallel_loop3A_1164 = tpu.memref_slice %arg6[%parallel_loop3A_1156, %parallel_loop3A_1163] : memref<512x64xf32, #tpu.memory_space<vmem>> -> memref<1x64xf32, #tpu.memory_space<vmem>>
      %parallel_loop3A_1165 = tpu.memref_squeeze %parallel_loop3A_1164 : memref<1x64xf32, #tpu.memory_space<vmem>> -> memref<64xf32, #tpu.memory_space<vmem>>
      %parallel_loop3A_1166 = arith.constant 0 : i32
      %parallel_loop3A_1167 = tpu.memref_slice %arg3[%parallel_loop3A_1152, %parallel_loop3A_1166] : memref<1000001x64xf32, #tpu.memory_space<hbm>> -> memref<1x64xf32, #tpu.memory_space<hbm>>
      %parallel_loop3A_1168 = tpu.memref_squeeze %parallel_loop3A_1167 : memref<1x64xf32, #tpu.memory_space<hbm>> -> memref<64xf32, #tpu.memory_space<hbm>>
      tpu.enqueue_dma source(%parallel_loop3A_1168 : memref<64xf32, #tpu.memory_space<hbm>>) target(%parallel_loop3A_1165 : memref<64xf32, #tpu.memory_space<vmem>>) target_semaphore(%arg10 : memref<!tpu.dma_semaphore, #tpu.memory_space<semaphore_mem>>)
      %parallel_loop3A_1169 = vector.extract_strided_slice %parallel_loop3A_952 {offsets = [12], sizes = [1], strides = [1]} : vector<16xi32> to vector<1xi32>
      %parallel_loop3A_1170 = vector.extract %parallel_loop3A_1169[0] : i32 from vector<1xi32>
      %parallel_loop3A_1171 = arith.constant 16 : i32
      %parallel_loop3A_1172 = arith.muli %parallel_loop3A_947, %parallel_loop3A_1171 : i32
      %parallel_loop3A_1173 = arith.constant 12 : i32
      %parallel_loop3A_1174 = arith.addi %parallel_loop3A_1172, %parallel_loop3A_1173 : i32
      %parallel_loop3A_1175 = arith.constant 0 : i32
      %parallel_loop3A_1176 = tpu.memref_slice %arg6[%parallel_loop3A_1174, %parallel_loop3A_1175] : memref<512x64xf32, #tpu.memory_space<vmem>> -> memref<1x64xf32, #tpu.memory_space<vmem>>
      %parallel_loop3A_1177 = tpu.memref_squeeze %parallel_loop3A_1176 : memref<1x64xf32, #tpu.memory_space<vmem>> -> memref<64xf32, #tpu.memory_space<vmem>>
      %parallel_loop3A_1178 = arith.constant 0 : i32
      %parallel_loop3A_1179 = tpu.memref_slice %arg3[%parallel_loop3A_1170, %parallel_loop3A_1178] : memref<1000001x64xf32, #tpu.memory_space<hbm>> -> memref<1x64xf32, #tpu.memory_space<hbm>>
      %parallel_loop3A_1180 = tpu.memref_squeeze %parallel_loop3A_1179 : memref<1x64xf32, #tpu.memory_space<hbm>> -> memref<64xf32, #tpu.memory_space<hbm>>
      %parallel_loop3A_1181 = arith.constant 0 : i32
      %parallel_loop3A_1182 = tpu.memref_slice %arg6[%parallel_loop3A_1174, %parallel_loop3A_1181] : memref<512x64xf32, #tpu.memory_space<vmem>> -> memref<1x64xf32, #tpu.memory_space<vmem>>
      %parallel_loop3A_1183 = tpu.memref_squeeze %parallel_loop3A_1182 : memref<1x64xf32, #tpu.memory_space<vmem>> -> memref<64xf32, #tpu.memory_space<vmem>>
      %parallel_loop3A_1184 = arith.constant 0 : i32
      %parallel_loop3A_1185 = tpu.memref_slice %arg3[%parallel_loop3A_1170, %parallel_loop3A_1184] : memref<1000001x64xf32, #tpu.memory_space<hbm>> -> memref<1x64xf32, #tpu.memory_space<hbm>>
      %parallel_loop3A_1186 = tpu.memref_squeeze %parallel_loop3A_1185 : memref<1x64xf32, #tpu.memory_space<hbm>> -> memref<64xf32, #tpu.memory_space<hbm>>
      tpu.enqueue_dma source(%parallel_loop3A_1186 : memref<64xf32, #tpu.memory_space<hbm>>) target(%parallel_loop3A_1183 : memref<64xf32, #tpu.memory_space<vmem>>) target_semaphore(%arg10 : memref<!tpu.dma_semaphore, #tpu.memory_space<semaphore_mem>>)
      %parallel_loop3A_1187 = vector.extract_strided_slice %parallel_loop3A_952 {offsets = [13], sizes = [1], strides = [1]} : vector<16xi32> to vector<1xi32>
      %parallel_loop3A_1188 = vector.extract %parallel_loop3A_1187[0] : i32 from vector<1xi32>
      %parallel_loop3A_1189 = arith.constant 16 : i32
      %parallel_loop3A_1190 = arith.muli %parallel_loop3A_947, %parallel_loop3A_1189 : i32
      %parallel_loop3A_1191 = arith.constant 13 : i32
      %parallel_loop3A_1192 = arith.addi %parallel_loop3A_1190, %parallel_loop3A_1191 : i32
      %parallel_loop3A_1193 = arith.constant 0 : i32
      %parallel_loop3A_1194 = tpu.memref_slice %arg6[%parallel_loop3A_1192, %parallel_loop3A_1193] : memref<512x64xf32, #tpu.memory_space<vmem>> -> memref<1x64xf32, #tpu.memory_space<vmem>>
      %parallel_loop3A_1195 = tpu.memref_squeeze %parallel_loop3A_1194 : memref<1x64xf32, #tpu.memory_space<vmem>> -> memref<64xf32, #tpu.memory_space<vmem>>
      %parallel_loop3A_1196 = arith.constant 0 : i32
      %parallel_loop3A_1197 = tpu.memref_slice %arg3[%parallel_loop3A_1188, %parallel_loop3A_1196] : memref<1000001x64xf32, #tpu.memory_space<hbm>> -> memref<1x64xf32, #tpu.memory_space<hbm>>
      %parallel_loop3A_1198 = tpu.memref_squeeze %parallel_loop3A_1197 : memref<1x64xf32, #tpu.memory_space<hbm>> -> memref<64xf32, #tpu.memory_space<hbm>>
      %parallel_loop3A_1199 = arith.constant 0 : i32
      %parallel_loop3A_1200 = tpu.memref_slice %arg6[%parallel_loop3A_1192, %parallel_loop3A_1199] : memref<512x64xf32, #tpu.memory_space<vmem>> -> memref<1x64xf32, #tpu.memory_space<vmem>>
      %parallel_loop3A_1201 = tpu.memref_squeeze %parallel_loop3A_1200 : memref<1x64xf32, #tpu.memory_space<vmem>> -> memref<64xf32, #tpu.memory_space<vmem>>
      %parallel_loop3A_1202 = arith.constant 0 : i32
      %parallel_loop3A_1203 = tpu.memref_slice %arg3[%parallel_loop3A_1188, %parallel_loop3A_1202] : memref<1000001x64xf32, #tpu.memory_space<hbm>> -> memref<1x64xf32, #tpu.memory_space<hbm>>
      %parallel_loop3A_1204 = tpu.memref_squeeze %parallel_loop3A_1203 : memref<1x64xf32, #tpu.memory_space<hbm>> -> memref<64xf32, #tpu.memory_space<hbm>>
      tpu.enqueue_dma source(%parallel_loop3A_1204 : memref<64xf32, #tpu.memory_space<hbm>>) target(%parallel_loop3A_1201 : memref<64xf32, #tpu.memory_space<vmem>>) target_semaphore(%arg10 : memref<!tpu.dma_semaphore, #tpu.memory_space<semaphore_mem>>)
      %parallel_loop3A_1205 = vector.extract_strided_slice %parallel_loop3A_952 {offsets = [14], sizes = [1], strides = [1]} : vector<16xi32> to vector<1xi32>
      %parallel_loop3A_1206 = vector.extract %parallel_loop3A_1205[0] : i32 from vector<1xi32>
      %parallel_loop3A_1207 = arith.constant 16 : i32
      %parallel_loop3A_1208 = arith.muli %parallel_loop3A_947, %parallel_loop3A_1207 : i32
      %parallel_loop3A_1209 = arith.constant 14 : i32
      %parallel_loop3A_1210 = arith.addi %parallel_loop3A_1208, %parallel_loop3A_1209 : i32
      %parallel_loop3A_1211 = arith.constant 0 : i32
      %parallel_loop3A_1212 = tpu.memref_slice %arg6[%parallel_loop3A_1210, %parallel_loop3A_1211] : memref<512x64xf32, #tpu.memory_space<vmem>> -> memref<1x64xf32, #tpu.memory_space<vmem>>
      %parallel_loop3A_1213 = tpu.memref_squeeze %parallel_loop3A_1212 : memref<1x64xf32, #tpu.memory_space<vmem>> -> memref<64xf32, #tpu.memory_space<vmem>>
      %parallel_loop3A_1214 = arith.constant 0 : i32
      %parallel_loop3A_1215 = tpu.memref_slice %arg3[%parallel_loop3A_1206, %parallel_loop3A_1214] : memref<1000001x64xf32, #tpu.memory_space<hbm>> -> memref<1x64xf32, #tpu.memory_space<hbm>>
      %parallel_loop3A_1216 = tpu.memref_squeeze %parallel_loop3A_1215 : memref<1x64xf32, #tpu.memory_space<hbm>> -> memref<64xf32, #tpu.memory_space<hbm>>
      %parallel_loop3A_1217 = arith.constant 0 : i32
      %parallel_loop3A_1218 = tpu.memref_slice %arg6[%parallel_loop3A_1210, %parallel_loop3A_1217] : memref<512x64xf32, #tpu.memory_space<vmem>> -> memref<1x64xf32, #tpu.memory_space<vmem>>
      %parallel_loop3A_1219 = tpu.memref_squeeze %parallel_loop3A_1218 : memref<1x64xf32, #tpu.memory_space<vmem>> -> memref<64xf32, #tpu.memory_space<vmem>>
      %parallel_loop3A_1220 = arith.constant 0 : i32
      %parallel_loop3A_1221 = tpu.memref_slice %arg3[%parallel_loop3A_1206, %parallel_loop3A_1220] : memref<1000001x64xf32, #tpu.memory_space<hbm>> -> memref<1x64xf32, #tpu.memory_space<hbm>>
      %parallel_loop3A_1222 = tpu.memref_squeeze %parallel_loop3A_1221 : memref<1x64xf32, #tpu.memory_space<hbm>> -> memref<64xf32, #tpu.memory_space<hbm>>
      tpu.enqueue_dma source(%parallel_loop3A_1222 : memref<64xf32, #tpu.memory_space<hbm>>) target(%parallel_loop3A_1219 : memref<64xf32, #tpu.memory_space<vmem>>) target_semaphore(%arg10 : memref<!tpu.dma_semaphore, #tpu.memory_space<semaphore_mem>>)
      %parallel_loop3A_1223 = vector.extract_strided_slice %parallel_loop3A_952 {offsets = [15], sizes = [1], strides = [1]} : vector<16xi32> to vector<1xi32>
      %parallel_loop3A_1224 = vector.extract %parallel_loop3A_1223[0] : i32 from vector<1xi32>
      %parallel_loop3A_1225 = arith.constant 16 : i32
      %parallel_loop3A_1226 = arith.muli %parallel_loop3A_947, %parallel_loop3A_1225 : i32
      %parallel_loop3A_1227 = arith.constant 15 : i32
      %parallel_loop3A_1228 = arith.addi %parallel_loop3A_1226, %parallel_loop3A_1227 : i32
      %parallel_loop3A_1229 = arith.constant 0 : i32
      %parallel_loop3A_1230 = tpu.memref_slice %arg6[%parallel_loop3A_1228, %parallel_loop3A_1229] : memref<512x64xf32, #tpu.memory_space<vmem>> -> memref<1x64xf32, #tpu.memory_space<vmem>>
      %parallel_loop3A_1231 = tpu.memref_squeeze %parallel_loop3A_1230 : memref<1x64xf32, #tpu.memory_space<vmem>> -> memref<64xf32, #tpu.memory_space<vmem>>
      %parallel_loop3A_1232 = arith.constant 0 : i32
      %parallel_loop3A_1233 = tpu.memref_slice %arg3[%parallel_loop3A_1224, %parallel_loop3A_1232] : memref<1000001x64xf32, #tpu.memory_space<hbm>> -> memref<1x64xf32, #tpu.memory_space<hbm>>
      %parallel_loop3A_1234 = tpu.memref_squeeze %parallel_loop3A_1233 : memref<1x64xf32, #tpu.memory_space<hbm>> -> memref<64xf32, #tpu.memory_space<hbm>>
      %parallel_loop3A_1235 = arith.constant 0 : i32
      %parallel_loop3A_1236 = tpu.memref_slice %arg6[%parallel_loop3A_1228, %parallel_loop3A_1235] : memref<512x64xf32, #tpu.memory_space<vmem>> -> memref<1x64xf32, #tpu.memory_space<vmem>>
      %parallel_loop3A_1237 = tpu.memref_squeeze %parallel_loop3A_1236 : memref<1x64xf32, #tpu.memory_space<vmem>> -> memref<64xf32, #tpu.memory_space<vmem>>
      %parallel_loop3A_1238 = arith.constant 0 : i32
      %parallel_loop3A_1239 = tpu.memref_slice %arg3[%parallel_loop3A_1224, %parallel_loop3A_1238] : memref<1000001x64xf32, #tpu.memory_space<hbm>> -> memref<1x64xf32, #tpu.memory_space<hbm>>
      %parallel_loop3A_1240 = tpu.memref_squeeze %parallel_loop3A_1239 : memref<1x64xf32, #tpu.memory_space<hbm>> -> memref<64xf32, #tpu.memory_space<hbm>>
      tpu.enqueue_dma source(%parallel_loop3A_1240 : memref<64xf32, #tpu.memory_space<hbm>>) target(%parallel_loop3A_1237 : memref<64xf32, #tpu.memory_space<vmem>>) target_semaphore(%arg10 : memref<!tpu.dma_semaphore, #tpu.memory_space<semaphore_mem>>)
    } {sc.loop_unroll_factor = 2 : i64, sc.parallel_access}
    %dma_wait3A = arith.constant 0 : i32
    %dma_wait3A_5 = arith.constant 0 : i32
    %dma_wait3A_6 = tpu.memref_slice %arg6[%dma_wait3A, %dma_wait3A_5] : memref<512x64xf32, #tpu.memory_space<vmem>> -> memref<128x64xf32, #tpu.memory_space<vmem>>
    %dma_wait3A_7 = arith.constant 0 : i32
    %dma_wait3A_8 = arith.constant 0 : i32
    %dma_wait3A_9 = tpu.memref_slice %arg3[%dma_wait3A_7, %dma_wait3A_8] : memref<1000001x64xf32, #tpu.memory_space<hbm>> -> memref<128x64xf32, #tpu.memory_space<hbm>>
    %dma_wait3A_10 = arith.constant 0 : i32
    %dma_wait3A_11 = arith.constant 0 : i32
    %dma_wait3A_12 = tpu.memref_slice %arg6[%dma_wait3A_10, %dma_wait3A_11] : memref<512x64xf32, #tpu.memory_space<vmem>> -> memref<128x64xf32, #tpu.memory_space<vmem>>
    %dma_wait3A_13 = arith.constant 0 : i32
    %dma_wait3A_14 = arith.constant 0 : i32
    %dma_wait3A_15 = tpu.memref_slice %arg3[%dma_wait3A_13, %dma_wait3A_14] : memref<1000001x64xf32, #tpu.memory_space<hbm>> -> memref<128x64xf32, #tpu.memory_space<hbm>>
    tpu.wait_dma2 semaphore(%arg7 : memref<!tpu.dma_semaphore, #tpu.memory_space<semaphore_mem>>) src(%dma_wait3A_15 : memref<128x64xf32, #tpu.memory_space<hbm>>) dst(%dma_wait3A_12 : memref<128x64xf32, #tpu.memory_space<vmem>>)
    %dma_wait3A_16 = arith.constant 0 : i32
    %dma_wait3A_17 = arith.constant 0 : i32
    %dma_wait3A_18 = tpu.memref_slice %arg6[%dma_wait3A_16, %dma_wait3A_17] : memref<512x64xf32, #tpu.memory_space<vmem>> -> memref<128x64xf32, #tpu.memory_space<vmem>>
    %dma_wait3A_19 = arith.constant 0 : i32
    %dma_wait3A_20 = arith.constant 0 : i32
    %dma_wait3A_21 = tpu.memref_slice %arg3[%dma_wait3A_19, %dma_wait3A_20] : memref<1000001x64xf32, #tpu.memory_space<hbm>> -> memref<128x64xf32, #tpu.memory_space<hbm>>
    %dma_wait3A_22 = arith.constant 0 : i32
    %dma_wait3A_23 = arith.constant 0 : i32
    %dma_wait3A_24 = tpu.memref_slice %arg6[%dma_wait3A_22, %dma_wait3A_23] : memref<512x64xf32, #tpu.memory_space<vmem>> -> memref<128x64xf32, #tpu.memory_space<vmem>>
    %dma_wait3A_25 = arith.constant 0 : i32
    %dma_wait3A_26 = arith.constant 0 : i32
    %dma_wait3A_27 = tpu.memref_slice %arg3[%dma_wait3A_25, %dma_wait3A_26] : memref<1000001x64xf32, #tpu.memory_space<hbm>> -> memref<128x64xf32, #tpu.memory_space<hbm>>
    tpu.wait_dma2 semaphore(%arg8 : memref<!tpu.dma_semaphore, #tpu.memory_space<semaphore_mem>>) src(%dma_wait3A_27 : memref<128x64xf32, #tpu.memory_space<hbm>>) dst(%dma_wait3A_24 : memref<128x64xf32, #tpu.memory_space<vmem>>)
    %dma_wait3A_28 = arith.constant 0 : i32
    %dma_wait3A_29 = arith.constant 0 : i32
    %dma_wait3A_30 = tpu.memref_slice %arg6[%dma_wait3A_28, %dma_wait3A_29] : memref<512x64xf32, #tpu.memory_space<vmem>> -> memref<128x64xf32, #tpu.memory_space<vmem>>
    %dma_wait3A_31 = arith.constant 0 : i32
    %dma_wait3A_32 = arith.constant 0 : i32
    %dma_wait3A_33 = tpu.memref_slice %arg3[%dma_wait3A_31, %dma_wait3A_32] : memref<1000001x64xf32, #tpu.memory_space<hbm>> -> memref<128x64xf32, #tpu.memory_space<hbm>>
    %dma_wait3A_34 = arith.constant 0 : i32
    %dma_wait3A_35 = arith.constant 0 : i32
    %dma_wait3A_36 = tpu.memref_slice %arg6[%dma_wait3A_34, %dma_wait3A_35] : memref<512x64xf32, #tpu.memory_space<vmem>> -> memref<128x64xf32, #tpu.memory_space<vmem>>
    %dma_wait3A_37 = arith.constant 0 : i32
    %dma_wait3A_38 = arith.constant 0 : i32
    %dma_wait3A_39 = tpu.memref_slice %arg3[%dma_wait3A_37, %dma_wait3A_38] : memref<1000001x64xf32, #tpu.memory_space<hbm>> -> memref<128x64xf32, #tpu.memory_space<hbm>>
    tpu.wait_dma2 semaphore(%arg9 : memref<!tpu.dma_semaphore, #tpu.memory_space<semaphore_mem>>) src(%dma_wait3A_39 : memref<128x64xf32, #tpu.memory_space<hbm>>) dst(%dma_wait3A_36 : memref<128x64xf32, #tpu.memory_space<vmem>>)
    %dma_wait3A_40 = arith.constant 0 : i32
    %dma_wait3A_41 = arith.constant 0 : i32
    %dma_wait3A_42 = tpu.memref_slice %arg6[%dma_wait3A_40, %dma_wait3A_41] : memref<512x64xf32, #tpu.memory_space<vmem>> -> memref<128x64xf32, #tpu.memory_space<vmem>>
    %dma_wait3A_43 = arith.constant 0 : i32
    %dma_wait3A_44 = arith.constant 0 : i32
    %dma_wait3A_45 = tpu.memref_slice %arg3[%dma_wait3A_43, %dma_wait3A_44] : memref<1000001x64xf32, #tpu.memory_space<hbm>> -> memref<128x64xf32, #tpu.memory_space<hbm>>
    %dma_wait3A_46 = arith.constant 0 : i32
    %dma_wait3A_47 = arith.constant 0 : i32
    %dma_wait3A_48 = tpu.memref_slice %arg6[%dma_wait3A_46, %dma_wait3A_47] : memref<512x64xf32, #tpu.memory_space<vmem>> -> memref<128x64xf32, #tpu.memory_space<vmem>>
    %dma_wait3A_49 = arith.constant 0 : i32
    %dma_wait3A_50 = arith.constant 0 : i32
    %dma_wait3A_51 = tpu.memref_slice %arg3[%dma_wait3A_49, %dma_wait3A_50] : memref<1000001x64xf32, #tpu.memory_space<hbm>> -> memref<128x64xf32, #tpu.memory_space<hbm>>
    tpu.wait_dma2 semaphore(%arg10 : memref<!tpu.dma_semaphore, #tpu.memory_space<semaphore_mem>>) src(%dma_wait3A_51 : memref<128x64xf32, #tpu.memory_space<hbm>>) dst(%dma_wait3A_48 : memref<128x64xf32, #tpu.memory_space<vmem>>)
    "tpu.region"() ({
      %run_scoped3A = tpu.sem_alloc : memref<!tpu.dma_semaphore, #tpu.memory_space<semaphore_mem>>
      %dma_start3A = arith.constant 0 : i32
      %dma_start3A_52 = tpu.memref_slice %arg4[%mul3A_2, %dma_start3A] : memref<16384x64xf32, #tpu.memory_space<hbm>> -> memref<512x64xf32, #tpu.memory_space<hbm>>
      %dma_start3A_53 = arith.constant 0 : i32
      %dma_start3A_54 = tpu.memref_slice %arg4[%mul3A_2, %dma_start3A_53] : memref<16384x64xf32, #tpu.memory_space<hbm>> -> memref<512x64xf32, #tpu.memory_space<hbm>>
      tpu.enqueue_dma source(%arg6 : memref<512x64xf32, #tpu.memory_space<vmem>>) target(%dma_start3A_54 : memref<512x64xf32, #tpu.memory_space<hbm>>) target_semaphore(%run_scoped3A : memref<!tpu.dma_semaphore, #tpu.memory_space<semaphore_mem>>)
      %dma_wait3A_55 = arith.constant 0 : i32
      %dma_wait3A_56 = tpu.memref_slice %arg4[%mul3A_2, %dma_wait3A_55] : memref<16384x64xf32, #tpu.memory_space<hbm>> -> memref<512x64xf32, #tpu.memory_space<hbm>>
      %dma_wait3A_57 = arith.constant 0 : i32
      %dma_wait3A_58 = tpu.memref_slice %arg4[%mul3A_2, %dma_wait3A_57] : memref<16384x64xf32, #tpu.memory_space<hbm>> -> memref<512x64xf32, #tpu.memory_space<hbm>>
      tpu.wait_dma2 semaphore(%run_scoped3A : memref<!tpu.dma_semaphore, #tpu.memory_space<semaphore_mem>>) src(%arg6 : memref<512x64xf32, #tpu.memory_space<vmem>>) dst(%dma_wait3A_58 : memref<512x64xf32, #tpu.memory_space<hbm>>)
      tpu.yield
    }) : () -> ()
    return
  }
}

</mosaic_0001>

<sc_bundles>
// kernel: kernel.3.cloned.1.call-start
scs
__scs_entry_jumppad:
0x0: {  	(pc) =	sbr.rel $0x88, $3  }
0x1: {  	(tag) =	ssettag $0x0;
	lr =	simm.s32 $0x1  }
0x2: {  	[smem:$0x3F9F] =	sst lr;
	_ =	strace $0xD0000000  }
0x3: {  	_ = 	snop  }
0x4: {  	_ = 	snop  }
0x5: {  	_ = 	snop  }
0x6: {  	_ = 	snop  }
0x7: {  	_ = 	snop  }
__scs_overlays_trampoline_lowered:
0x8: {  	[smem:$0x3FAE] =	sst s0  }
0x9: {  	[smem:$0x3FAF] =	sst s1  }
0xa: {  	[smem:$0x3FB0] =	sst s2  }
0xb: {  	[smem:$0x3FB1] =	sst s3  }
0xc: {  	[smem:$0x3FB2] =	sst s4  }
0xd: {  	[smem:$0x3FB3] =	sst s5  }
0xe: {  	[smem:$0x3FB4] =	sst s6  }
0xf: {  	[smem:$0x3FB5] =	sst s7  }
0x10: {  	[smem:$0x3FB6] =	sst s8  }
0x11: {  	[smem:$0x3FB7] =	sst s9;
	s0 =	simm.s32 @!p0 $0x0  }
0x12: {  	s1 =	sld [smem:$0x3F9D];
	s0 =	simm.s32 @p0 $0x1  }
0x13: {  	[smem:$0x3FB8] =	sst s0;
	s0 =	simm.s32 @!p1 $0x0  }
0x14: {  	s2 =	sld [smem:$0x3F9C];
	s0 =	simm.s32 @p1 $0x1  }
0x15: {  	[smem:$0x3FB9] =	sst s0;
	s0 =	simm.s32 @!p2 $0x0  }
0x16: {  	s3 =	sld [smem:$0x3FDB];
	s0 =	simm.s32 @p2 $0x1  }
0x17: {  	s4 =	simm.s32 $0x1BF5;
	[smem:$0x3FBB] =	sst s0  }
0x18: {  	s0 =	sld [smem:$0x3F9E];
	_ =	swait.ge [sflag:s4], $0x0  }
0x19: {  	s7 =	sld [smem:$0x3F9F]  }
0x1a: {  	s8 =	sadd.s32 $0xFFFFE003, lr  }
0x1b: {  	s9 =	sadd.s32 $0xFFFFFEF7, lr;
	s5 =	simm.s32 $0xFFFFFFFF;
	p2 =	slt.u32 s8, $0xFFFFF086  }
0x1c: {  	p1 =	slt.u32 s9, $0xF7A;
	s5 =	simm.s32 @!p2 $0x0  }
0x1d: {  	s5 =	simm.s32 @p1 $0x1;
	p0 =	seq.s32 s7, s2  }
0x1e: {  	s7 =	smul.u32 @!p0 $0xF7A, s2;
	p2 =	seq.s32 @!p0 s5, $0x0  }
0x1f: {  	s9 =	smul.u32 $0xF7A, s1;
	s8 =	simm.s32 @!p0 $0x1BF5;
	p2 =	por !p2, p0  }
0x20: {  	[sflag:s8] =	ssyncset.s32 @!p0 $0xFFFFF086;
	s6 =	sadd.s32 @!p0 s3, s7;
	s7 =	simm.s32 @!p0 $0x108  }
0x21: {  	s3 =	sadd.s32 s3, s9;
	s6 =	sadd.s32 @!p0 $0x88, s6;
	s7 =	simm.s32 @p2 $0x1082  }
0x22: {  	[simem:s7], [sflag:s8] =	dma.local @!p0 [hbm:s6], $0xF7A  }
0x23: {  	s9 =	sor.u32 $0xD0000000, s2;
	s6 =	simm.s32 $0x108;
	_ =	swait.ge @!p0 [sflag:s8], $0x0  }
0x24: {  	s3 =	sadd.s32 $0x88, s3;
	s6 =	simm.s32 @!p1 $0x1082;
	[sflag:s4] =	ssyncset.s32 $0xFFFFF086  }
0x25: {  	[simem:s6], [sflag:s4] =	dma.local [hbm:s3], $0xF7A  }
0x26: {  	[smem:$0x3F9F] =	sst s1;
	(tag) =	ssettag s2;
	_ =	strace s9  }
0x27: {  	s1 =	sld [smem:$0x3FAF]  }
0x28: {  	s2 =	sld [smem:$0x3FB0]  }
0x29: {  	s4 =	sld [smem:$0x3FB2]  }
0x2a: {  	p0 =	seq.s32 s5, $0x0;
	s5 =	sld [smem:$0x3FB3]  }
0x2b: {  	s6 =	sld [smem:$0x3FB4]  }
0x2c: {  	s7 =	sld [smem:$0x3FB5]  }
0x2d: {  	s3 =	simm.s32 $0x108;
	s8 =	sld [smem:$0x3FB6]  }
0x2e: {  	s3 =	simm.s32 @!p0 $0x1082;
	s9 =	sld [smem:$0x3FB7]  }
0x2f: {  	lr =	sadd.s32 s0, s3;
	s0 =	sld [smem:$0x3FAE]  }
0x30: {  	s3 =	sld [smem:$0x3FB1]  }
0x31: {  	[smem:$0x3FBA] =	sst s10  }
0x32: {  	s10 =	sld [smem:$0x3FB8];
	_ =	sdelay $0x3  }
0x33: {  	p0 =	seq.s32 s10, $0x1;
	s10 =	sld [smem:$0x3FBA];
	_ =	sdelay $0x3  }
0x34: {  	[smem:$0x3FBA] =	sst s10  }
0x35: {  	s10 =	sld [smem:$0x3FB9];
	_ =	sdelay $0x3  }
0x36: {  	p1 =	seq.s32 s10, $0x1;
	s10 =	sld [smem:$0x3FBA];
	_ =	sdelay $0x3  }
0x37: {  	[smem:$0x3FBA] =	sst s10  }
0x38: {  	s10 =	sld [smem:$0x3FBB]  }
0x39: {  	_ = 	snop;
	(pc) =	sbr.ind lr, $3  }
0x3a: {  	_ = 	snop  }
0x3b: {  	_ = 	snop  }
0x3c: {  	p2 =	seq.s32 s10, $0x1;
	s10 =	sld [smem:$0x3FBA]  }
0x3d: {  	_ =	shalt  }
0x3e: {  	_ =	shalt  }
0x3f: {  	_ =	shalt  }
0x40: {  	_ =	shalt  }
0x41: {  	_ =	shalt  }
0x42: {  	_ =	shalt  }
0x43: {  	_ =	shalt  }
0x44: {  	_ =	shalt  }
0x45: {  	_ =	shalt  }
0x46: {  	_ =	shalt  }
0x47: {  	_ =	shalt  }
0x48: {  	_ =	shalt  }
0x49: {  	_ =	shalt  }
0x4a: {  	_ =	shalt  }
0x4b: {  	_ =	shalt  }
0x4c: {  	_ =	shalt  }
0x4d: {  	_ =	shalt  }
0x4e: {  	_ =	shalt  }
0x4f: {  	_ =	shalt  }
0x50: {  	_ =	shalt  }
0x51: {  	_ =	shalt  }
0x52: {  	_ =	shalt  }
0x53: {  	_ =	shalt  }
0x54: {  	_ =	shalt  }
0x55: {  	_ =	shalt  }
0x56: {  	_ =	shalt  }
0x57: {  	_ =	shalt  }
0x58: {  	_ =	shalt  }
0x59: {  	_ =	shalt  }
0x5a: {  	_ =	shalt  }
0x5b: {  	_ =	shalt  }
0x5c: {  	_ =	shalt  }
0x5d: {  	_ =	shalt  }
0x5e: {  	_ =	shalt  }
0x5f: {  	_ =	shalt  }
0x60: {  	_ =	shalt  }
0x61: {  	_ =	shalt  }
0x62: {  	_ =	shalt  }
0x63: {  	_ =	shalt  }
0x64: {  	_ =	shalt  }
0x65: {  	_ =	shalt  }
0x66: {  	_ =	shalt  }
0x67: {  	_ =	shalt  }
0x68: {  	_ =	shalt  }
0x69: {  	_ =	shalt  }
0x6a: {  	_ =	shalt  }
0x6b: {  	_ =	shalt  }
0x6c: {  	_ =	shalt  }
0x6d: {  	_ =	shalt  }
0x6e: {  	_ =	shalt  }
0x6f: {  	_ =	shalt  }
0x70: {  	_ =	shalt  }
0x71: {  	_ =	shalt  }
0x72: {  	_ =	shalt  }
0x73: {  	_ =	shalt  }
0x74: {  	_ =	shalt  }
0x75: {  	_ =	shalt  }
0x76: {  	_ =	shalt  }
0x77: {  	_ =	shalt  }
0x78: {  	_ =	shalt  }
0x79: {  	_ =	shalt  }
0x7a: {  	_ =	shalt  }
0x7b: {  	_ =	shalt  }
0x7c: {  	_ =	shalt  }
0x7d: {  	_ =	shalt  }
0x7e: {  	_ =	shalt  }
0x7f: {  	_ =	shalt  }
0x80: {  	_ =	shalt  }
0x81: {  	_ =	shalt  }
0x82: {  	_ =	shalt  }
0x83: {  	_ =	shalt  }
0x84: {  	_ =	shalt  }
0x85: {  	_ =	shalt  }
0x86: {  	_ =	shalt  }
0x87: {  	_ =	shalt  }
.Lfunc_end0:
.L_simem_size_0:
called_computation_lowered:
.L_overlay_start_0:
0x88: {  	s2 =	sld [smem:$0x3FD9]  }
0x89: {  	s3 =	sld [smem:$0x3FFE];
	_ =	sdelay $0x1  }
0x8a: {  	s1 =	srdreg.scid  }
0x8b: {  	s0 =	sand.u32 $0x1, s1  }
0x8c: {  	s17 =	sshll.u32 s0, $0xA;
	s2 =	sadd.s32 s3, s2  }
0x8d: {  	s2 =	sadd.s32 s2, s17  }
0x8e: {  	[smem:$0x3FC6] =	sst s2  }
0x8f: {  	_ = 	snop  }
0x90: {  	s2 =	sld [smem:$0x3FC9];
	(tm) =	ssettm $0x1  }
0x91: {  	s18 =	sld [smem:$0x3FFB];
	_ =	sdelay $0x3  }
0x92: {  	_ =	strace s18  }
0x93: {  	s3 =	sld [smem:$0x3FFC];
	_ =	sdelay $0x3  }
0x94: {  	_ =	strace s3  }
0x95: {  	s3 =	sld [smem:$0x3FFD];
	_ =	sdelay $0x3  }
0x96: {  	_ =	strace s3  }
0x97: {  	_ =	strace $0x8FFFFFFF  }
0x98: {  	s19 =	sld [smem:$0x3FDB];
	_ =	sdelay $0x1  }
0x99: {  	s4 =	simm.s32 $_scs_section_size  }
0x9a: {  	s5 =	simm.s32 $_size__tile_overlayer_lowered;
	s6 =	simm.s32 $_tile_overlayer_lowered  }
0x9b: {  	s22 =	simm.s32 $0x1BFF;
	s21 =	sshll.u32 s6, $0x1;
	s3 =	sadd.s32 s4, s19  }
0x9c: {  	s7 =	simm.s32 $0x0;
	s20 =	sshll.u32 s5, $0x1;
	s5 =	sadd.s32 s21, s3  }
0x9d: {  	[timem:s7], [sflag:s22] =	dma.local [hbm:s5], s20  }
0x9e: {  	_ =	swait.ge [sflag:s22], s20  }
0x9f: {  	s4 =	ssub.s32 $0x0, s20;
	[sflag:s22] =	ssyncset.done $0x0  }
0xa0: {  	[sflag:s22] =	ssyncadd.s32 s4;
	_ =	sdelay $0x1  }
0xa1: {  	s23 =	simm.s32 $0x1B8B  }
0xa2: {  	_ =	swait.ge [sflag:s23], $0x1  }
0xa3: {  	[sflag:s23] =	ssyncset.done $0x0  }
0xa4: {  	s25 =	simm.s32 $0x1B8E;
	s24 =	sld [smem:$0x3FFE];
	[sflag:s23] =	ssyncadd.s32 $0xFFFFFFFF  }
0xa5: {  	s26 =	simm.s32 $execute0_lowered;
	[smem:$0x3FD2] =	sst s25  }
0xa6: {  	s5 =	sshll.u32 s26, $0x1;
	_ =	strace $0x80000046;
	[dreg:$0x1] =	wrdreg $0xFFFFFFFF  }
0xa7: {  	s28 =	simm.s32 $_size_execute0_lowered;
	s3 =	sadd.s32 s3, s5;
	[dreg:$0x0] =	wrdreg $0x0  }
0xa8: {  	s5 =	sshll.u32 s28, $0x1;
	[dreg:$0x2] =	wrdreg s3  }
0xa9: {  	[dreg:$0x3] =	wrdreg s5  }
0xaa: {  	[dreg:$0x4] =	wrdreg $0xC0  }
0xab: {  	_ =	task [dreg:s7], $0x5FFFF  }
0xac: {  	[dreg:$0x1] =	wrdreg $0xFFFFFFFF  }
0xad: {  	[dreg:$0x0] =	wrdreg $0x60  }
0xae: {  	[dreg:$0x2] =	wrdreg s2  }
0xaf: {  	[dreg:$0x3] =	wrdreg s24  }
0xb0: {  	[dreg:$0x4] =	wrdreg $0x9  }
0xb1: {  	_ =	task.clear_ibuf [dreg:s7], $0x5FFFF;
	_ =	strace $0x90000046  }
0xb2: {  	s29 =	simm.s32 $0x9;
	_ =	strace $0x80000048  }
0xb3: {  	_ =	swait.ge [sflag:s29], $0x1  }
0xb4: {  	[sflag:s29] =	ssyncadd.s32 $0xFFFFFFFF  }
0xb5: {  	_ =	strace $0x90000048  }
0xb6: {  	_ =	sfence  }
0xb7: {  	s30 =	sld [smem:$0x0];
	_ =	sdelay $0x2  }
0xb8: {  	s31 =	sshll.u32 s1, $0xD;
	s1 =	sshrl.u32 s1, $0x2  }
0xb9: {  	s3 =	sand.u32 $0x4000, s31;
	s1 =	sadd.s32 s1, s30  }
0xba: {  	s0 =	sor.u32 s3, s0;
	s1 =	sshll.u32 s1, $0x11  }
0xbb: {  	s0 =	sor.u32 s1, s0  }
0xbc: {  	s0 =	sadd.s32 $0x8F2B, s0  }
0xbd: {  	[sflag:s0] =	ssyncadd.remote.s32 $0x1  }
0xbe: {  	_ =	sfence.sel $0xFFFF  }
0xbf: {  	[dreg:$0x0] =	wrdreg $0xFFFFFFFF;
	(pc) =	sbr.abs _section_cstart, $3  }
0xc0: {  	[dreg:$0x1] =	wrdreg $0xFFFFFFFF  }
0xc1: {  	_ =	task.clear_ibuf [dreg:s7], $0x2FFFF;
	_ =	strace $0x9FFFFFFF  }
0xc2: {  	(tm) =	ssettm $0x7FFFFFFF  }
0xc3: {  	_ =	shalt  }
tec
execute0_lowered:
.L_overlay_start_1:
0x0: {  	(tag) =	ssettag $0x1  }
0x1: {  	s0 =	rddreg [dreg:$0x0]  }
0x2: {  	s1 =	rddreg [dreg:$0x1];
	s3 =	srdreg.scid  }
0x3: {  	s2 =	simm.s32 $0x0;
	s5 =	stileid.u32;
	s4 =	sand.u32 $0x1, s3  }
0x4: {  	[smem:$0x7FF] =	sst s2;
	s5 =	sshll.u32 s5, $0xA;
	s6 =	sshll.u32 s4, $0x9  }
0x5: {  	s3 =	sadd.s32 $0x400, s1;
	s4 =	ssub.s32 $0x2, s4;
	s5 =	sor.u32 s6, s5  }
0x6: {  	s7 =	sshrl.u32 s4, $0x1;
	s6 =	sshll.u32 s5, $0x4;
	s5 =	sshrl.u32 s5, $0x3  }
0x7: {  	_ =	strace $0x80000047;
	s4 =	ssub.s32 s4, s7;
	s0 =	sadd.s32 s0, s5  }
0x8: {  	s1 =	sadd.s32 s6, s1;
	s31 =	smax.u32 s4, $0x1;
	[dreg:$0x15] =	wrdreg s0  }
0x9: {  	s30 =	sadd.s32 $0xF42A00, s1;
	[dreg:$0x17] =	wrdreg s31  }
0xa: {  	s4 =	simm.s32 $0x0;
	s1 =	simm.s32 $0x5;
	[dreg:$0x16] =	wrdreg s30  }
.LBB2_1:
0xb: {  	[dreg:$0x18] =	wrdreg s4  }
0xc: {  	s0 =	rddreg [dreg:$0x15]  }
0xd: {  	[tilespmem:s2], [sflag:$0x5] =	stream.linear.gather [hbm4b:s0+s2], $0x200, $0x38;
	[tilespmem:$0x10200] =	vst v63  }
0xe: {  	_ =	swait.ge [sflag:s1], $0x200  }
0xf: {  	[sflag:s1] =	ssyncset.done $0x0  }
0x10: {  	s13 =	simm.s32 $0x40;
	[sflag:s1] =	ssyncadd.s32 $0xFFFFFE00  }
0x11: {  	v0 =	vld [tilespmem:s13+$0xFFFFFFC0];
	_ =	sdelay $0x4  }
0x12: {  	v0 =	vshll.u32 v0, $0x4  }
0x13: {  	(v2sf) =	vpush v0, $0x0  }
0x14: {  	(v2sf) =	vpush v0, $0x1  }
0x15: {  	(v2sf) =	vpush v0, $0x2;
	_ =	sdelay $0x1  }
0x16: {  	(v2sf) =	vpush v0, $0x3;
	_ =	sdelay $0x2  }
0x17: {  	(v2sf) =	vpush v0, $0x4;
	_ =	sdelay $0x1  }
0x18: {  	(v2sf) =	vpush v0, $0x5;
	_ =	sdelay $0x1  }
0x19: {  	(v2sf) =	vpush v0, $0x6;
	_ =	sdelay $0x1  }
0x1a: {  	s22 =	simm.s32 $0x380;
	s23 =	simm.s32 $0x280  }
0x1b: {  	s5 =	simm.s32 $0x300;
	s7 =	simm.s32 $0x200;
	s15 =	simm.s32 $0x400  }
0x1c: {  	s18 =	simm.s32 $0x480;
	s4 =	simm.s32 $0x780;
	(v2sf) =	vpush v0, $0x7;
	s6 =	spop (v2sf)  }
0x1d: {  	s21 =	simm.s32 $0x680;
	s6 =	sand.u32 $0x1FFFFFF0, s6;
	s8 =	spop (v2sf)  }
0x1e: {  	s0 =	simm.s32 $0x880;
	(v2sf) =	vpush v0, $0x8;
	s6 =	sadd.s32 s3, s6;
	s9 =	spop (v2sf)  }
0x1f: {  	(v2sf) =	vpush v0, $0x9;
	[tilespmem:s7], [sflag:$0x1] =	stream.linear.gather [hbm4b:s6+s2], $0x80, $0x38;
	[tilespmem:$0x10200] =	vst v63  }
0x20: {  	s1 =	simm.s32 $0x700;
	s8 =	sand.u32 $0x1FFFFFF0, s8;
	s26 =	spop (v2sf)  }
0x21: {  	s24 =	sadd.s32 s3, s8;
	s25 =	sand.u32 $0x1FFFFFF0, s9;
	(v2sf) =	vpush v0, $0xA;
	s9 =	sand.u32 $0x1FFFFFF0, s26  }
0x22: {  	[tilespmem:s23], [sflag:$0x1] =	stream.linear.gather [hbm4b:s24+s2], $0x80, $0x38;
	[tilespmem:$0x10200] =	vst v63  }
0x23: {  	s7 =	sadd.s32 s3, s25;
	s10 =	spop (v2sf);
	(v2sf) =	vpush v0, $0xB;
	s11 =	sadd.s32 s3, s9  }
0x24: {  	[tilespmem:s5], [sflag:$0x1] =	stream.linear.gather [hbm4b:s7+s2], $0x80, $0x38;
	[tilespmem:$0x10200] =	vst v63  }
0x25: {  	s12 =	sand.u32 $0x1FFFFFF0, s10;
	s14 =	spop (v2sf);
	(v2sf) =	vpush v0, $0xC;
	s23 =	simm.s32 $0x580  }
0x26: {  	[tilespmem:s22], [sflag:$0x1] =	stream.linear.gather [hbm4b:s11+s2], $0x80, $0x38;
	[tilespmem:$0x10200] =	vst v63  }
0x27: {  	s16 =	sadd.s32 s3, s12;
	s17 =	sand.u32 $0x1FFFFFF0, s14;
	(v2sf) =	vpush v0, $0xD;
	s20 =	spop (v2sf)  }
0x28: {  	[tilespmem:s15], [sflag:$0x1] =	stream.linear.gather [hbm4b:s16+s2], $0x80, $0x38;
	[tilespmem:$0x10200] =	vst v63  }
0x29: {  	s10 =	simm.s32 $0x500;
	s19 =	sadd.s32 s3, s17;
	(v2sf) =	vpush v0, $0xE;
	s6 =	sand.u32 $0x1FFFFFF0, s20  }
0x2a: {  	[tilespmem:s18], [sflag:$0x1] =	stream.linear.gather [hbm4b:s19+s2], $0x80, $0x38;
	[tilespmem:$0x10200] =	vst v63  }
0x2b: {  	s5 =	simm.s32 $0x800;
	s6 =	sadd.s32 s3, s6;
	s11 =	spop (v2sf);
	(v2sf) =	vpush v0, $0xF  }
0x2c: {  	[tilespmem:s10], [sflag:$0x1] =	stream.linear.gather [hbm4b:s6+s2], $0x80, $0x38;
	[tilespmem:$0x10200] =	vst v63  }
0x2d: {  	s22 =	simm.s32 $0x600;
	s11 =	sand.u32 $0x1FFFFFF0, s11;
	s12 =	spop (v2sf)  }
0x2e: {  	s24 =	sadd.s32 s3, s11;
	s25 =	sand.u32 $0x1FFFFFF0, s12;
	s26 =	spop (v2sf)  }
0x2f: {  	[tilespmem:s23], [sflag:$0x1] =	stream.linear.gather [hbm4b:s24+s2], $0x80, $0x38;
	[tilespmem:$0x10200] =	vst v63  }
0x30: {  	s10 =	sadd.s32 s3, s25;
	s12 =	sand.u32 $0x1FFFFFF0, s26;
	s14 =	spop (v2sf)  }
0x31: {  	[tilespmem:s22], [sflag:$0x1] =	stream.linear.gather [hbm4b:s10+s2], $0x80, $0x38;
	[tilespmem:$0x10200] =	vst v63  }
0x32: {  	s15 =	sadd.s32 s3, s12;
	s16 =	sand.u32 $0x1FFFFFF0, s14;
	s17 =	spop (v2sf)  }
0x33: {  	[tilespmem:s21], [sflag:$0x1] =	stream.linear.gather [hbm4b:s15+s2], $0x80, $0x38;
	[tilespmem:$0x10200] =	vst v63  }
0x34: {  	s18 =	sadd.s32 s3, s16;
	s19 =	sand.u32 $0x1FFFFFF0, s17;
	s20 =	spop (v2sf)  }
0x35: {  	[tilespmem:s1], [sflag:$0x1] =	stream.linear.gather [hbm4b:s18+s2], $0x80, $0x38;
	[tilespmem:$0x10200] =	vst v63  }
0x36: {  	s21 =	sadd.s32 s3, s19;
	s22 =	sand.u32 $0x1FFFFFF0, s20;
	s23 =	spop (v2sf)  }
0x37: {  	[tilespmem:s4], [sflag:$0x1] =	stream.linear.gather [hbm4b:s21+s2], $0x80, $0x38;
	[tilespmem:$0x10200] =	vst v63  }
0x38: {  	s24 =	sadd.s32 s3, s22;
	s25 =	sand.u32 $0x1FFFFFF0, s23;
	s26 =	spop (v2sf)  }
0x39: {  	[tilespmem:s5], [sflag:$0x1] =	stream.linear.gather [hbm4b:s24+s2], $0x80, $0x38;
	[tilespmem:$0x10200] =	vst v63  }
0x3a: {  	s6 =	sand.u32 $0x1FFFFFF0, s26;
	s7 =	spop (v2sf);
	s5 =	sadd.s32 s3, s25  }
0x3b: {  	[tilespmem:s0], [sflag:$0x1] =	stream.linear.gather [hbm4b:s5+s2], $0x80, $0x38;
	[tilespmem:$0x10200] =	vst v63  }
0x3c: {  	s8 =	simm.s32 $0x900;
	s9 =	sadd.s32 s3, s6;
	s10 =	sand.u32 $0x1FFFFFF0, s7  }
0x3d: {  	[tilespmem:s8], [sflag:$0x1] =	stream.linear.gather [hbm4b:s9+s2], $0x80, $0x38;
	[tilespmem:$0x10200] =	vst v63  }
0x3e: {  	s11 =	simm.s32 $0x980;
	s12 =	sadd.s32 s3, s10  }
0x3f: {  	[tilespmem:s11], [sflag:$0x1] =	stream.linear.gather [hbm4b:s12+s2], $0x80, $0x38;
	[tilespmem:$0x10200] =	vst v63  }
0x40: {  	v62 =	vld [tilespmem:s13+$0xFFFFFFD0];
	_ =	sdelay $0x4  }
0x41: {  	v0 =	vshll.u32 v62, $0x4  }
0x42: {  	(v2sf) =	vpush v0, $0x0  }
0x43: {  	(v2sf) =	vpush v0, $0x1;
	_ =	sdelay $0x2  }
0x44: {  	(v2sf) =	vpush v0, $0x2  }
0x45: {  	(v2sf) =	vpush v0, $0x3  }
0x46: {  	(v2sf) =	vpush v0, $0x4;
	_ =	sdelay $0x1  }
0x47: {  	(v2sf) =	vpush v0, $0x5;
	_ =	sdelay $0x3  }
0x48: {  	(v2sf) =	vpush v0, $0x6  }
0x49: {  	s14 =	simm.s32 $0xB80;
	s16 =	simm.s32 $0xB00  }
0x4a: {  	s15 =	simm.s32 $0xA80;
	s18 =	simm.s32 $0xA00;
	s1 =	simm.s32 $0x1000;
	(v2sf) =	vpush v0, $0x7  }
0x4b: {  	s4 =	simm.s32 $0xF00;
	s0 =	simm.s32 $0x1080;
	s17 =	spop (v2sf)  }
0x4c: {  	s8 =	simm.s32 $0xC00;
	(v2sf) =	vpush v0, $0x8;
	s5 =	sand.u32 $0x1FFFFFF0, s17;
	s19 =	spop (v2sf)  }
0x4d: {  	s11 =	simm.s32 $0xC80;
	s5 =	sadd.s32 s3, s5;
	s7 =	sand.u32 $0x1FFFFFF0, s19  }
0x4e: {  	(v2sf) =	vpush v0, $0x9;
	[tilespmem:s18], [sflag:$0x2] =	stream.linear.gather [hbm4b:s5+s2], $0x80, $0x38;
	[tilespmem:$0x10200] =	vst v63  }
0x4f: {  	s17 =	simm.s32 $0xD80;
	s20 =	spop (v2sf);
	s21 =	sadd.s32 s3, s7  }
0x50: {  	(v2sf) =	vpush v0, $0xA;
	s22 =	sand.u32 $0x1FFFFFF0, s20;
	s23 =	spop (v2sf);
	s18 =	simm.s32 $0xD00  }
0x51: {  	s24 =	sadd.s32 s3, s22;
	s25 =	sand.u32 $0x1FFFFFF0, s23;
	s26 =	spop (v2sf)  }
0x52: {  	(v2sf) =	vpush v0, $0xB;
	[tilespmem:s15], [sflag:$0x2] =	stream.linear.gather [hbm4b:s21+s2], $0x80, $0x38;
	[tilespmem:$0x10200] =	vst v63  }
0x53: {  	s5 =	sadd.s32 s3, s25;
	s6 =	sand.u32 $0x1FFFFFF0, s26;
	s7 =	spop (v2sf)  }
0x54: {  	(v2sf) =	vpush v0, $0xC;
	[tilespmem:s16], [sflag:$0x2] =	stream.linear.gather [hbm4b:s24+s2], $0x80, $0x38;
	[tilespmem:$0x10200] =	vst v63  }
0x55: {  	s15 =	simm.s32 $0xE80;
	s9 =	sadd.s32 s3, s6;
	s10 =	sand.u32 $0x1FFFFFF0, s7  }
0x56: {  	(v2sf) =	vpush v0, $0xD;
	[tilespmem:s14], [sflag:$0x2] =	stream.linear.gather [hbm4b:s5+s2], $0x80, $0x38;
	[tilespmem:$0x10200] =	vst v63  }
0x57: {  	s12 =	sadd.s32 s3, s10;
	s16 =	simm.s32 $0xE00;
	s14 =	spop (v2sf)  }
0x58: {  	(v2sf) =	vpush v0, $0xE;
	[tilespmem:s8], [sflag:$0x2] =	stream.linear.gather [hbm4b:s9+s2], $0x80, $0x38;
	[tilespmem:$0x10200] =	vst v63  }
0x59: {  	s5 =	simm.s32 $0xF80;
	s6 =	sand.u32 $0x1FFFFFF0, s14;
	s19 =	spop (v2sf)  }
0x5a: {  	(v2sf) =	vpush v0, $0xF;
	[tilespmem:s11], [sflag:$0x2] =	stream.linear.gather [hbm4b:s12+s2], $0x80, $0x38;
	[tilespmem:$0x10200] =	vst v63  }
0x5b: {  	s6 =	sadd.s32 s3, s6;
	s11 =	sand.u32 $0x1FFFFFF0, s19;
	s20 =	spop (v2sf)  }
0x5c: {  	[tilespmem:s18], [sflag:$0x2] =	stream.linear.gather [hbm4b:s6+s2], $0x80, $0x38;
	[tilespmem:$0x10200] =	vst v63  }
0x5d: {  	s21 =	sadd.s32 s3, s11;
	s22 =	sand.u32 $0x1FFFFFF0, s20;
	s23 =	spop (v2sf)  }
0x5e: {  	[tilespmem:s17], [sflag:$0x2] =	stream.linear.gather [hbm4b:s21+s2], $0x80, $0x38;
	[tilespmem:$0x10200] =	vst v63  }
0x5f: {  	s24 =	sadd.s32 s3, s22;
	s25 =	sand.u32 $0x1FFFFFF0, s23;
	s26 =	spop (v2sf)  }
0x60: {  	[tilespmem:s16], [sflag:$0x2] =	stream.linear.gather [hbm4b:s24+s2], $0x80, $0x38;
	[tilespmem:$0x10200] =	vst v63  }
0x61: {  	s8 =	sadd.s32 s3, s25;
	s9 =	sand.u32 $0x1FFFFFF0, s26;
	s10 =	spop (v2sf)  }
0x62: {  	[tilespmem:s15], [sflag:$0x2] =	stream.linear.gather [hbm4b:s8+s2], $0x80, $0x38;
	[tilespmem:$0x10200] =	vst v63  }
0x63: {  	s11 =	sadd.s32 s3, s9;
	s12 =	sand.u32 $0x1FFFFFF0, s10;
	s14 =	spop (v2sf)  }
0x64: {  	[tilespmem:s4], [sflag:$0x2] =	stream.linear.gather [hbm4b:s11+s2], $0x80, $0x38;
	[tilespmem:$0x10200] =	vst v63  }
0x65: {  	s16 =	sand.u32 $0x1FFFFFF0, s14;
	s17 =	spop (v2sf);
	s15 =	sadd.s32 s3, s12  }
0x66: {  	[tilespmem:s5], [sflag:$0x2] =	stream.linear.gather [hbm4b:s15+s2], $0x80, $0x38;
	[tilespmem:$0x10200] =	vst v63  }
0x67: {  	s18 =	sadd.s32 s3, s16;
	s19 =	sand.u32 $0x1FFFFFF0, s17;
	s20 =	spop (v2sf)  }
0x68: {  	[tilespmem:s1], [sflag:$0x2] =	stream.linear.gather [hbm4b:s18+s2], $0x80, $0x38;
	[tilespmem:$0x10200] =	vst v63  }
0x69: {  	s21 =	sadd.s32 s3, s19;
	s22 =	sand.u32 $0x1FFFFFF0, s20;
	s23 =	spop (v2sf)  }
0x6a: {  	[tilespmem:s0], [sflag:$0x2] =	stream.linear.gather [hbm4b:s21+s2], $0x80, $0x38;
	[tilespmem:$0x10200] =	vst v63  }
0x6b: {  	s24 =	simm.s32 $0x1100;
	s25 =	sadd.s32 s3, s22;
	s26 =	sand.u32 $0x1FFFFFF0, s23  }
0x6c: {  	[tilespmem:s24], [sflag:$0x2] =	stream.linear.gather [hbm4b:s25+s2], $0x80, $0x38;
	[tilespmem:$0x10200] =	vst v63  }
0x6d: {  	s1 =	simm.s32 $0x1180;
	s4 =	sadd.s32 s3, s26  }
0x6e: {  	[tilespmem:s1], [sflag:$0x2] =	stream.linear.gather [hbm4b:s4+s2], $0x80, $0x38;
	[tilespmem:$0x10200] =	vst v63  }
0x6f: {  	v63 =	vld [tilespmem:s13+$0xFFFFFFE0];
	_ =	sdelay $0x4  }
0x70: {  	v0 =	vshll.u32 v63, $0x4  }
0x71: {  	(v2sf) =	vpush v0, $0x0  }
0x72: {  	(v2sf) =	vpush v0, $0x1  }
0x73: {  	(v2sf) =	vpush v0, $0x2;
	_ =	sdelay $0x1  }
0x74: {  	(v2sf) =	vpush v0, $0x3  }
0x75: {  	(v2sf) =	vpush v0, $0x4  }
0x76: {  	s28 =	simm.s32 $0x4180  }
0x77: {  	s29 =	simm.s32 $0x3800;
	s30 =	simm.s32 $0x1800;
	s5 =	simm.s32 $0x0;
	(v2sf) =	vpush v0, $0x5  }
0x78: {  	s31 =	simm.s32 $0x1680;
	s6 =	simm.s32 $0x3880;
	[dreg:$0x3] =	wrdreg s5  }
0x79: {  	s7 =	simm.s32 $0x2800;
	s9 =	simm.s32 $0x2680;
	[dreg:$0x4] =	wrdreg s6;
	(v2sf) =	vpush v0, $0x6  }
0x7a: {  	s10 =	simm.s32 $0x2700;
	s8 =	simm.s32 $0x2880;
	[dreg:$0x7] =	wrdreg s7  }
0x7b: {  	s14 =	simm.s32 $0x1300;
	s12 =	simm.s32 $0x1280;
	[dreg:$0x6] =	wrdreg s8  }
0x7c: {  	s16 =	simm.s32 $0x1200;
	s19 =	simm.s32 $0x8180;
	[dreg:$0xa] =	wrdreg s9  }
0x7d: {  	s11 =	simm.s32 $0x2780;
	s0 =	simm.s32 $0x1880;
	[dreg:$0x9] =	wrdreg s10;
	(v2sf) =	vpush v0, $0x7  }
0x7e: {  	s25 =	simm.s32 $0xC0;
	s1 =	simm.s32 $0x1380;
	[dreg:$0x8] =	wrdreg s11  }
0x7f: {  	s7 =	simm.s32 $0x1400;
	s9 =	simm.s32 $0x1500;
	(v2sf) =	vpush v0, $0x8;
	s15 =	spop (v2sf)  }
0x80: {  	s11 =	simm.s32 $0x1480;
	s4 =	sand.u32 $0x1FFFFFF0, s15;
	s17 =	spop (v2sf)  }
0x81: {  	s4 =	sadd.s32 s3, s4;
	s6 =	sand.u32 $0x1FFFFFF0, s17;
	s18 =	spop (v2sf)  }
0x82: {  	[tilespmem:s16], [sflag:$0x3] =	stream.linear.gather [hbm4b:s4+s2], $0x80, $0x38;
	[tilespmem:$0x10200] =	vst v63  }
0x83: {  	s20 =	sadd.s32 s3, s6;
	s21 =	sand.u32 $0x1FFFFFF0, s18;
	s22 =	spop (v2sf);
	(v2sf) =	vpush v0, $0x9  }
0x84: {  	s18 =	simm.s32 $0x1580;
	s23 =	sadd.s32 s3, s21;
	s26 =	spop (v2sf)  }
0x85: {  	(v2sf) =	vpush v0, $0xA;
	[tilespmem:s12], [sflag:$0x3] =	stream.linear.gather [hbm4b:s20+s2], $0x80, $0x38;
	[tilespmem:$0x10200] =	vst v63  }
0x86: {  	s24 =	sand.u32 $0x1FFFFFF0, s22;
	s22 =	simm.s32 $0x2600;
	s10 =	spop (v2sf)  }
0x87: {  	[tilespmem:s14], [sflag:$0x3] =	stream.linear.gather [hbm4b:s23+s2], $0x80, $0x38;
	[tilespmem:$0x10200] =	vst v63  }
0x88: {  	s4 =	sadd.s32 s3, s24;
	s6 =	sand.u32 $0x1FFFFFF0, s26;
	s12 =	spop (v2sf)  }
0x89: {  	[tilespmem:s1], [sflag:$0x3] =	stream.linear.gather [hbm4b:s4+s2], $0x80, $0x38;
	[tilespmem:$0x10200] =	vst v63  }
0x8a: {  	s8 =	sadd.s32 s3, s6;
	s6 =	sand.u32 $0x1FFFFFF0, s12;
	s4 =	sand.u32 $0x1FFFFFF0, s10  }
0x8b: {  	[tilespmem:s7], [sflag:$0x3] =	stream.linear.gather [hbm4b:s8+s2], $0x80, $0x38;
	[tilespmem:$0x10200] =	vst v63  }
0x8c: {  	s14 =	spop (v2sf);
	s23 =	simm.s32 $0x1600;
	s4 =	sadd.s32 s3, s4  }
0x8d: {  	[tilespmem:s11], [sflag:$0x3] =	stream.linear.gather [hbm4b:s4+s2], $0x80, $0x38;
	[tilespmem:$0x10200] =	vst v63  }
0x8e: {  	s15 =	sadd.s32 s3, s6;
	s16 =	sand.u32 $0x1FFFFFF0, s14;
	s17 =	spop (v2sf)  }
0x8f: {  	[tilespmem:s9], [sflag:$0x3] =	stream.linear.gather [hbm4b:s15+s2], $0x80, $0x38;
	[tilespmem:$0x10200] =	vst v63  }
0x90: {  	(v2sf) =	vpush v0, $0xB;
	s6 =	simm.s32 $0x1700;
	s20 =	sadd.s32 s3, s16;
	s21 =	sand.u32 $0x1FFFFFF0, s17  }
0x91: {  	(v2sf) =	vpush v0, $0xC;
	[tilespmem:s18], [sflag:$0x3] =	stream.linear.gather [hbm4b:s20+s2], $0x80, $0x38;
	[tilespmem:$0x10200] =	vst v63  }
0x92: {  	(v2sf) =	vpush v0, $0xD;
	s24 =	sadd.s32 s3, s21;
	[dreg:$0xb] =	wrdreg s22;
	s26 =	spop (v2sf)  }
0x93: {  	(v2sf) =	vpush v0, $0xE;
	[tilespmem:s23], [sflag:$0x3] =	stream.linear.gather [hbm4b:s24+s2], $0x80, $0x38;
	[tilespmem:$0x10200] =	vst v63  }
0x94: {  	s1 =	simm.s32 $0x1780;
	(v2sf) =	vpush v0, $0xF;
	s5 =	sand.u32 $0x1FFFFFF0, s26;
	s4 =	spop (v2sf)  }
.LBB2_2:
0x95: {  	_ =	sdelay $0x3  }
0x96: {  	[dreg:$0xc] =	wrdreg s29  }
0x97: {  	[dreg:$0xd] =	wrdreg s25  }
0x98: {  	s5 =	sadd.s32 s3, s5;
	s4 =	sand.u32 $0x1FFFFFF0, s4;
	s26 =	smov.u32 s13  }
0x99: {  	v0 =	vld [tilespmem:s25+$0xFFFFFFC0];
	[tilespmem:s31], [sflag:$0x3] =	stream.linear.gather [hbm4b:s5+s2], $0x80, $0x38  }
0x9a: {  	s8 =	smov.u32 s25;
	s20 =	smov.u32 s28;
	s4 =	sadd.s32 s3, s4  }
0x9b: {  	[tilespmem:s6], [sflag:$0x3] =	stream.linear.gather [hbm4b:s4+s2], $0x80, $0x38;
	[tilespmem:$0x10200] =	vst v63  }
0x9c: {  	s28 =	sadd.s32 $0xFFFFC700, s19;
	[dreg:$0x5] =	wrdreg s8;
	s7 =	spop (v2sf)  }
0x9d: {  	s17 =	sadd.s32 $0xFFFFD780, s20;
	s24 =	sand.u32 $0x1FFFFFF0, s7;
	s25 =	spop (v2sf)  }
0x9e: {  	s8 =	sadd.s32 s3, s24;
	s9 =	sand.u32 $0x1FFFFFF0, s25;
	s10 =	spop (v2sf)  }
0x9f: {  	v0 =	vshll.u32 v0, $0x4;
	[tilespmem:s1], [sflag:$0x3] =	stream.linear.gather [hbm4b:s8+s2], $0x80, $0x38;
	[tilespmem:$0x10200] =	vst v63  }
0xa0: {  	(v2sf) =	vpush v0, $0x0;
	s11 =	sadd.s32 s3, s9;
	s12 =	sand.u32 $0x1FFFFFF0, s10;
	s13 =	spop (v2sf)  }
0xa1: {  	(v2sf) =	vpush v0, $0x1;
	[tilespmem:s30], [sflag:$0x3] =	stream.linear.gather [hbm4b:s11+s2], $0x80, $0x38;
	[tilespmem:$0x10200] =	vst v63  }
0xa2: {  	(v2sf) =	vpush v0, $0x2;
	s14 =	sadd.s32 s3, s12;
	s15 =	sand.u32 $0x1FFFFFF0, s13;
	s16 =	spop (v2sf)  }
0xa3: {  	[tilespmem:s0], [sflag:$0x3] =	stream.linear.gather [hbm4b:s14+s2], $0x80, $0x38;
	[tilespmem:$0x10200] =	vst v63  }
0xa4: {  	s22 =	sadd.s32 $0xFFFFD800, s20;
	(v2sf) =	vpush v0, $0x3;
	s18 =	sadd.s32 s3, s15;
	s21 =	sand.u32 $0x1FFFFFF0, s16  }
0xa5: {  	[tilespmem:s17], [sflag:$0x3] =	stream.linear.gather [hbm4b:s18+s2], $0x80, $0x38;
	[tilespmem:$0x10200] =	vst v63  }
0xa6: {  	s31 =	sadd.s32 $0xFFFFE300, s20;
	s5 =	sadd.s32 $0xFFFFDF00, s20;
	(v2sf) =	vpush v0, $0x4;
	s23 =	sadd.s32 s3, s21  }
0xa7: {  	[tilespmem:s22], [sflag:$0x3] =	stream.linear.gather [hbm4b:s23+s2], $0x80, $0x38;
	[tilespmem:$0x10200] =	vst v63  }
0xa8: {  	s29 =	sadd.s32 $0xFFFFD900, s20;
	s4 =	sadd.s32 $0xFFFFDF80, s20;
	s24 =	sadd.s32 $0xFFFFE400, s20;
	(v2sf) =	vpush v0, $0x5;
	v1 =	vld [tilespmem:s26+$0xFFFFFFF0]  }
0xa9: {  	s6 =	sadd.s32 $0xFFFFC200, s19;
	s25 =	sadd.s32 $0xFFFFE380, s20;
	[dreg:$0x12] =	wrdreg s24  }
0xaa: {  	s7 =	sadd.s32 $0xFFFFDD80, s20;
	[dreg:$0x14] =	wrdreg s25;
	s10 =	sadd.s32 $0xFFFFDE00, s20  }
0xab: {  	s8 =	sadd.s32 $0xFFFFDE80, s20;
	s25 =	sadd.s32 $0xFFFFD980, s20;
	s1 =	sadd.s32 $0xFFFFD880, s20  }
0xac: {  	s9 =	sadd.s32 $0xFFFFC100, s19;
	s24 =	sadd.s32 $0xFFFFC080, s19;
	s12 =	sadd.s32 $0xFFFFE000, s20  }
0xad: {  	s30 =	sadd.s32 $0xFFFFE280, s20;
	s16 =	sadd.s32 $0xFFFFDC00, s20;
	s15 =	sadd.s32 $0xFFFFDC80, s20;
	v1 =	vshll.u32 v1, $0x4  }
0xae: {  	s11 =	sadd.s32 $0xFFFFC180, s19;
	s21 =	sadd.s32 $0xFFFFDB80, s20;
	s14 =	sadd.s32 $0xFFFFDD00, s20;
	(v2sf) =	vpush v1, $0x0  }
0xaf: {  	s17 =	sadd.s32 $0xFFFFDA00, s20;
	s23 =	sadd.s32 $0xFFFFDA80, s20;
	s0 =	spop (v2sf);
	(v2sf) =	vpush v1, $0x1  }
0xb0: {  	s22 =	sadd.s32 $0xFFFFDB00, s20;
	s13 =	sand.u32 $0x1FFFFFF0, s0;
	s18 =	spop (v2sf);
	(v2sf) =	vpush v1, $0x2  }
0xb1: {  	s13 =	sadd.s32 s3, s13;
	s18 =	sand.u32 $0x1FFFFFF0, s18;
	s0 =	spop (v2sf)  }
0xb2: {  	[tilespmem:s24], [sflag:$0x1] =	stream.linear.gather [hbm4b:s13+s2], $0x80, $0x38;
	(v2sf) =	vpush v1, $0x3;
	[tilespmem:$0x10200] =	vst v63  }
0xb3: {  	s18 =	sadd.s32 s3, s18;
	s0 =	sand.u32 $0x1FFFFFF0, s0;
	s24 =	spop (v2sf)  }
0xb4: {  	[tilespmem:s9], [sflag:$0x1] =	stream.linear.gather [hbm4b:s18+s2], $0x80, $0x38;
	(v2sf) =	vpush v1, $0x4;
	[tilespmem:$0x10200] =	vst v63  }
0xb5: {  	s0 =	sadd.s32 s3, s0;
	s18 =	sand.u32 $0x1FFFFFF0, s24;
	s24 =	spop (v2sf)  }
0xb6: {  	(v2sf) =	vpush v1, $0x5;
	[tilespmem:s11], [sflag:$0x1] =	stream.linear.gather [hbm4b:s0+s2], $0x80, $0x38;
	[tilespmem:$0x10200] =	vst v63  }
0xb7: {  	s11 =	sadd.s32 s3, s18;
	s18 =	sand.u32 $0x1FFFFFF0, s24;
	s24 =	spop (v2sf)  }
0xb8: {  	(v2sf) =	vpush v1, $0x6;
	[tilespmem:s6], [sflag:$0x1] =	stream.linear.gather [hbm4b:s11+s2], $0x80, $0x38;
	[tilespmem:$0x10200] =	vst v63  }
0xb9: {  	s9 =	sadd.s32 s3, s18;
	s6 =	sadd.s32 $0xFFFFC280, s19;
	s11 =	sand.u32 $0x1FFFFFF0, s24  }
0xba: {  	(v2sf) =	vpush v1, $0x7;
	[tilespmem:s6], [sflag:$0x1] =	stream.linear.gather [hbm4b:s9+s2], $0x80, $0x38;
	[tilespmem:$0x10200] =	vst v63  }
0xbb: {  	s13 =	sadd.s32 $0xFFFFC300, s19;
	s9 =	sadd.s32 s3, s11;
	s6 =	sadd.s32 $0xFFFFC680, s19  }
0xbc: {  	(v2sf) =	vpush v1, $0x8;
	[tilespmem:s13], [sflag:$0x1] =	stream.linear.gather [hbm4b:s9+s2], $0x80, $0x38;
	[tilespmem:$0x10200] =	vst v63  }
0xbd: {  	s11 =	sadd.s32 $0xFFFFC580, s19;
	s9 =	sadd.s32 $0xFFFFC600, s19;
	s18 =	spop (v2sf)  }
0xbe: {  	s13 =	sadd.s32 $0xFFFFC500, s19;
	s0 =	sand.u32 $0x1FFFFFF0, s18;
	s24 =	spop (v2sf);
	(v2sf) =	vpush v1, $0x9  }
0xbf: {  	s0 =	sadd.s32 s3, s0;
	s18 =	sand.u32 $0x1FFFFFF0, s24;
	s24 =	spop (v2sf)  }
0xc0: {  	(v2sf) =	vpush v1, $0xA;
	[tilespmem:s1], [sflag:$0x4] =	stream.linear.gather [hbm4b:s0+s2], $0x80, $0x38;
	[tilespmem:$0x10200] =	vst v63  }
0xc1: {  	s1 =	sadd.s32 s3, s18;
	s18 =	sand.u32 $0x1FFFFFF0, s24;
	s24 =	spop (v2sf)  }
0xc2: {  	(v2sf) =	vpush v1, $0xB;
	[tilespmem:s29], [sflag:$0x4] =	stream.linear.gather [hbm4b:s1+s2], $0x80, $0x38;
	[tilespmem:$0x10200] =	vst v63  }
0xc3: {  	s1 =	sadd.s32 s3, s18;
	s18 =	sand.u32 $0x1FFFFFF0, s24;
	s24 =	spop (v2sf)  }
0xc4: {  	(v2sf) =	vpush v1, $0xC;
	[tilespmem:s25], [sflag:$0x4] =	stream.linear.gather [hbm4b:s1+s2], $0x80, $0x38;
	[tilespmem:$0x10200] =	vst v63  }
0xc5: {  	s24 =	sand.u32 $0x1FFFFFF0, s24;
	s1 =	sadd.s32 s3, s18;
	s25 =	spop (v2sf)  }
0xc6: {  	(v2sf) =	vpush v1, $0xD;
	[tilespmem:s17], [sflag:$0x4] =	stream.linear.gather [hbm4b:s1+s2], $0x80, $0x38;
	[tilespmem:$0x10200] =	vst v63  }
0xc7: {  	s18 =	spop (v2sf);
	s1 =	sadd.s32 s3, s24;
	s17 =	sand.u32 $0x1FFFFFF0, s25  }
0xc8: {  	(v2sf) =	vpush v1, $0xE;
	[tilespmem:s23], [sflag:$0x4] =	stream.linear.gather [hbm4b:s1+s2], $0x80, $0x38;
	[tilespmem:$0x10200] =	vst v63  }
0xc9: {  	s24 =	sand.u32 $0x1FFFFFF0, s18;
	s25 =	spop (v2sf);
	s23 =	sadd.s32 s3, s17  }
0xca: {  	[tilespmem:s22], [sflag:$0x4] =	stream.linear.gather [hbm4b:s23+s2], $0x80, $0x38;
	[tilespmem:$0x10200] =	vst v63  }
0xcb: {  	s18 =	sand.u32 $0x1FFFFFF0, s25;
	s1 =	sadd.s32 s3, s24;
	s22 =	spop (v2sf)  }
0xcc: {  	(v2sf) =	vpush v1, $0xF;
	[tilespmem:s21], [sflag:$0x4] =	stream.linear.gather [hbm4b:s1+s2], $0x80, $0x38;
	[tilespmem:$0x10200] =	vst v63  }
0xcd: {  	s23 =	sadd.s32 s3, s18;
	s24 =	sand.u32 $0x1FFFFFF0, s22;
	s25 =	spop (v2sf)  }
0xce: {  	(v2sf) =	vpush v0, $0x6;
	[tilespmem:s16], [sflag:$0x4] =	stream.linear.gather [hbm4b:s23+s2], $0x80, $0x38;
	[tilespmem:$0x10200] =	vst v63  }
0xcf: {  	s18 =	sadd.s32 s3, s24;
	s21 =	sand.u32 $0x1FFFFFF0, s25;
	s22 =	spop (v2sf);
	(v2sf) =	vpush v0, $0x7  }
0xd0: {  	[tilespmem:s15], [sflag:$0x4] =	stream.linear.gather [hbm4b:s18+s2], $0x80, $0x38;
	[tilespmem:$0x10200] =	vst v63  }
0xd1: {  	(v2sf) =	vpush v0, $0x8;
	s23 =	sadd.s32 s3, s21;
	s24 =	sand.u32 $0x1FFFFFF0, s22;
	s25 =	spop (v2sf)  }
0xd2: {  	(v2sf) =	vpush v0, $0x9;
	[tilespmem:s14], [sflag:$0x4] =	stream.linear.gather [hbm4b:s23+s2], $0x80, $0x38;
	[tilespmem:$0x10200] =	vst v63  }
0xd3: {  	s16 =	sand.u32 $0x1FFFFFF0, s25;
	s17 =	spop (v2sf);
	s14 =	sadd.s32 s3, s24  }
0xd4: {  	(v2sf) =	vpush v0, $0xA;
	[tilespmem:s7], [sflag:$0x4] =	stream.linear.gather [hbm4b:s14+s2], $0x80, $0x38;
	[tilespmem:$0x10200] =	vst v63  }
0xd5: {  	s18 =	sadd.s32 s3, s16;
	s21 =	sand.u32 $0x1FFFFFF0, s17;
	s22 =	spop (v2sf)  }
0xd6: {  	(v2sf) =	vpush v0, $0xB;
	[tilespmem:s10], [sflag:$0x4] =	stream.linear.gather [hbm4b:s18+s2], $0x80, $0x38;
	[tilespmem:$0x10200] =	vst v63  }
0xd7: {  	s23 =	sadd.s32 s3, s21;
	s24 =	sand.u32 $0x1FFFFFF0, s22;
	s25 =	spop (v2sf)  }
0xd8: {  	[tilespmem:s8], [sflag:$0x4] =	stream.linear.gather [hbm4b:s23+s2], $0x80, $0x38;
	[tilespmem:$0x10200] =	vst v63  }
0xd9: {  	s29 =	sadd.s32 $0xFFFFF300, s20;
	s1 =	sadd.s32 s3, s24;
	s7 =	sand.u32 $0x1FFFFFF0, s25  }
0xda: {  	(v2sf) =	vpush v0, $0xC;
	[tilespmem:s5], [sflag:$0x4] =	stream.linear.gather [hbm4b:s1+s2], $0x80, $0x38;
	[tilespmem:$0x10200] =	vst v63  }
0xdb: {  	s15 =	sadd.s32 $0xFFFFC400, s19;
	s8 =	spop (v2sf);
	s1 =	sadd.s32 s3, s7  }
0xdc: {  	(v2sf) =	vpush v0, $0xD;
	[tilespmem:s4], [sflag:$0x4] =	stream.linear.gather [hbm4b:s1+s2], $0x80, $0x38;
	[tilespmem:$0x10200] =	vst v63  }
0xdd: {  	s17 =	sadd.s32 $0xFFFFC380, s19;
	s14 =	sand.u32 $0x1FFFFFF0, s8;
	s16 =	spop (v2sf)  }
0xde: {  	s22 =	smov.u32 s26;
	s5 =	sadd.s32 s3, s14;
	(v2sf) =	vpush v0, $0xE;
	s18 =	spop (v2sf)  }
0xdf: {  	[tilespmem:s12], [sflag:$0x4] =	stream.linear.gather [hbm4b:s5+s2], $0x80, $0x38;
	[tilespmem:$0x10200] =	vst v63  }
0xe0: {  	s10 =	sadd.s32 $0xFFFFC480, s19;
	s4 =	sand.u32 $0x1FFFFFF0, s16;
	(v2sf) =	vpush v0, $0xF;
	s21 =	spop (v2sf);
	v58 =	vld [tilespmem:s26+$0x0]  }
0xe1: {  	s4 =	sadd.s32 s3, s4;
	s7 =	sand.u32 $0x1FFFFFF0, s18;
	s25 =	spop (v2sf)  }
0xe2: {  	[tilespmem:s17], [sflag:$0x1] =	stream.linear.gather [hbm4b:s4+s2], $0x80, $0x38;
	[tilespmem:$0x10200] =	vst v63  }
0xe3: {  	s23 =	sadd.s32 s3, s7;
	s24 =	sand.u32 $0x1FFFFFF0, s21;
	s7 =	spop (v2sf)  }
0xe4: {  	[tilespmem:s15], [sflag:$0x1] =	stream.linear.gather [hbm4b:s23+s2], $0x80, $0x38;
	[tilespmem:$0x10200] =	vst v63  }
0xe5: {  	s4 =	sadd.s32 s3, s24;
	s5 =	sand.u32 $0x1FFFFFF0, s25;
	s12 =	spop (v2sf);
	v0 =	vshll.u32 v58, $0x4  }
0xe6: {  	[tilespmem:s10], [sflag:$0x1] =	stream.linear.gather [hbm4b:s4+s2], $0x80, $0x38;
	(v2sf) =	vpush v0, $0x0;
	[tilespmem:$0x10200] =	vst v63  }
0xe7: {  	s8 =	sadd.s32 s3, s5;
	s15 =	sand.u32 $0x1FFFFFF0, s12;
	s10 =	sand.u32 $0x1FFFFFF0, s7;
	(v2sf) =	vpush v0, $0x1  }
0xe8: {  	[tilespmem:s13], [sflag:$0x1] =	stream.linear.gather [hbm4b:s8+s2], $0x80, $0x38;
	(v2sf) =	vpush v0, $0x2;
	[tilespmem:$0x10200] =	vst v63  }
0xe9: {  	s16 =	spop (v2sf);
	s12 =	sadd.s32 $0xFFFFE180, s20;
	s14 =	sadd.s32 s3, s10  }
0xea: {  	[tilespmem:s11], [sflag:$0x1] =	stream.linear.gather [hbm4b:s14+s2], $0x80, $0x38;
	(v2sf) =	vpush v0, $0x3;
	[tilespmem:$0x10200] =	vst v63  }
0xeb: {  	s17 =	sadd.s32 s3, s15;
	s18 =	sand.u32 $0x1FFFFFF0, s16;
	s21 =	spop (v2sf);
	(v2sf) =	vpush v0, $0x4  }
0xec: {  	[tilespmem:s9], [sflag:$0x1] =	stream.linear.gather [hbm4b:s17+s2], $0x80, $0x38;
	[tilespmem:$0x10200] =	vst v63  }
0xed: {  	s23 =	sadd.s32 s3, s18;
	s24 =	sand.u32 $0x1FFFFFF0, s21;
	s25 =	spop (v2sf);
	(v2sf) =	vpush v0, $0x5  }
0xee: {  	[tilespmem:s6], [sflag:$0x1] =	stream.linear.gather [hbm4b:s23+s2], $0x80, $0x38;
	[tilespmem:$0x10200] =	vst v63  }
0xef: {  	s1 =	sadd.s32 s3, s24;
	s5 =	sand.u32 $0x1FFFFFF0, s25;
	s6 =	spop (v2sf);
	(v2sf) =	vpush v0, $0x6  }
0xf0: {  	(v2sf) =	vpush v0, $0x7;
	[tilespmem:s28], [sflag:$0x1] =	stream.linear.gather [hbm4b:s1+s2], $0x80, $0x38;
	[tilespmem:$0x10200] =	vst v63  }
0xf1: {  	s7 =	sadd.s32 $0xFFFFC780, s19;
	s4 =	sand.u32 $0x1FFFFFF0, s6;
	s1 =	sadd.s32 s3, s5  }
0xf2: {  	[tilespmem:s7], [sflag:$0x1] =	stream.linear.gather [hbm4b:s1+s2], $0x80, $0x38;
	[tilespmem:$0x10200] =	vst v63  }
0xf3: {  	s10 =	sadd.s32 $0xFFFFE200, s20;
	s8 =	sadd.s32 $0xFFFFC800, s19;
	s9 =	sadd.s32 s3, s4  }
0xf4: {  	(v2sf) =	vpush v0, $0x8;
	[tilespmem:s8], [sflag:$0x1] =	stream.linear.gather [hbm4b:s9+s2], $0x80, $0x38;
	[tilespmem:$0x10200] =	vst v63  }
0xf5: {  	s11 =	sadd.s32 $0xFFFFE100, s20;
	s14 =	sadd.s32 $0xFFFFE080, s20;
	s13 =	spop (v2sf)  }
0xf6: {  	s28 =	sadd.s32 $0xFFFFF380, s20;
	s5 =	sand.u32 $0x1FFFFFF0, s13;
	s15 =	spop (v2sf)  }
0xf7: {  	s5 =	sadd.s32 s3, s5;
	s7 =	sand.u32 $0x1FFFFFF0, s15;
	s16 =	spop (v2sf)  }
0xf8: {  	(v2sf) =	vpush v0, $0x9;
	[tilespmem:s14], [sflag:$0x1] =	stream.linear.gather [hbm4b:s5+s2], $0x80, $0x38;
	[tilespmem:$0x10200] =	vst v63  }
0xf9: {  	s17 =	sadd.s32 s3, s7;
	s18 =	sand.u32 $0x1FFFFFF0, s16;
	s21 =	spop (v2sf)  }
0xfa: {  	(v2sf) =	vpush v0, $0xA;
	s23 =	sadd.s32 s3, s18;
	s24 =	sand.u32 $0x1FFFFFF0, s21;
	s25 =	spop (v2sf)  }
0xfb: {  	[tilespmem:s11], [sflag:$0x1] =	stream.linear.gather [hbm4b:s17+s2], $0x80, $0x38;
	[tilespmem:$0x10200] =	vst v63  }
0xfc: {  	s18 =	rddreg [dreg:$0x14];
	s5 =	sadd.s32 s3, s24;
	s8 =	spop (v2sf)  }
0xfd: {  	(v2sf) =	vpush v0, $0xB;
	[tilespmem:s12], [sflag:$0x1] =	stream.linear.gather [hbm4b:s23+s2], $0x80, $0x38;
	[tilespmem:$0x10200] =	vst v63  }
0xfe: {  	s7 =	sand.u32 $0x1FFFFFF0, s25;
	s25 =	rddreg [dreg:$0x12];
	s11 =	spop (v2sf)  }
0xff: {  	(v2sf) =	vpush v0, $0xC;
	s9 =	sadd.s32 s3, s7;
	s13 =	sand.u32 $0x1FFFFFF0, s11;
	s14 =	spop (v2sf)  }
0x100: {  	[tilespmem:s10], [sflag:$0x1] =	stream.linear.gather [hbm4b:s5+s2], $0x80, $0x38;
	[tilespmem:$0x10200] =	vst v63  }
0x101: {  	(v2sf) =	vpush v0, $0xD;
	s10 =	sand.u32 $0x1FFFFFF0, s8;
	s15 =	sadd.s32 s3, s13;
	s16 =	sand.u32 $0x1FFFFFF0, s14  }
0x102: {  	[tilespmem:s30], [sflag:$0x1] =	stream.linear.gather [hbm4b:s9+s2], $0x80, $0x38;
	[tilespmem:$0x10200] =	vst v63  }
0x103: {  	(v2sf) =	vpush v0, $0xE;
	s17 =	spop (v2sf);
	s13 =	rddreg [dreg:$0xa];
	s12 =	sadd.s32 s3, s10  }
0x104: {  	[tilespmem:s31], [sflag:$0x1] =	stream.linear.gather [hbm4b:s12+s2], $0x80, $0x38;
	[tilespmem:$0x10200] =	vst v63  }
0x105: {  	(v2sf) =	vpush v0, $0xF;
	s21 =	sadd.s32 s3, s16;
	s23 =	sand.u32 $0x1FFFFFF0, s17;
	s17 =	rddreg [dreg:$0x9]  }
0x106: {  	[tilespmem:s18], [sflag:$0x1] =	stream.linear.gather [hbm4b:s15+s2], $0x80, $0x38;
	[tilespmem:$0x10200] =	vst v63  }
0x107: {  	s6 =	sadd.s32 s3, s23;
	s9 =	rddreg [dreg:$0xb];
	s24 =	spop (v2sf)  }
0x108: {  	[tilespmem:s25], [sflag:$0x1] =	stream.linear.gather [hbm4b:s21+s2], $0x80, $0x38;
	[tilespmem:$0x10200] =	vst v63  }
0x109: {  	s7 =	sand.u32 $0x1FFFFFF0, s24;
	s8 =	spop (v2sf);
	s25 =	rddreg [dreg:$0xd]  }
0x10a: {  	s24 =	rddreg [dreg:$0x8];
	s10 =	sadd.s32 s3, s7;
	s11 =	sand.u32 $0x1FFFFFF0, s8  }
0x10b: {  	[tilespmem:s9], [sflag:$0x1] =	stream.linear.gather [hbm4b:s6+s2], $0x80, $0x38;
	[tilespmem:$0x10200] =	vst v63  }
0x10c: {  	s12 =	spop (v2sf);
	s8 =	rddreg [dreg:$0x7];
	s14 =	sadd.s32 s3, s11;
	v59 =	vld [tilespmem:s25+$0xFFFFFFD0]  }
0x10d: {  	[tilespmem:s13], [sflag:$0x1] =	stream.linear.gather [hbm4b:s10+s2], $0x80, $0x38;
	[tilespmem:$0x10200] =	vst v63  }
0x10e: {  	s15 =	sand.u32 $0x1FFFFFF0, s12;
	s16 =	spop (v2sf);
	s12 =	rddreg [dreg:$0x6]  }
0x10f: {  	[tilespmem:s17], [sflag:$0x1] =	stream.linear.gather [hbm4b:s14+s2], $0x80, $0x38;
	[tilespmem:$0x10200] =	vst v63  }
0x110: {  	s18 =	sadd.s32 s3, s15;
	s21 =	sand.u32 $0x1FFFFFF0, s16;
	s23 =	spop (v2sf)  }
0x111: {  	v0 =	vshll.u32 v59, $0x4;
	[tilespmem:s24], [sflag:$0x1] =	stream.linear.gather [hbm4b:s18+s2], $0x80, $0x38;
	[tilespmem:$0x10200] =	vst v63  }
0x112: {  	s5 =	sadd.s32 s3, s21;
	s6 =	sand.u32 $0x1FFFFFF0, s23;
	s7 =	spop (v2sf);
	(v2sf) =	vpush v0, $0x0  }
0x113: {  	(v2sf) =	vpush v0, $0x1;
	[tilespmem:s8], [sflag:$0x1] =	stream.linear.gather [hbm4b:s5+s2], $0x80, $0x38;
	[tilespmem:$0x10200] =	vst v63  }
0x114: {  	s9 =	sadd.s32 s3, s6;
	s10 =	sand.u32 $0x1FFFFFF0, s7;
	s11 =	spop (v2sf);
	(v2sf) =	vpush v0, $0x2  }
0x115: {  	[tilespmem:s12], [sflag:$0x1] =	stream.linear.gather [hbm4b:s9+s2], $0x80, $0x38;
	[tilespmem:$0x10200] =	vst v63  }
0x116: {  	s13 =	sadd.s32 $0xFFFFE780, s20;
	s1 =	sadd.s32 s3, s10;
	s4 =	sand.u32 $0x1FFFFFF0, s11;
	(v2sf) =	vpush v0, $0x3  }
0x117: {  	[tilespmem:s13], [sflag:$0x1] =	stream.linear.gather [hbm4b:s1+s2], $0x80, $0x38;
	[tilespmem:$0x10200] =	vst v63  }
0x118: {  	s16 =	sadd.s32 $0xFFFFF600, s20;
	s14 =	sadd.s32 $0xFFFFE800, s20;
	s15 =	sadd.s32 s3, s4;
	(v2sf) =	vpush v0, $0x4  }
0x119: {  	[tilespmem:s14], [sflag:$0x1] =	stream.linear.gather [hbm4b:s15+s2], $0x80, $0x38;
	[tilespmem:$0x10200] =	vst v63  }
0x11a: {  	s30 =	sadd.s32 $0xFFFFCE80, s19;
	[dreg:$0xe] =	wrdreg s16;
	s21 =	sadd.s32 $0xFFFFF580, s20;
	(v2sf) =	vpush v0, $0x5;
	v60 =	vld [tilespmem:s26+$0x10]  }
0x11b: {  	s31 =	sadd.s32 $0xFFFFEB00, s20;
	s16 =	sadd.s32 $0xFFFFEB80, s20;
	[dreg:$0xf] =	wrdreg s21  }
0x11c: {  	s23 =	sadd.s32 $0xFFFFF400, s20;
	s21 =	sadd.s32 $0xFFFFF000, s20;
	s17 =	sadd.s32 $0xFFFFF480, s20  }
0x11d: {  	s6 =	sadd.s32 $0xFFFFEE80, s20;
	s7 =	sadd.s32 $0xFFFFED80, s20;
	[dreg:$0x11] =	wrdreg s17  }
0x11e: {  	s11 =	sadd.s32 $0xFFFFED00, s20;
	s17 =	sadd.s32 $0xFFFFEA00, s20;
	s18 =	sadd.s32 $0xFFFFF500, s20  }
0x11f: {  	s10 =	sadd.s32 $0xFFFFC980, s19;
	s4 =	sadd.s32 $0xFFFFCA00, s19;
	[dreg:$0x10] =	wrdreg s18;
	v1 =	vshll.u32 v60, $0x4  }
0x120: {  	s18 =	sadd.s32 $0xFFFFC880, s19;
	s8 =	sadd.s32 $0xFFFFEE00, s20;
	s5 =	sadd.s32 $0xFFFFEF00, s20;
	(v2sf) =	vpush v1, $0x0  }
0x121: {  	s12 =	sadd.s32 $0xFFFFEF80, s20;
	s9 =	sadd.s32 $0xFFFFC900, s19;
	s24 =	spop (v2sf);
	(v2sf) =	vpush v1, $0x1  }
0x122: {  	s13 =	sadd.s32 $0xFFFFEC80, s20;
	s14 =	sand.u32 $0x1FFFFFF0, s24;
	s26 =	spop (v2sf)  }
0x123: {  	s14 =	sadd.s32 s3, s14;
	s24 =	sand.u32 $0x1FFFFFF0, s26;
	s0 =	spop (v2sf)  }
0x124: {  	[tilespmem:s18], [sflag:$0x2] =	stream.linear.gather [hbm4b:s14+s2], $0x80, $0x38;
	[tilespmem:$0x10200] =	vst v63  }
0x125: {  	s24 =	sadd.s32 s3, s24;
	s26 =	sand.u32 $0x1FFFFFF0, s0;
	s0 =	spop (v2sf)  }
0x126: {  	(v2sf) =	vpush v1, $0x2;
	[tilespmem:s9], [sflag:$0x2] =	stream.linear.gather [hbm4b:s24+s2], $0x80, $0x38;
	[tilespmem:$0x10200] =	vst v63  }
0x127: {  	s18 =	sadd.s32 s3, s26;
	s26 =	sand.u32 $0x1FFFFFF0, s0;
	s0 =	spop (v2sf)  }
0x128: {  	(v2sf) =	vpush v1, $0x3;
	[tilespmem:s10], [sflag:$0x2] =	stream.linear.gather [hbm4b:s18+s2], $0x80, $0x38;
	[tilespmem:$0x10200] =	vst v63  }
0x129: {  	(v2sf) =	vpush v1, $0x4;
	s14 =	sand.u32 $0x1FFFFFF0, s0;
	s10 =	sadd.s32 s3, s26;
	s18 =	spop (v2sf)  }
0x12a: {  	[tilespmem:s4], [sflag:$0x2] =	stream.linear.gather [hbm4b:s10+s2], $0x80, $0x38;
	[tilespmem:$0x10200] =	vst v63  }
0x12b: {  	s24 =	sadd.s32 $0xFFFFCA80, s19;
	(v2sf) =	vpush v1, $0x5;
	s26 =	sadd.s32 s3, s14;
	s0 =	sand.u32 $0x1FFFFFF0, s18  }
0x12c: {  	[tilespmem:s24], [sflag:$0x2] =	stream.linear.gather [hbm4b:s26+s2], $0x80, $0x38;
	[tilespmem:$0x10200] =	vst v63  }
0x12d: {  	s1 =	sadd.s32 $0xFFFFEA80, s20;
	s14 =	sadd.s32 $0xFFFFCB00, s19;
	(v2sf) =	vpush v1, $0x6;
	s24 =	sadd.s32 s3, s0  }
0x12e: {  	[tilespmem:s14], [sflag:$0x2] =	stream.linear.gather [hbm4b:s24+s2], $0x80, $0x38;
	[tilespmem:$0x10200] =	vst v63  }
0x12f: {  	s15 =	sadd.s32 $0xFFFFEC00, s20;
	s9 =	sadd.s32 $0xFFFFE880, s20;
	(v2sf) =	vpush v1, $0x7;
	s26 =	spop (v2sf)  }
0x130: {  	s18 =	sadd.s32 $0xFFFFE980, s20;
	s10 =	sand.u32 $0x1FFFFFF0, s26;
	s0 =	spop (v2sf)  }
0x131: {  	s4 =	sadd.s32 $0xFFFFCF00, s19;
	(v2sf) =	vpush v1, $0x8;
	s10 =	sadd.s32 s3, s10;
	s24 =	sand.u32 $0x1FFFFFF0, s0  }
0x132: {  	[tilespmem:s9], [sflag:$0x2] =	stream.linear.gather [hbm4b:s10+s2], $0x80, $0x38;
	[tilespmem:$0x10200] =	vst v63  }
0x133: {  	s14 =	sadd.s32 $0xFFFFE900, s20;
	(v2sf) =	vpush v1, $0x9;
	s10 =	sadd.s32 $0xFFFFCD80, s19;
	s24 =	sadd.s32 s3, s24  }
0x134: {  	[tilespmem:s14], [sflag:$0x2] =	stream.linear.gather [hbm4b:s24+s2], $0x80, $0x38;
	[tilespmem:$0x10200] =	vst v63  }
0x135: {  	s9 =	sadd.s32 $0xFFFFCE00, s19;
	(v2sf) =	vpush v1, $0xA;
	s26 =	spop (v2sf);
	s24 =	rddreg [dreg:$0x3]  }
0x136: {  	s14 =	sadd.s32 $0xFFFFCD00, s19;
	s0 =	sadd.s32 $0x2, s24;
	s24 =	sand.u32 $0x1FFFFFF0, s26  }
0x137: {  	[dreg:$0x3] =	wrdreg s0;
	p0 =	slt.u32 s0, $0x6;
	s0 =	spop (v2sf);
	(v2sf) =	vpush v1, $0xB  }
0x138: {  	s24 =	sadd.s32 s3, s24;
	s26 =	sand.u32 $0x1FFFFFF0, s0;
	s0 =	spop (v2sf)  }
0x139: {  	[tilespmem:s18], [sflag:$0x2] =	stream.linear.gather [hbm4b:s24+s2], $0x80, $0x38;
	(v2sf) =	vpush v1, $0xC;
	[tilespmem:$0x10200] =	vst v63  }
0x13a: {  	s24 =	sadd.s32 s3, s26;
	s0 =	sand.u32 $0x1FFFFFF0, s0;
	s26 =	spop (v2sf)  }
0x13b: {  	(v2sf) =	vpush v1, $0xD;
	[tilespmem:s17], [sflag:$0x2] =	stream.linear.gather [hbm4b:s24+s2], $0x80, $0x38;
	[tilespmem:$0x10200] =	vst v63  }
0x13c: {  	s0 =	sadd.s32 s3, s0;
	s24 =	sand.u32 $0x1FFFFFF0, s26;
	s26 =	spop (v2sf)  }
0x13d: {  	(v2sf) =	vpush v1, $0xE;
	[tilespmem:s1], [sflag:$0x2] =	stream.linear.gather [hbm4b:s0+s2], $0x80, $0x38;
	[tilespmem:$0x10200] =	vst v63  }
0x13e: {  	s17 =	sadd.s32 s3, s24;
	s24 =	sand.u32 $0x1FFFFFF0, s26;
	s26 =	spop (v2sf)  }
0x13f: {  	(v2sf) =	vpush v1, $0xF;
	[tilespmem:s31], [sflag:$0x2] =	stream.linear.gather [hbm4b:s17+s2], $0x80, $0x38;
	[tilespmem:$0x10200] =	vst v63  }
0x140: {  	s18 =	sadd.s32 s3, s24;
	s24 =	sand.u32 $0x1FFFFFF0, s26;
	s26 =	spop (v2sf)  }
0x141: {  	[tilespmem:s16], [sflag:$0x2] =	stream.linear.gather [hbm4b:s18+s2], $0x80, $0x38;
	[tilespmem:$0x10200] =	vst v63  }
0x142: {  	s18 =	sadd.s32 s3, s24;
	s24 =	sand.u32 $0x1FFFFFF0, s26;
	s26 =	spop (v2sf)  }
0x143: {  	(v2sf) =	vpush v0, $0x6;
	[tilespmem:s15], [sflag:$0x2] =	stream.linear.gather [hbm4b:s18+s2], $0x80, $0x38;
	[tilespmem:$0x10200] =	vst v63  }
0x144: {  	s15 =	sadd.s32 s3, s24;
	s16 =	sand.u32 $0x1FFFFFF0, s26;
	s17 =	spop (v2sf)  }
0x145: {  	(v2sf) =	vpush v0, $0x7;
	[tilespmem:s13], [sflag:$0x2] =	stream.linear.gather [hbm4b:s15+s2], $0x80, $0x38;
	[tilespmem:$0x10200] =	vst v63  }
0x146: {  	(v2sf) =	vpush v0, $0x8;
	s18 =	sadd.s32 s3, s16;
	s24 =	sand.u32 $0x1FFFFFF0, s17;
	s26 =	spop (v2sf)  }
0x147: {  	[tilespmem:s11], [sflag:$0x2] =	stream.linear.gather [hbm4b:s18+s2], $0x80, $0x38;
	[tilespmem:$0x10200] =	vst v63  }
0x148: {  	s1 =	sadd.s32 s3, s24;
	(v2sf) =	vpush v0, $0x9;
	s11 =	sand.u32 $0x1FFFFFF0, s26;
	s13 =	spop (v2sf)  }
0x149: {  	[tilespmem:s7], [sflag:$0x2] =	stream.linear.gather [hbm4b:s1+s2], $0x80, $0x38;
	[tilespmem:$0x10200] =	vst v63  }
0x14a: {  	(v2sf) =	vpush v0, $0xA;
	s15 =	sadd.s32 s3, s11;
	s16 =	sand.u32 $0x1FFFFFF0, s13;
	s17 =	spop (v2sf)  }
0x14b: {  	[tilespmem:s8], [sflag:$0x2] =	stream.linear.gather [hbm4b:s15+s2], $0x80, $0x38;
	[tilespmem:$0x10200] =	vst v63  }
0x14c: {  	(v2sf) =	vpush v0, $0xB;
	s18 =	sadd.s32 s3, s16;
	s24 =	sand.u32 $0x1FFFFFF0, s17;
	s26 =	spop (v2sf)  }
0x14d: {  	[tilespmem:s6], [sflag:$0x2] =	stream.linear.gather [hbm4b:s18+s2], $0x80, $0x38;
	[tilespmem:$0x10200] =	vst v63  }
0x14e: {  	(v2sf) =	vpush v0, $0xC;
	s7 =	sand.u32 $0x1FFFFFF0, s26;
	s8 =	spop (v2sf);
	s6 =	sadd.s32 s3, s24  }
0x14f: {  	[tilespmem:s5], [sflag:$0x2] =	stream.linear.gather [hbm4b:s6+s2], $0x80, $0x38;
	[tilespmem:$0x10200] =	vst v63  }
0x150: {  	s0 =	sadd.s32 $0xFFFFCC80, s19;
	(v2sf) =	vpush v0, $0xD;
	s1 =	sadd.s32 s3, s7;
	s11 =	sand.u32 $0x1FFFFFF0, s8  }
0x151: {  	[tilespmem:s12], [sflag:$0x2] =	stream.linear.gather [hbm4b:s1+s2], $0x80, $0x38;
	[tilespmem:$0x10200] =	vst v63  }
0x152: {  	s13 =	sadd.s32 $0xFFFFCC00, s19;
	s5 =	sadd.s32 s3, s11;
	s15 =	spop (v2sf);
	(v2sf) =	vpush v0, $0xE  }
0x153: {  	[tilespmem:s21], [sflag:$0x2] =	stream.linear.gather [hbm4b:s5+s2], $0x80, $0x38;
	[tilespmem:$0x10200] =	vst v63  }
0x154: {  	s16 =	sadd.s32 $0xFFFFCB80, s19;
	s6 =	sand.u32 $0x1FFFFFF0, s15;
	s17 =	spop (v2sf);
	(v2sf) =	vpush v0, $0xF;
	v61 =	vld [tilespmem:s22+$0x20]  }
0x155: {  	s6 =	sadd.s32 s3, s6;
	s7 =	sand.u32 $0x1FFFFFF0, s17;
	s18 =	spop (v2sf)  }
0x156: {  	[tilespmem:s16], [sflag:$0x2] =	stream.linear.gather [hbm4b:s6+s2], $0x80, $0x38;
	[tilespmem:$0x10200] =	vst v63  }
0x157: {  	s21 =	sadd.s32 s3, s7;
	s24 =	sand.u32 $0x1FFFFFF0, s18;
	s26 =	spop (v2sf)  }
0x158: {  	[tilespmem:s13], [sflag:$0x2] =	stream.linear.gather [hbm4b:s21+s2], $0x80, $0x38;
	[tilespmem:$0x10200] =	vst v63  }
0x159: {  	s6 =	sadd.s32 s3, s24;
	s8 =	sand.u32 $0x1FFFFFF0, s26;
	s11 =	spop (v2sf);
	v0 =	vshll.u32 v61, $0x4  }
0x15a: {  	[tilespmem:s0], [sflag:$0x2] =	stream.linear.gather [hbm4b:s6+s2], $0x80, $0x38;
	(v2sf) =	vpush v0, $0x0;
	[tilespmem:$0x10200] =	vst v63  }
0x15b: {  	s12 =	sadd.s32 s3, s8;
	s13 =	sand.u32 $0x1FFFFFF0, s11;
	s15 =	spop (v2sf);
	(v2sf) =	vpush v0, $0x1  }
0x15c: {  	[tilespmem:s14], [sflag:$0x2] =	stream.linear.gather [hbm4b:s12+s2], $0x80, $0x38;
	(v2sf) =	vpush v0, $0x2;
	[tilespmem:$0x10200] =	vst v63  }
0x15d: {  	s16 =	sadd.s32 s3, s13;
	s17 =	sand.u32 $0x1FFFFFF0, s15;
	s18 =	spop (v2sf)  }
0x15e: {  	[tilespmem:s10], [sflag:$0x2] =	stream.linear.gather [hbm4b:s16+s2], $0x80, $0x38;
	(v2sf) =	vpush v0, $0x3;
	[tilespmem:$0x10200] =	vst v63  }
0x15f: {  	s21 =	sadd.s32 s3, s17;
	s24 =	sand.u32 $0x1FFFFFF0, s18;
	s26 =	spop (v2sf);
	(v2sf) =	vpush v0, $0x4  }
0x160: {  	[tilespmem:s9], [sflag:$0x2] =	stream.linear.gather [hbm4b:s21+s2], $0x80, $0x38;
	[tilespmem:$0x10200] =	vst v63  }
0x161: {  	s6 =	sadd.s32 s3, s24;
	s7 =	sand.u32 $0x1FFFFFF0, s26;
	s8 =	spop (v2sf);
	(v2sf) =	vpush v0, $0x5  }
0x162: {  	[tilespmem:s30], [sflag:$0x2] =	stream.linear.gather [hbm4b:s6+s2], $0x80, $0x38;
	[tilespmem:$0x10200] =	vst v63  }
0x163: {  	s9 =	sadd.s32 s3, s7;
	s10 =	sand.u32 $0x1FFFFFF0, s8;
	s11 =	spop (v2sf);
	(v2sf) =	vpush v0, $0x6  }
0x164: {  	[tilespmem:s4], [sflag:$0x2] =	stream.linear.gather [hbm4b:s9+s2], $0x80, $0x38;
	[tilespmem:$0x10200] =	vst v63  }
0x165: {  	s12 =	sadd.s32 $0xFFFFCF80, s19;
	s1 =	sadd.s32 s3, s10;
	s13 =	sand.u32 $0x1FFFFFF0, s11  }
0x166: {  	(v2sf) =	vpush v0, $0x7;
	[tilespmem:s12], [sflag:$0x2] =	stream.linear.gather [hbm4b:s1+s2], $0x80, $0x38;
	[tilespmem:$0x10200] =	vst v63  }
0x167: {  	[dreg:$0x13] =	wrdreg s23;
	s14 =	sadd.s32 $0xFFFFD000, s19;
	s15 =	sadd.s32 s3, s13;
	(v2sf) =	vpush v0, $0x8  }
0x168: {  	[tilespmem:s14], [sflag:$0x2] =	stream.linear.gather [hbm4b:s15+s2], $0x80, $0x38;
	[tilespmem:$0x10200] =	vst v63  }
0x169: {  	s23 =	sadd.s32 $0xFFFFF280, s20;
	s17 =	sadd.s32 $0xFFFFF180, s20;
	s18 =	spop (v2sf)  }
0x16a: {  	s16 =	sadd.s32 $0xFFFFF100, s20;
	s5 =	sand.u32 $0x1FFFFFF0, s18;
	s24 =	spop (v2sf)  }
0x16b: {  	s21 =	sadd.s32 $0xFFFFF080, s20;
	s5 =	sadd.s32 s3, s5;
	s26 =	spop (v2sf)  }
0x16c: {  	[tilespmem:s21], [sflag:$0x3] =	stream.linear.gather [hbm4b:s5+s2], $0x80, $0x38;
	[tilespmem:$0x10200] =	vst v63  }
0x16d: {  	s4 =	sadd.s32 $0xFFFFF200, s20;
	(v2sf) =	vpush v0, $0x9;
	s7 =	sand.u32 $0x1FFFFFF0, s24;
	s10 =	spop (v2sf)  }
0x16e: {  	s7 =	sadd.s32 s3, s7;
	s9 =	sand.u32 $0x1FFFFFF0, s26;
	s13 =	spop (v2sf)  }
0x16f: {  	[tilespmem:s16], [sflag:$0x3] =	stream.linear.gather [hbm4b:s7+s2], $0x80, $0x38;
	[tilespmem:$0x10200] =	vst v63  }
0x170: {  	(v2sf) =	vpush v0, $0xA;
	s11 =	sadd.s32 s3, s9;
	s12 =	sand.u32 $0x1FFFFFF0, s10;
	s16 =	spop (v2sf)  }
0x171: {  	(v2sf) =	vpush v0, $0xB;
	[tilespmem:s17], [sflag:$0x3] =	stream.linear.gather [hbm4b:s11+s2], $0x80, $0x38;
	[tilespmem:$0x10200] =	vst v63  }
0x172: {  	s10 =	rddreg [dreg:$0x13];
	s15 =	sand.u32 $0x1FFFFFF0, s13;
	s21 =	spop (v2sf)  }
0x173: {  	(v2sf) =	vpush v0, $0xC;
	s14 =	sadd.s32 s3, s12;
	s17 =	sadd.s32 s3, s15;
	s24 =	sand.u32 $0x1FFFFFF0, s21  }
0x174: {  	[tilespmem:s4], [sflag:$0x3] =	stream.linear.gather [hbm4b:s14+s2], $0x80, $0x38;
	[tilespmem:$0x10200] =	vst v63  }
0x175: {  	s18 =	sand.u32 $0x1FFFFFF0, s16;
	s26 =	spop (v2sf);
	s1 =	sadd.s32 s3, s24  }
0x176: {  	s5 =	sand.u32 $0x1FFFFFF0, s26;
	s6 =	spop (v2sf);
	s14 =	rddreg [dreg:$0x11]  }
0x177: {  	(v2sf) =	vpush v0, $0xD;
	[tilespmem:s23], [sflag:$0x3] =	stream.linear.gather [hbm4b:s17+s2], $0x80, $0x38;
	[tilespmem:$0x10200] =	vst v63  }
0x178: {  	s26 =	rddreg [dreg:$0xf];
	s8 =	sand.u32 $0x1FFFFFF0, s6;
	s23 =	sadd.s32 s3, s18  }
0x179: {  	(v2sf) =	vpush v0, $0xE;
	[tilespmem:s29], [sflag:$0x3] =	stream.linear.gather [hbm4b:s23+s2], $0x80, $0x38;
	[tilespmem:$0x10200] =	vst v63  }
0x17a: {  	s7 =	sadd.s32 s3, s5;
	s11 =	sadd.s32 s3, s8;
	s18 =	rddreg [dreg:$0x10]  }
0x17b: {  	(v2sf) =	vpush v0, $0xF;
	[tilespmem:s28], [sflag:$0x3] =	stream.linear.gather [hbm4b:s1+s2], $0x80, $0x38;
	[tilespmem:$0x10200] =	vst v63  }
0x17c: {  	s8 =	rddreg [dreg:$0xe];
	s28 =	smov.u32 s19;
	s9 =	spop (v2sf)  }
0x17d: {  	[tilespmem:s10], [sflag:$0x3] =	stream.linear.gather [hbm4b:s7+s2], $0x80, $0x38;
	[tilespmem:$0x10200] =	vst v63  }
0x17e: {  	s19 =	sadd.s32 $0x4000, s19;
	s29 =	sadd.s32 $0xFFFFF680, s28;
	s12 =	sand.u32 $0x1FFFFFF0, s9  }
0x17f: {  	s30 =	sadd.s32 $0xFFFFD680, s28;
	s13 =	spop (v2sf);
	s15 =	sadd.s32 s3, s12  }
0x180: {  	s16 =	sand.u32 $0x1FFFFFF0, s13;
	s17 =	spop (v2sf);
	s12 =	rddreg [dreg:$0xc]  }
0x181: {  	[tilespmem:s14], [sflag:$0x3] =	stream.linear.gather [hbm4b:s11+s2], $0x80, $0x38;
	[tilespmem:$0x10200] =	vst v63  }
0x182: {  	s21 =	sadd.s32 s3, s16;
	s23 =	sand.u32 $0x1FFFFFF0, s17;
	s24 =	spop (v2sf)  }
0x183: {  	[tilespmem:s18], [sflag:$0x3] =	stream.linear.gather [hbm4b:s15+s2], $0x80, $0x38;
	[tilespmem:$0x10200] =	vst v63  }
0x184: {  	s16 =	rddreg [dreg:$0x4];
	s17 =	sadd.s32 $0xFFFFF780, s20;
	s5 =	sadd.s32 s3, s23;
	v62 =	vld [tilespmem:s25+$0xFFFFFFE0]  }
0x185: {  	[tilespmem:s26], [sflag:$0x3] =	stream.linear.gather [hbm4b:s21+s2], $0x80, $0x38;
	[tilespmem:$0x10200] =	vst v63  }
0x186: {  	s6 =	sand.u32 $0x1FFFFFF0, s24;
	s23 =	sadd.s32 $0xFFFFE680, s28;
	s7 =	spop (v2sf)  }
0x187: {  	[tilespmem:s8], [sflag:$0x3] =	stream.linear.gather [hbm4b:s5+s2], $0x80, $0x38;
	[tilespmem:$0x10200] =	vst v63  }
0x188: {  	s9 =	sadd.s32 s3, s6;
	s10 =	sand.u32 $0x1FFFFFF0, s7;
	s11 =	spop (v2sf)  }
0x189: {  	v0 =	vshll.u32 v62, $0x4;
	[tilespmem:s12], [sflag:$0x3] =	stream.linear.gather [hbm4b:s9+s2], $0x80, $0x38;
	[tilespmem:$0x10200] =	vst v63  }
0x18a: {  	s13 =	sadd.s32 s3, s10;
	s14 =	sand.u32 $0x1FFFFFF0, s11;
	s15 =	spop (v2sf);
	(v2sf) =	vpush v0, $0x0  }
0x18b: {  	(v2sf) =	vpush v0, $0x1;
	[tilespmem:s16], [sflag:$0x3] =	stream.linear.gather [hbm4b:s13+s2], $0x80, $0x38;
	[tilespmem:$0x10200] =	vst v63  }
0x18c: {  	s24 =	sadd.s32 $0xFFFFE700, s28;
	s1 =	sadd.s32 s3, s14;
	s4 =	sand.u32 $0x1FFFFFF0, s15;
	(v2sf) =	vpush v0, $0x2  }
0x18d: {  	[tilespmem:s17], [sflag:$0x3] =	stream.linear.gather [hbm4b:s1+s2], $0x80, $0x38;
	[tilespmem:$0x10200] =	vst v63  }
0x18e: {  	s18 =	sadd.s32 $0xFFFFF800, s20;
	[dreg:$0x7] =	wrdreg s23;
	s21 =	sadd.s32 s3, s4;
	(v2sf) =	vpush v0, $0x3  }
0x18f: {  	[tilespmem:s18], [sflag:$0x3] =	stream.linear.gather [hbm4b:s21+s2], $0x80, $0x38;
	[tilespmem:$0x10200] =	vst v63  }
0x190: {  	s0 =	sadd.s32 $0xFFFFD700, s28;
	s31 =	sadd.s32 $0xFFFFD500, s28;
	[dreg:$0x6] =	wrdreg s24;
	(v2sf) =	vpush v0, $0x4;
	v63 =	vld [tilespmem:s22+$0x30]  }
0x191: {  	s6 =	sadd.s32 $0xFFFFE580, s28;
	s25 =	sadd.s32 $0x80, s25;
	s7 =	sadd.s32 $0xFFFFFD80, s20  }
0x192: {  	[dreg:$0x9] =	wrdreg s6;
	s6 =	sadd.s32 $0xFFFFD180, s28;
	s26 =	sadd.s32 $0xFFFFFE00, s20  }
0x193: {  	s11 =	sadd.s32 $0xFFFFFC00, s20;
	s10 =	sadd.s32 $0xFFFFE600, s28;
	s14 =	sadd.s32 $0xFFFFFB00, s20  }
0x194: {  	s15 =	sadd.s32 $0xFFFFFA80, s20;
	[dreg:$0x8] =	wrdreg s10;
	s5 =	sadd.s32 $0xFFFFFE80, s20  }
0x195: {  	s4 =	sadd.s32 $0xFFFFFF00, s20;
	s8 =	sadd.s32 $0xFFFFFD00, s20;
	s12 =	sadd.s32 $0xFFFFFF80, s20;
	v1 =	vshll.u32 v63, $0x4  }
0x196: {  	s9 =	sadd.s32 $0xFFFFFC80, s20;
	s13 =	sadd.s32 $0xFFFFFB80, s20;
	s1 =	sadd.s32 $0xFFFFE500, s28;
	(v2sf) =	vpush v1, $0x0  }
0x197: {  	s16 =	sadd.s32 $0xFFFFFA00, s20;
	s17 =	sadd.s32 $0xFFFFF900, s20;
	[dreg:$0xa] =	wrdreg s1;
	(v2sf) =	vpush v1, $0x1  }
0x198: {  	s1 =	sadd.s32 $0xFFFFD100, s28;
	s21 =	sadd.s32 $0xFFFFF980, s20;
	s18 =	sadd.s32 $0xFFFFE480, s28;
	(v2sf) =	vpush v1, $0x2  }
0x199: {  	s22 =	sadd.s32 $0xFFFFF700, s28;
	[dreg:$0xb] =	wrdreg s18;
	s23 =	spop (v2sf)  }
0x19a: {  	s18 =	sadd.s32 $0xFFFFD080, s28;
	s10 =	sand.u32 $0x1FFFFFF0, s23;
	s24 =	spop (v2sf);
	(v2sf) =	vpush v1, $0x3  }
0x19b: {  	s10 =	sadd.s32 s3, s10;
	s23 =	sand.u32 $0x1FFFFFF0, s24;
	s24 =	spop (v2sf)  }
0x19c: {  	(v2sf) =	vpush v1, $0x4;
	[tilespmem:s18], [sflag:$0x3] =	stream.linear.gather [hbm4b:s10+s2], $0x80, $0x38;
	[tilespmem:$0x10200] =	vst v63  }
0x19d: {  	s18 =	sadd.s32 s3, s23;
	s23 =	sand.u32 $0x1FFFFFF0, s24;
	s24 =	spop (v2sf)  }
0x19e: {  	(v2sf) =	vpush v1, $0x5;
	[tilespmem:s1], [sflag:$0x3] =	stream.linear.gather [hbm4b:s18+s2], $0x80, $0x38;
	[tilespmem:$0x10200] =	vst v63  }
0x19f: {  	s18 =	sadd.s32 s3, s23;
	s23 =	sand.u32 $0x1FFFFFF0, s24;
	s24 =	spop (v2sf)  }
0x1a0: {  	(v2sf) =	vpush v1, $0x6;
	[tilespmem:s6], [sflag:$0x3] =	stream.linear.gather [hbm4b:s18+s2], $0x80, $0x38;
	[tilespmem:$0x10200] =	vst v63  }
0x1a1: {  	s23 =	sadd.s32 s3, s23;
	s24 =	sand.u32 $0x1FFFFFF0, s24;
	s6 =	sadd.s32 $0xFFFFD200, s28  }
0x1a2: {  	(v2sf) =	vpush v1, $0x7;
	[tilespmem:s6], [sflag:$0x3] =	stream.linear.gather [hbm4b:s23+s2], $0x80, $0x38;
	[tilespmem:$0x10200] =	vst v63  }
0x1a3: {  	[dreg:$0x4] =	wrdreg s22;
	s18 =	sadd.s32 $0xFFFFD280, s28;
	s10 =	sadd.s32 s3, s24  }
0x1a4: {  	(v2sf) =	vpush v1, $0x8;
	[tilespmem:s18], [sflag:$0x3] =	stream.linear.gather [hbm4b:s10+s2], $0x80, $0x38;
	[tilespmem:$0x10200] =	vst v63  }
0x1a5: {  	s22 =	sadd.s32 $0xFFFFF880, s20;
	s1 =	sadd.s32 $0xFFFFD600, s28;
	s23 =	spop (v2sf)  }
0x1a6: {  	s6 =	sadd.s32 $0xFFFFD580, s28;
	s18 =	sand.u32 $0x1FFFFFF0, s23;
	s24 =	spop (v2sf);
	(v2sf) =	vpush v1, $0x9  }
0x1a7: {  	s18 =	sadd.s32 s3, s18;
	s23 =	sand.u32 $0x1FFFFFF0, s24;
	s24 =	spop (v2sf)  }
0x1a8: {  	(v2sf) =	vpush v1, $0xA;
	[tilespmem:s22], [sflag:$0x4] =	stream.linear.gather [hbm4b:s18+s2], $0x80, $0x38;
	[tilespmem:$0x10200] =	vst v63  }
0x1a9: {  	s22 =	sadd.s32 s3, s23;
	s23 =	sand.u32 $0x1FFFFFF0, s24;
	s24 =	spop (v2sf)  }
0x1aa: {  	(v2sf) =	vpush v1, $0xB;
	[tilespmem:s17], [sflag:$0x4] =	stream.linear.gather [hbm4b:s22+s2], $0x80, $0x38;
	[tilespmem:$0x10200] =	vst v63  }
0x1ab: {  	s22 =	sadd.s32 s3, s23;
	s23 =	sand.u32 $0x1FFFFFF0, s24;
	s24 =	spop (v2sf)  }
0x1ac: {  	(v2sf) =	vpush v1, $0xC;
	[tilespmem:s21], [sflag:$0x4] =	stream.linear.gather [hbm4b:s22+s2], $0x80, $0x38;
	[tilespmem:$0x10200] =	vst v63  }
0x1ad: {  	s21 =	sadd.s32 s3, s23;
	s23 =	sand.u32 $0x1FFFFFF0, s24;
	s24 =	spop (v2sf)  }
0x1ae: {  	(v2sf) =	vpush v1, $0xD;
	[tilespmem:s16], [sflag:$0x4] =	stream.linear.gather [hbm4b:s21+s2], $0x80, $0x38;
	[tilespmem:$0x10200] =	vst v63  }
0x1af: {  	s22 =	sadd.s32 s3, s23;
	s23 =	sand.u32 $0x1FFFFFF0, s24;
	s24 =	spop (v2sf)  }
0x1b0: {  	(v2sf) =	vpush v1, $0xE;
	[tilespmem:s15], [sflag:$0x4] =	stream.linear.gather [hbm4b:s22+s2], $0x80, $0x38;
	[tilespmem:$0x10200] =	vst v63  }
0x1b1: {  	s17 =	sadd.s32 s3, s23;
	s18 =	sand.u32 $0x1FFFFFF0, s24;
	s21 =	spop (v2sf)  }
0x1b2: {  	[tilespmem:s14], [sflag:$0x4] =	stream.linear.gather [hbm4b:s17+s2], $0x80, $0x38;
	[tilespmem:$0x10200] =	vst v63  }
0x1b3: {  	s23 =	sand.u32 $0x1FFFFFF0, s21;
	s24 =	spop (v2sf);
	s22 =	sadd.s32 s3, s18  }
0x1b4: {  	(v2sf) =	vpush v1, $0xF;
	[tilespmem:s13], [sflag:$0x4] =	stream.linear.gather [hbm4b:s22+s2], $0x80, $0x38;
	[tilespmem:$0x10200] =	vst v63  }
0x1b5: {  	s15 =	sand.u32 $0x1FFFFFF0, s24;
	s14 =	sadd.s32 s3, s23;
	s16 =	spop (v2sf)  }
0x1b6: {  	(v2sf) =	vpush v0, $0x5;
	[tilespmem:s11], [sflag:$0x4] =	stream.linear.gather [hbm4b:s14+s2], $0x80, $0x38;
	[tilespmem:$0x10200] =	vst v63  }
0x1b7: {  	s17 =	sadd.s32 s3, s15;
	s18 =	sand.u32 $0x1FFFFFF0, s16;
	s21 =	spop (v2sf);
	(v2sf) =	vpush v0, $0x6  }
0x1b8: {  	[tilespmem:s9], [sflag:$0x4] =	stream.linear.gather [hbm4b:s17+s2], $0x80, $0x38;
	[tilespmem:$0x10200] =	vst v63  }
0x1b9: {  	s22 =	sadd.s32 s3, s18;
	s23 =	sand.u32 $0x1FFFFFF0, s21;
	s24 =	spop (v2sf)  }
0x1ba: {  	[tilespmem:s8], [sflag:$0x4] =	stream.linear.gather [hbm4b:s22+s2], $0x80, $0x38;
	[tilespmem:$0x10200] =	vst v63  }
0x1bb: {  	(v2sf) =	vpush v0, $0x7;
	s9 =	sadd.s32 s3, s23;
	s11 =	sand.u32 $0x1FFFFFF0, s24;
	s14 =	spop (v2sf)  }
0x1bc: {  	[tilespmem:s7], [sflag:$0x4] =	stream.linear.gather [hbm4b:s9+s2], $0x80, $0x38;
	[tilespmem:$0x10200] =	vst v63  }
0x1bd: {  	(v2sf) =	vpush v0, $0x8;
	s15 =	sadd.s32 s3, s11;
	s16 =	sand.u32 $0x1FFFFFF0, s14;
	s17 =	spop (v2sf)  }
0x1be: {  	(v2sf) =	vpush v0, $0x9;
	[tilespmem:s26], [sflag:$0x4] =	stream.linear.gather [hbm4b:s15+s2], $0x80, $0x38;
	[tilespmem:$0x10200] =	vst v63  }
0x1bf: {  	s18 =	sadd.s32 s3, s16;
	s21 =	sand.u32 $0x1FFFFFF0, s17;
	s22 =	spop (v2sf)  }
0x1c0: {  	(v2sf) =	vpush v0, $0xA;
	[tilespmem:s5], [sflag:$0x4] =	stream.linear.gather [hbm4b:s18+s2], $0x80, $0x38;
	[tilespmem:$0x10200] =	vst v63  }
0x1c1: {  	s10 =	sadd.s32 $0xFFFFD480, s28;
	s23 =	sadd.s32 s3, s21;
	s24 =	sand.u32 $0x1FFFFFF0, s22  }
0x1c2: {  	[tilespmem:s4], [sflag:$0x4] =	stream.linear.gather [hbm4b:s23+s2], $0x80, $0x38;
	[tilespmem:$0x10200] =	vst v63  }
0x1c3: {  	s13 =	rddreg [dreg:$0x5];
	s26 =	spop (v2sf);
	s9 =	sadd.s32 s3, s24  }
0x1c4: {  	[tilespmem:s12], [sflag:$0x4] =	stream.linear.gather [hbm4b:s9+s2], $0x80, $0x38;
	[tilespmem:$0x10200] =	vst v63  }
0x1c5: {  	s14 =	sadd.s32 $0xFFFFD380, s28;
	s11 =	sand.u32 $0x1FFFFFF0, s26;
	s15 =	spop (v2sf)  }
0x1c6: {  	s7 =	sadd.s32 s3, s11;
	s8 =	sand.u32 $0x1FFFFFF0, s15;
	s17 =	spop (v2sf)  }
0x1c7: {  	[tilespmem:s20], [sflag:$0x4] =	stream.linear.gather [hbm4b:s7+s2], $0x80, $0x38;
	[tilespmem:$0x10200] =	vst v63  }
0x1c8: {  	s16 =	sadd.s32 $0xFFFFD300, s28;
	s8 =	sadd.s32 s3, s8;
	s9 =	sand.u32 $0x1FFFFFF0, s17  }
0x1c9: {  	[tilespmem:s16], [sflag:$0x3] =	stream.linear.gather [hbm4b:s8+s2], $0x80, $0x38;
	[tilespmem:$0x10200] =	vst v63  }
0x1ca: {  	s4 =	sadd.s32 $0xFFFFD400, s28;
	s18 =	spop (v2sf);
	s20 =	sadd.s32 s3, s9  }
0x1cb: {  	[tilespmem:s14], [sflag:$0x3] =	stream.linear.gather [hbm4b:s20+s2], $0x80, $0x38;
	[tilespmem:$0x10200] =	vst v63  }
.Ltmp0:
0x1cc: {  	(v2sf) =	vpush v0, $0xB;
	s21 =	sand.u32 $0x1FFFFFF0, s18;
	s22 =	spop (v2sf);
	(pc) =	sbr.rel @p0 .LBB2_2-.Ltmp0, $4  }
0x1cd: {  	(v2sf) =	vpush v0, $0xC;
	s23 =	sadd.s32 s3, s21;
	s24 =	sand.u32 $0x1FFFFFF0, s22;
	s26 =	spop (v2sf)  }
0x1ce: {  	(v2sf) =	vpush v0, $0xD;
	[tilespmem:s4], [sflag:$0x3] =	stream.linear.gather [hbm4b:s23+s2], $0x80, $0x38;
	[tilespmem:$0x10200] =	vst v63  }
0x1cf: {  	(v2sf) =	vpush v0, $0xE;
	s7 =	sadd.s32 s3, s24;
	s5 =	sand.u32 $0x1FFFFFF0, s26;
	s4 =	spop (v2sf)  }
0x1d0: {  	(v2sf) =	vpush v0, $0xF;
	[tilespmem:s10], [sflag:$0x3] =	stream.linear.gather [hbm4b:s7+s2], $0x80, $0x38;
	[tilespmem:$0x10200] =	vst v63  }
0x1d1: {  	_ =	sdelay $0x5  }
0x1d2: {  	s5 =	sadd.s32 s3, s5;
	s4 =	sand.u32 $0x1FFFFFF0, s4  }
0x1d3: {  	[tilespmem:s31], [sflag:$0x3] =	stream.linear.gather [hbm4b:s5+s2], $0x80, $0x38;
	[tilespmem:$0x10200] =	vst v63  }
0x1d4: {  	s4 =	sadd.s32 s3, s4  }
0x1d5: {  	[tilespmem:s6], [sflag:$0x3] =	stream.linear.gather [hbm4b:s4+s2], $0x80, $0x38;
	[tilespmem:$0x10200] =	vst v63  }
0x1d6: {  	s11 =	spop (v2sf)  }
0x1d7: {  	s4 =	sand.u32 $0x1FFFFFF0, s11  }
0x1d8: {  	s12 =	spop (v2sf);
	s4 =	sadd.s32 s3, s4  }
0x1d9: {  	[tilespmem:s1], [sflag:$0x3] =	stream.linear.gather [hbm4b:s4+s2], $0x80, $0x38;
	[tilespmem:$0x10200] =	vst v63  }
0x1da: {  	s1 =	sand.u32 $0x1FFFFFF0, s12  }
0x1db: {  	s14 =	spop (v2sf);
	s1 =	sadd.s32 s3, s1  }
0x1dc: {  	[tilespmem:s30], [sflag:$0x3] =	stream.linear.gather [hbm4b:s1+s2], $0x80, $0x38;
	[tilespmem:$0x10200] =	vst v63  }
0x1dd: {  	s1 =	sand.u32 $0x1FFFFFF0, s14  }
0x1de: {  	s15 =	spop (v2sf);
	s1 =	sadd.s32 s3, s1  }
0x1df: {  	[tilespmem:s0], [sflag:$0x3] =	stream.linear.gather [hbm4b:s1+s2], $0x80, $0x38;
	[tilespmem:$0x10200] =	vst v63  }
0x1e0: {  	s0 =	sand.u32 $0x1FFFFFF0, s15  }
0x1e1: {  	s16 =	sadd.s32 $0xFFFFD780, s28;
	s17 =	spop (v2sf);
	s0 =	sadd.s32 s3, s0  }
0x1e2: {  	[tilespmem:s16], [sflag:$0x3] =	stream.linear.gather [hbm4b:s0+s2], $0x80, $0x38;
	[tilespmem:$0x10200] =	vst v63  }
0x1e3: {  	s0 =	sand.u32 $0x1FFFFFF0, s17  }
0x1e4: {  	s18 =	sadd.s32 $0xFFFFD800, s28;
	s0 =	sadd.s32 s3, s0  }
0x1e5: {  	[tilespmem:s18], [sflag:$0x3] =	stream.linear.gather [hbm4b:s0+s2], $0x80, $0x38;
	[tilespmem:$0x10200] =	vst v63  }
0x1e6: {  	v0 =	vld [tilespmem:s13+$0xFFFFFFF0];
	_ =	sdelay $0x4  }
0x1e7: {  	v0 =	vshll.u32 v0, $0x4  }
0x1e8: {  	(v2sf) =	vpush v0, $0x0;
	_ =	sdelay $0x1  }
0x1e9: {  	(v2sf) =	vpush v0, $0x1;
	_ =	sdelay $0x1  }
0x1ea: {  	(v2sf) =	vpush v0, $0x2;
	_ =	sdelay $0x2  }
0x1eb: {  	(v2sf) =	vpush v0, $0x3;
	_ =	sdelay $0x7  }
0x1ec: {  	s19 =	spop (v2sf);
	(v2sf) =	vpush v0, $0x4;
	_ =	sdelay $0x1  }
0x1ed: {  	s21 =	spop (v2sf);
	(v2sf) =	vpush v0, $0x5;
	_ =	sdelay $0x1  }
0x1ee: {  	s23 =	spop (v2sf);
	(v2sf) =	vpush v0, $0x6;
	_ =	sdelay $0x1  }
0x1ef: {  	s0 =	sand.u32 $0x1FFFFFF0, s19  }
0x1f0: {  	s20 =	sadd.s32 $0xFFFFD880, s28;
	s0 =	sadd.s32 s3, s0;
	s25 =	spop (v2sf);
	(v2sf) =	vpush v0, $0x7  }
0x1f1: {  	[tilespmem:s20], [sflag:$0x4] =	stream.linear.gather [hbm4b:s0+s2], $0x80, $0x38;
	[tilespmem:$0x10200] =	vst v63  }
0x1f2: {  	s0 =	sand.u32 $0x1FFFFFF0, s21  }
0x1f3: {  	s22 =	sadd.s32 $0xFFFFD900, s28;
	s0 =	sadd.s32 s3, s0  }
0x1f4: {  	[tilespmem:s22], [sflag:$0x4] =	stream.linear.gather [hbm4b:s0+s2], $0x80, $0x38;
	[tilespmem:$0x10200] =	vst v63  }
0x1f5: {  	s0 =	sand.u32 $0x1FFFFFF0, s23  }
0x1f6: {  	s24 =	sadd.s32 $0xFFFFD980, s28;
	s0 =	sadd.s32 s3, s0  }
0x1f7: {  	[tilespmem:s24], [sflag:$0x4] =	stream.linear.gather [hbm4b:s0+s2], $0x80, $0x38;
	[tilespmem:$0x10200] =	vst v63  }
0x1f8: {  	s30 =	spop (v2sf);
	(v2sf) =	vpush v0, $0x8  }
0x1f9: {  	s0 =	sand.u32 $0x1FFFFFF0, s25  }
0x1fa: {  	s26 =	sadd.s32 $0xFFFFDA00, s28;
	s0 =	sadd.s32 s3, s0;
	s4 =	spop (v2sf);
	(v2sf) =	vpush v0, $0x9  }
0x1fb: {  	[tilespmem:s26], [sflag:$0x4] =	stream.linear.gather [hbm4b:s0+s2], $0x80, $0x38;
	[tilespmem:$0x10200] =	vst v63  }
0x1fc: {  	s0 =	sand.u32 $0x1FFFFFF0, s30;
	s6 =	spop (v2sf);
	(v2sf) =	vpush v0, $0xA  }
0x1fd: {  	s31 =	sadd.s32 $0xFFFFDA80, s28;
	s0 =	sadd.s32 s3, s0  }
0x1fe: {  	[tilespmem:s31], [sflag:$0x4] =	stream.linear.gather [hbm4b:s0+s2], $0x80, $0x38;
	[tilespmem:$0x10200] =	vst v63  }
0x1ff: {  	s8 =	spop (v2sf);
	(v2sf) =	vpush v0, $0xB  }
0x200: {  	s0 =	sand.u32 $0x1FFFFFF0, s4  }
0x201: {  	s5 =	sadd.s32 $0xFFFFDB00, s28;
	s0 =	sadd.s32 s3, s0  }
0x202: {  	[tilespmem:s5], [sflag:$0x4] =	stream.linear.gather [hbm4b:s0+s2], $0x80, $0x38;
	[tilespmem:$0x10200] =	vst v63  }
0x203: {  	s0 =	sand.u32 $0x1FFFFFF0, s6  }
0x204: {  	s7 =	sadd.s32 $0xFFFFDB80, s28;
	s0 =	sadd.s32 s3, s0  }
0x205: {  	[tilespmem:s7], [sflag:$0x4] =	stream.linear.gather [hbm4b:s0+s2], $0x80, $0x38;
	[tilespmem:$0x10200] =	vst v63  }
0x206: {  	s0 =	sand.u32 $0x1FFFFFF0, s8  }
0x207: {  	s9 =	sadd.s32 $0xFFFFDC00, s28;
	s0 =	sadd.s32 s3, s0;
	s10 =	spop (v2sf);
	(v2sf) =	vpush v0, $0xC  }
0x208: {  	[tilespmem:s9], [sflag:$0x4] =	stream.linear.gather [hbm4b:s0+s2], $0x80, $0x38;
	[tilespmem:$0x10200] =	vst v63  }
0x209: {  	s12 =	spop (v2sf);
	(v2sf) =	vpush v0, $0xD  }
0x20a: {  	s0 =	sand.u32 $0x1FFFFFF0, s10  }
0x20b: {  	s11 =	sadd.s32 $0xFFFFDC80, s28;
	s0 =	sadd.s32 s3, s0;
	s15 =	spop (v2sf)  }
0x20c: {  	(v2sf) =	vpush v0, $0xE;
	[tilespmem:s11], [sflag:$0x4] =	stream.linear.gather [hbm4b:s0+s2], $0x80, $0x38;
	[tilespmem:$0x10200] =	vst v63  }
0x20d: {  	s0 =	sand.u32 $0x1FFFFFF0, s12  }
0x20e: {  	s14 =	sadd.s32 $0xFFFFDD00, s28;
	s17 =	spop (v2sf);
	s0 =	sadd.s32 s3, s0  }
0x20f: {  	(v2sf) =	vpush v0, $0xF;
	[tilespmem:s14], [sflag:$0x4] =	stream.linear.gather [hbm4b:s0+s2], $0x80, $0x38;
	[tilespmem:$0x10200] =	vst v63  }
0x210: {  	s0 =	sand.u32 $0x1FFFFFF0, s15  }
0x211: {  	s16 =	sadd.s32 $0xFFFFDD80, s28;
	s0 =	sadd.s32 s3, s0  }
0x212: {  	[tilespmem:s16], [sflag:$0x4] =	stream.linear.gather [hbm4b:s0+s2], $0x80, $0x38;
	[tilespmem:$0x10200] =	vst v63  }
0x213: {  	s0 =	sand.u32 $0x1FFFFFF0, s17  }
0x214: {  	s18 =	sadd.s32 $0xFFFFDE00, s28;
	s0 =	sadd.s32 s3, s0  }
0x215: {  	[tilespmem:s18], [sflag:$0x4] =	stream.linear.gather [hbm4b:s0+s2], $0x80, $0x38;
	[tilespmem:$0x10200] =	vst v63  }
0x216: {  	s19 =	spop (v2sf)  }
0x217: {  	s0 =	sand.u32 $0x1FFFFFF0, s19  }
0x218: {  	s20 =	sadd.s32 $0xFFFFDE80, s28;
	s21 =	spop (v2sf);
	s0 =	sadd.s32 s3, s0  }
0x219: {  	[tilespmem:s20], [sflag:$0x4] =	stream.linear.gather [hbm4b:s0+s2], $0x80, $0x38;
	[tilespmem:$0x10200] =	vst v63  }
0x21a: {  	s0 =	sand.u32 $0x1FFFFFF0, s21  }
0x21b: {  	s22 =	sadd.s32 $0xFFFFDF00, s28;
	s23 =	spop (v2sf);
	s0 =	sadd.s32 s3, s0  }
0x21c: {  	[tilespmem:s22], [sflag:$0x4] =	stream.linear.gather [hbm4b:s0+s2], $0x80, $0x38;
	[tilespmem:$0x10200] =	vst v63  }
0x21d: {  	s0 =	sand.u32 $0x1FFFFFF0, s23  }
0x21e: {  	s24 =	sadd.s32 $0xFFFFDF80, s28;
	s25 =	spop (v2sf);
	s0 =	sadd.s32 s3, s0  }
0x21f: {  	[tilespmem:s24], [sflag:$0x4] =	stream.linear.gather [hbm4b:s0+s2], $0x80, $0x38;
	[tilespmem:$0x10200] =	vst v63  }
0x220: {  	s0 =	sand.u32 $0x1FFFFFF0, s25  }
0x221: {  	s26 =	sadd.s32 $0xFFFFE000, s28;
	s0 =	sadd.s32 s3, s0  }
0x222: {  	[tilespmem:s26], [sflag:$0x4] =	stream.linear.gather [hbm4b:s0+s2], $0x80, $0x38;
	[tilespmem:$0x10200] =	vst v63  }
0x223: {  	v60 =	vld [tilespmem:s13+$0x0];
	_ =	sdelay $0x4  }
0x224: {  	v0 =	vshll.u32 v60, $0x4  }
0x225: {  	(v2sf) =	vpush v0, $0x0;
	_ =	sdelay $0x1  }
0x226: {  	(v2sf) =	vpush v0, $0x1;
	_ =	sdelay $0x1  }
0x227: {  	(v2sf) =	vpush v0, $0x2;
	_ =	sdelay $0x2  }
0x228: {  	(v2sf) =	vpush v0, $0x3;
	_ =	sdelay $0x7  }
0x229: {  	s30 =	spop (v2sf);
	(v2sf) =	vpush v0, $0x4;
	_ =	sdelay $0x1  }
0x22a: {  	s4 =	spop (v2sf);
	(v2sf) =	vpush v0, $0x5;
	_ =	sdelay $0x1  }
0x22b: {  	s6 =	spop (v2sf);
	(v2sf) =	vpush v0, $0x6;
	_ =	sdelay $0x1  }
0x22c: {  	s0 =	sand.u32 $0x1FFFFFF0, s30  }
0x22d: {  	s31 =	sadd.s32 $0xFFFFE080, s28;
	s0 =	sadd.s32 s3, s0;
	s8 =	spop (v2sf);
	(v2sf) =	vpush v0, $0x7  }
0x22e: {  	[tilespmem:s31], [sflag:$0x1] =	stream.linear.gather [hbm4b:s0+s2], $0x80, $0x38;
	[tilespmem:$0x10200] =	vst v63  }
0x22f: {  	s0 =	sand.u32 $0x1FFFFFF0, s4  }
0x230: {  	s5 =	sadd.s32 $0xFFFFE100, s28;
	s0 =	sadd.s32 s3, s0  }
0x231: {  	[tilespmem:s5], [sflag:$0x1] =	stream.linear.gather [hbm4b:s0+s2], $0x80, $0x38;
	[tilespmem:$0x10200] =	vst v63  }
0x232: {  	s0 =	sand.u32 $0x1FFFFFF0, s6  }
0x233: {  	s7 =	sadd.s32 $0xFFFFE180, s28;
	s0 =	sadd.s32 s3, s0  }
0x234: {  	[tilespmem:s7], [sflag:$0x1] =	stream.linear.gather [hbm4b:s0+s2], $0x80, $0x38;
	[tilespmem:$0x10200] =	vst v63  }
0x235: {  	s10 =	spop (v2sf);
	(v2sf) =	vpush v0, $0x8  }
0x236: {  	s0 =	sand.u32 $0x1FFFFFF0, s8  }
0x237: {  	s9 =	sadd.s32 $0xFFFFE200, s28;
	s0 =	sadd.s32 s3, s0;
	s12 =	spop (v2sf);
	(v2sf) =	vpush v0, $0x9  }
0x238: {  	[tilespmem:s9], [sflag:$0x1] =	stream.linear.gather [hbm4b:s0+s2], $0x80, $0x38;
	[tilespmem:$0x10200] =	vst v63  }
0x239: {  	s0 =	sand.u32 $0x1FFFFFF0, s10;
	s15 =	spop (v2sf);
	(v2sf) =	vpush v0, $0xA  }
0x23a: {  	s11 =	sadd.s32 $0xFFFFE280, s28;
	s0 =	sadd.s32 s3, s0  }
0x23b: {  	[tilespmem:s11], [sflag:$0x1] =	stream.linear.gather [hbm4b:s0+s2], $0x80, $0x38;
	[tilespmem:$0x10200] =	vst v63  }
0x23c: {  	s17 =	spop (v2sf);
	(v2sf) =	vpush v0, $0xB  }
0x23d: {  	s0 =	sand.u32 $0x1FFFFFF0, s12  }
0x23e: {  	s14 =	sadd.s32 $0xFFFFE300, s28;
	s0 =	sadd.s32 s3, s0  }
0x23f: {  	[tilespmem:s14], [sflag:$0x1] =	stream.linear.gather [hbm4b:s0+s2], $0x80, $0x38;
	[tilespmem:$0x10200] =	vst v63  }
0x240: {  	s0 =	sand.u32 $0x1FFFFFF0, s15  }
0x241: {  	s16 =	sadd.s32 $0xFFFFE380, s28;
	s0 =	sadd.s32 s3, s0  }
0x242: {  	[tilespmem:s16], [sflag:$0x1] =	stream.linear.gather [hbm4b:s0+s2], $0x80, $0x38;
	[tilespmem:$0x10200] =	vst v63  }
0x243: {  	s0 =	sand.u32 $0x1FFFFFF0, s17  }
0x244: {  	s18 =	sadd.s32 $0xFFFFE400, s28;
	s0 =	sadd.s32 s3, s0;
	s19 =	spop (v2sf);
	(v2sf) =	vpush v0, $0xC  }
0x245: {  	[tilespmem:s18], [sflag:$0x1] =	stream.linear.gather [hbm4b:s0+s2], $0x80, $0x38;
	[tilespmem:$0x10200] =	vst v63  }
0x246: {  	s20 =	spop (v2sf);
	(v2sf) =	vpush v0, $0xD  }
0x247: {  	s0 =	sand.u32 $0x1FFFFFF0, s19  }
0x248: {  	s1 =	rddreg [dreg:$0xb];
	s0 =	sadd.s32 s3, s0;
	s21 =	spop (v2sf)  }
0x249: {  	(v2sf) =	vpush v0, $0xE;
	[tilespmem:s1], [sflag:$0x1] =	stream.linear.gather [hbm4b:s0+s2], $0x80, $0x38;
	[tilespmem:$0x10200] =	vst v63  }
0x24a: {  	s0 =	sand.u32 $0x1FFFFFF0, s20  }
0x24b: {  	s22 =	spop (v2sf);
	s0 =	sadd.s32 s3, s0;
	s1 =	rddreg [dreg:$0xa]  }
0x24c: {  	(v2sf) =	vpush v0, $0xF;
	[tilespmem:s1], [sflag:$0x1] =	stream.linear.gather [hbm4b:s0+s2], $0x80, $0x38;
	[tilespmem:$0x10200] =	vst v63  }
0x24d: {  	s0 =	sand.u32 $0x1FFFFFF0, s21  }
0x24e: {  	s0 =	sadd.s32 s3, s0;
	s1 =	rddreg [dreg:$0x9]  }
0x24f: {  	[tilespmem:s1], [sflag:$0x1] =	stream.linear.gather [hbm4b:s0+s2], $0x80, $0x38;
	[tilespmem:$0x10200] =	vst v63  }
0x250: {  	s0 =	sand.u32 $0x1FFFFFF0, s22  }
0x251: {  	s0 =	sadd.s32 s3, s0;
	s1 =	rddreg [dreg:$0x8]  }
0x252: {  	[tilespmem:s1], [sflag:$0x1] =	stream.linear.gather [hbm4b:s0+s2], $0x80, $0x38;
	[tilespmem:$0x10200] =	vst v63  }
0x253: {  	s23 =	spop (v2sf)  }
0x254: {  	s0 =	sand.u32 $0x1FFFFFF0, s23  }
0x255: {  	s1 =	rddreg [dreg:$0x7];
	s24 =	spop (v2sf);
	s0 =	sadd.s32 s3, s0  }
0x256: {  	[tilespmem:s1], [sflag:$0x1] =	stream.linear.gather [hbm4b:s0+s2], $0x80, $0x38;
	[tilespmem:$0x10200] =	vst v63  }
0x257: {  	s0 =	sand.u32 $0x1FFFFFF0, s24  }
0x258: {  	s25 =	spop (v2sf);
	s0 =	sadd.s32 s3, s0;
	s1 =	rddreg [dreg:$0x6]  }
0x259: {  	[tilespmem:s1], [sflag:$0x1] =	stream.linear.gather [hbm4b:s0+s2], $0x80, $0x38;
	[tilespmem:$0x10200] =	vst v63  }
0x25a: {  	s0 =	sand.u32 $0x1FFFFFF0, s25  }
0x25b: {  	s26 =	sadd.s32 $0xFFFFE780, s28;
	s30 =	spop (v2sf);
	s0 =	sadd.s32 s3, s0  }
0x25c: {  	[tilespmem:s26], [sflag:$0x1] =	stream.linear.gather [hbm4b:s0+s2], $0x80, $0x38;
	[tilespmem:$0x10200] =	vst v63  }
0x25d: {  	s0 =	sand.u32 $0x1FFFFFF0, s30  }
0x25e: {  	s31 =	sadd.s32 $0xFFFFE800, s28;
	s0 =	sadd.s32 s3, s0  }
0x25f: {  	[tilespmem:s31], [sflag:$0x1] =	stream.linear.gather [hbm4b:s0+s2], $0x80, $0x38;
	[tilespmem:$0x10200] =	vst v63  }
0x260: {  	v61 =	vld [tilespmem:s13+$0x10];
	_ =	sdelay $0x4  }
0x261: {  	v0 =	vshll.u32 v61, $0x4  }
0x262: {  	(v2sf) =	vpush v0, $0x0;
	_ =	sdelay $0x1  }
0x263: {  	(v2sf) =	vpush v0, $0x1;
	_ =	sdelay $0x1  }
0x264: {  	(v2sf) =	vpush v0, $0x2;
	_ =	sdelay $0x2  }
0x265: {  	(v2sf) =	vpush v0, $0x3;
	_ =	sdelay $0x7  }
0x266: {  	s4 =	spop (v2sf);
	(v2sf) =	vpush v0, $0x4;
	_ =	sdelay $0x1  }
0x267: {  	s6 =	spop (v2sf);
	(v2sf) =	vpush v0, $0x5;
	_ =	sdelay $0x1  }
0x268: {  	s8 =	spop (v2sf);
	(v2sf) =	vpush v0, $0x6;
	_ =	sdelay $0x1  }
0x269: {  	s0 =	sand.u32 $0x1FFFFFF0, s4  }
0x26a: {  	s5 =	sadd.s32 $0xFFFFE880, s28;
	s0 =	sadd.s32 s3, s0;
	s10 =	spop (v2sf);
	(v2sf) =	vpush v0, $0x7  }
0x26b: {  	[tilespmem:s5], [sflag:$0x2] =	stream.linear.gather [hbm4b:s0+s2], $0x80, $0x38;
	[tilespmem:$0x10200] =	vst v63  }
0x26c: {  	s0 =	sand.u32 $0x1FFFFFF0, s6  }
0x26d: {  	s7 =	sadd.s32 $0xFFFFE900, s28;
	s0 =	sadd.s32 s3, s0  }
0x26e: {  	[tilespmem:s7], [sflag:$0x2] =	stream.linear.gather [hbm4b:s0+s2], $0x80, $0x38;
	[tilespmem:$0x10200] =	vst v63  }
0x26f: {  	s0 =	sand.u32 $0x1FFFFFF0, s8  }
0x270: {  	s9 =	sadd.s32 $0xFFFFE980, s28;
	s0 =	sadd.s32 s3, s0  }
0x271: {  	[tilespmem:s9], [sflag:$0x2] =	stream.linear.gather [hbm4b:s0+s2], $0x80, $0x38;
	[tilespmem:$0x10200] =	vst v63  }
0x272: {  	s12 =	spop (v2sf);
	(v2sf) =	vpush v0, $0x8  }
0x273: {  	s0 =	sand.u32 $0x1FFFFFF0, s10  }
0x274: {  	s11 =	sadd.s32 $0xFFFFEA00, s28;
	s0 =	sadd.s32 s3, s0;
	s15 =	spop (v2sf);
	(v2sf) =	vpush v0, $0x9  }
0x275: {  	[tilespmem:s11], [sflag:$0x2] =	stream.linear.gather [hbm4b:s0+s2], $0x80, $0x38;
	[tilespmem:$0x10200] =	vst v63  }
0x276: {  	s0 =	sand.u32 $0x1FFFFFF0, s12;
	s17 =	spop (v2sf);
	(v2sf) =	vpush v0, $0xA  }
0x277: {  	s14 =	sadd.s32 $0xFFFFEA80, s28;
	s0 =	sadd.s32 s3, s0  }
0x278: {  	[tilespmem:s14], [sflag:$0x2] =	stream.linear.gather [hbm4b:s0+s2], $0x80, $0x38;
	[tilespmem:$0x10200] =	vst v63  }
0x279: {  	s19 =	spop (v2sf);
	(v2sf) =	vpush v0, $0xB  }
0x27a: {  	s0 =	sand.u32 $0x1FFFFFF0, s15  }
0x27b: {  	s16 =	sadd.s32 $0xFFFFEB00, s28;
	s0 =	sadd.s32 s3, s0  }
0x27c: {  	[tilespmem:s16], [sflag:$0x2] =	stream.linear.gather [hbm4b:s0+s2], $0x80, $0x38;
	[tilespmem:$0x10200] =	vst v63  }
0x27d: {  	s0 =	sand.u32 $0x1FFFFFF0, s17  }
0x27e: {  	s18 =	sadd.s32 $0xFFFFEB80, s28;
	s0 =	sadd.s32 s3, s0  }
0x27f: {  	[tilespmem:s18], [sflag:$0x2] =	stream.linear.gather [hbm4b:s0+s2], $0x80, $0x38;
	[tilespmem:$0x10200] =	vst v63  }
0x280: {  	s0 =	sand.u32 $0x1FFFFFF0, s19  }
0x281: {  	s20 =	sadd.s32 $0xFFFFEC00, s28;
	s0 =	sadd.s32 s3, s0;
	s21 =	spop (v2sf);
	(v2sf) =	vpush v0, $0xC  }
0x282: {  	[tilespmem:s20], [sflag:$0x2] =	stream.linear.gather [hbm4b:s0+s2], $0x80, $0x38;
	[tilespmem:$0x10200] =	vst v63  }
0x283: {  	s23 =	spop (v2sf);
	(v2sf) =	vpush v0, $0xD  }
0x284: {  	s0 =	sand.u32 $0x1FFFFFF0, s21  }
0x285: {  	s22 =	sadd.s32 $0xFFFFEC80, s28;
	s0 =	sadd.s32 s3, s0;
	s25 =	spop (v2sf)  }
0x286: {  	(v2sf) =	vpush v0, $0xE;
	[tilespmem:s22], [sflag:$0x2] =	stream.linear.gather [hbm4b:s0+s2], $0x80, $0x38;
	[tilespmem:$0x10200] =	vst v63  }
0x287: {  	s0 =	sand.u32 $0x1FFFFFF0, s23  }
0x288: {  	s24 =	sadd.s32 $0xFFFFED00, s28;
	s30 =	spop (v2sf);
	s0 =	sadd.s32 s3, s0  }
0x289: {  	(v2sf) =	vpush v0, $0xF;
	[tilespmem:s24], [sflag:$0x2] =	stream.linear.gather [hbm4b:s0+s2], $0x80, $0x38;
	[tilespmem:$0x10200] =	vst v63  }
0x28a: {  	s0 =	sand.u32 $0x1FFFFFF0, s25  }
0x28b: {  	s26 =	sadd.s32 $0xFFFFED80, s28;
	s0 =	sadd.s32 s3, s0  }
0x28c: {  	[tilespmem:s26], [sflag:$0x2] =	stream.linear.gather [hbm4b:s0+s2], $0x80, $0x38;
	[tilespmem:$0x10200] =	vst v63  }
0x28d: {  	s0 =	sand.u32 $0x1FFFFFF0, s30  }
0x28e: {  	s31 =	sadd.s32 $0xFFFFEE00, s28;
	s0 =	sadd.s32 s3, s0  }
0x28f: {  	[tilespmem:s31], [sflag:$0x2] =	stream.linear.gather [hbm4b:s0+s2], $0x80, $0x38;
	[tilespmem:$0x10200] =	vst v63  }
0x290: {  	s4 =	spop (v2sf)  }
0x291: {  	s0 =	sand.u32 $0x1FFFFFF0, s4  }
0x292: {  	s5 =	sadd.s32 $0xFFFFEE80, s28;
	s6 =	spop (v2sf);
	s0 =	sadd.s32 s3, s0  }
0x293: {  	[tilespmem:s5], [sflag:$0x2] =	stream.linear.gather [hbm4b:s0+s2], $0x80, $0x38;
	[tilespmem:$0x10200] =	vst v63  }
0x294: {  	s0 =	sand.u32 $0x1FFFFFF0, s6  }
0x295: {  	s7 =	sadd.s32 $0xFFFFEF00, s28;
	s8 =	spop (v2sf);
	s0 =	sadd.s32 s3, s0  }
0x296: {  	[tilespmem:s7], [sflag:$0x2] =	stream.linear.gather [hbm4b:s0+s2], $0x80, $0x38;
	[tilespmem:$0x10200] =	vst v63  }
0x297: {  	s0 =	sand.u32 $0x1FFFFFF0, s8  }
0x298: {  	s9 =	sadd.s32 $0xFFFFEF80, s28;
	s10 =	spop (v2sf);
	s0 =	sadd.s32 s3, s0  }
0x299: {  	[tilespmem:s9], [sflag:$0x2] =	stream.linear.gather [hbm4b:s0+s2], $0x80, $0x38;
	[tilespmem:$0x10200] =	vst v63  }
0x29a: {  	s0 =	sand.u32 $0x1FFFFFF0, s10  }
0x29b: {  	s11 =	sadd.s32 $0xFFFFF000, s28;
	s0 =	sadd.s32 s3, s0  }
0x29c: {  	[tilespmem:s11], [sflag:$0x2] =	stream.linear.gather [hbm4b:s0+s2], $0x80, $0x38;
	[tilespmem:$0x10200] =	vst v63  }
0x29d: {  	v62 =	vld [tilespmem:s13+$0x20];
	_ =	sdelay $0x4  }
0x29e: {  	v0 =	vshll.u32 v62, $0x4  }
0x29f: {  	(v2sf) =	vpush v0, $0x0;
	_ =	sdelay $0x1  }
0x2a0: {  	(v2sf) =	vpush v0, $0x1;
	_ =	sdelay $0x1  }
0x2a1: {  	(v2sf) =	vpush v0, $0x2;
	_ =	sdelay $0x2  }
0x2a2: {  	(v2sf) =	vpush v0, $0x3;
	_ =	sdelay $0x7  }
0x2a3: {  	s12 =	spop (v2sf);
	(v2sf) =	vpush v0, $0x4;
	_ =	sdelay $0x1  }
0x2a4: {  	s15 =	spop (v2sf);
	(v2sf) =	vpush v0, $0x5;
	_ =	sdelay $0x1  }
0x2a5: {  	s17 =	spop (v2sf);
	(v2sf) =	vpush v0, $0x6;
	_ =	sdelay $0x1  }
0x2a6: {  	s0 =	sand.u32 $0x1FFFFFF0, s12  }
0x2a7: {  	s14 =	sadd.s32 $0xFFFFF080, s28;
	s0 =	sadd.s32 s3, s0;
	s19 =	spop (v2sf);
	(v2sf) =	vpush v0, $0x7  }
0x2a8: {  	[tilespmem:s14], [sflag:$0x3] =	stream.linear.gather [hbm4b:s0+s2], $0x80, $0x38;
	[tilespmem:$0x10200] =	vst v63  }
0x2a9: {  	s0 =	sand.u32 $0x1FFFFFF0, s15  }
0x2aa: {  	s16 =	sadd.s32 $0xFFFFF100, s28;
	s0 =	sadd.s32 s3, s0  }
0x2ab: {  	[tilespmem:s16], [sflag:$0x3] =	stream.linear.gather [hbm4b:s0+s2], $0x80, $0x38;
	[tilespmem:$0x10200] =	vst v63  }
0x2ac: {  	s0 =	sand.u32 $0x1FFFFFF0, s17  }
0x2ad: {  	s18 =	sadd.s32 $0xFFFFF180, s28;
	s0 =	sadd.s32 s3, s0  }
0x2ae: {  	[tilespmem:s18], [sflag:$0x3] =	stream.linear.gather [hbm4b:s0+s2], $0x80, $0x38;
	[tilespmem:$0x10200] =	vst v63  }
0x2af: {  	s21 =	spop (v2sf);
	(v2sf) =	vpush v0, $0x8  }
0x2b0: {  	s0 =	sand.u32 $0x1FFFFFF0, s19  }
0x2b1: {  	s20 =	sadd.s32 $0xFFFFF200, s28;
	s0 =	sadd.s32 s3, s0;
	s23 =	spop (v2sf);
	(v2sf) =	vpush v0, $0x9  }
0x2b2: {  	[tilespmem:s20], [sflag:$0x3] =	stream.linear.gather [hbm4b:s0+s2], $0x80, $0x38;
	[tilespmem:$0x10200] =	vst v63  }
0x2b3: {  	s0 =	sand.u32 $0x1FFFFFF0, s21;
	s25 =	spop (v2sf);
	(v2sf) =	vpush v0, $0xA  }
0x2b4: {  	s22 =	sadd.s32 $0xFFFFF280, s28;
	s0 =	sadd.s32 s3, s0  }
0x2b5: {  	[tilespmem:s22], [sflag:$0x3] =	stream.linear.gather [hbm4b:s0+s2], $0x80, $0x38;
	[tilespmem:$0x10200] =	vst v63  }
0x2b6: {  	s30 =	spop (v2sf);
	(v2sf) =	vpush v0, $0xB  }
0x2b7: {  	s0 =	sand.u32 $0x1FFFFFF0, s23  }
0x2b8: {  	s24 =	sadd.s32 $0xFFFFF300, s28;
	s0 =	sadd.s32 s3, s0  }
0x2b9: {  	[tilespmem:s24], [sflag:$0x3] =	stream.linear.gather [hbm4b:s0+s2], $0x80, $0x38;
	[tilespmem:$0x10200] =	vst v63  }
0x2ba: {  	s0 =	sand.u32 $0x1FFFFFF0, s25  }
0x2bb: {  	s26 =	sadd.s32 $0xFFFFF380, s28;
	s0 =	sadd.s32 s3, s0  }
0x2bc: {  	[tilespmem:s26], [sflag:$0x3] =	stream.linear.gather [hbm4b:s0+s2], $0x80, $0x38;
	[tilespmem:$0x10200] =	vst v63  }
0x2bd: {  	s0 =	sand.u32 $0x1FFFFFF0, s30  }
0x2be: {  	s31 =	sadd.s32 $0xFFFFF400, s28;
	s0 =	sadd.s32 s3, s0;
	s1 =	spop (v2sf);
	(v2sf) =	vpush v0, $0xC  }
0x2bf: {  	[tilespmem:s31], [sflag:$0x3] =	stream.linear.gather [hbm4b:s0+s2], $0x80, $0x38;
	[tilespmem:$0x10200] =	vst v63  }
0x2c0: {  	s5 =	spop (v2sf);
	(v2sf) =	vpush v0, $0xD  }
0x2c1: {  	s0 =	sand.u32 $0x1FFFFFF0, s1  }
0x2c2: {  	s4 =	sadd.s32 $0xFFFFF480, s28;
	s0 =	sadd.s32 s3, s0;
	s7 =	spop (v2sf)  }
0x2c3: {  	(v2sf) =	vpush v0, $0xE;
	[tilespmem:s4], [sflag:$0x3] =	stream.linear.gather [hbm4b:s0+s2], $0x80, $0x38;
	[tilespmem:$0x10200] =	vst v63  }
0x2c4: {  	s0 =	sand.u32 $0x1FFFFFF0, s5  }
0x2c5: {  	s6 =	sadd.s32 $0xFFFFF500, s28;
	s9 =	spop (v2sf);
	s0 =	sadd.s32 s3, s0  }
0x2c6: {  	(v2sf) =	vpush v0, $0xF;
	[tilespmem:s6], [sflag:$0x3] =	stream.linear.gather [hbm4b:s0+s2], $0x80, $0x38;
	[tilespmem:$0x10200] =	vst v63  }
0x2c7: {  	s0 =	sand.u32 $0x1FFFFFF0, s7  }
0x2c8: {  	s8 =	sadd.s32 $0xFFFFF580, s28;
	s0 =	sadd.s32 s3, s0  }
0x2c9: {  	[tilespmem:s8], [sflag:$0x3] =	stream.linear.gather [hbm4b:s0+s2], $0x80, $0x38;
	[tilespmem:$0x10200] =	vst v63  }
0x2ca: {  	s0 =	sand.u32 $0x1FFFFFF0, s9  }
0x2cb: {  	s10 =	sadd.s32 $0xFFFFF600, s28;
	s0 =	sadd.s32 s3, s0  }
0x2cc: {  	[tilespmem:s10], [sflag:$0x3] =	stream.linear.gather [hbm4b:s0+s2], $0x80, $0x38;
	[tilespmem:$0x10200] =	vst v63  }
0x2cd: {  	s11 =	spop (v2sf)  }
0x2ce: {  	s0 =	sand.u32 $0x1FFFFFF0, s11  }
0x2cf: {  	s12 =	spop (v2sf);
	s0 =	sadd.s32 s3, s0  }
0x2d0: {  	[tilespmem:s29], [sflag:$0x3] =	stream.linear.gather [hbm4b:s0+s2], $0x80, $0x38;
	[tilespmem:$0x10200] =	vst v63  }
0x2d1: {  	s0 =	sand.u32 $0x1FFFFFF0, s12  }
0x2d2: {  	s14 =	spop (v2sf);
	s0 =	sadd.s32 s3, s0;
	s1 =	rddreg [dreg:$0x4]  }
0x2d3: {  	[tilespmem:s1], [sflag:$0x3] =	stream.linear.gather [hbm4b:s0+s2], $0x80, $0x38;
	[tilespmem:$0x10200] =	vst v63  }
0x2d4: {  	s0 =	sand.u32 $0x1FFFFFF0, s14  }
0x2d5: {  	s15 =	sadd.s32 $0xFFFFF780, s28;
	s16 =	spop (v2sf);
	s0 =	sadd.s32 s3, s0  }
0x2d6: {  	[tilespmem:s15], [sflag:$0x3] =	stream.linear.gather [hbm4b:s0+s2], $0x80, $0x38;
	[tilespmem:$0x10200] =	vst v63  }
0x2d7: {  	s0 =	sand.u32 $0x1FFFFFF0, s16  }
0x2d8: {  	s17 =	sadd.s32 $0xFFFFF800, s28;
	s0 =	sadd.s32 s3, s0  }
0x2d9: {  	[tilespmem:s17], [sflag:$0x3] =	stream.linear.gather [hbm4b:s0+s2], $0x80, $0x38;
	[tilespmem:$0x10200] =	vst v63  }
0x2da: {  	v63 =	vld [tilespmem:s13+$0x30];
	_ =	sdelay $0x4  }
0x2db: {  	v0 =	vshll.u32 v63, $0x4  }
0x2dc: {  	(v2sf) =	vpush v0, $0x0;
	_ =	sdelay $0x1  }
0x2dd: {  	(v2sf) =	vpush v0, $0x1;
	_ =	sdelay $0x1  }
0x2de: {  	(v2sf) =	vpush v0, $0x2;
	_ =	sdelay $0x2  }
0x2df: {  	(v2sf) =	vpush v0, $0x3;
	_ =	sdelay $0x7  }
0x2e0: {  	s18 =	spop (v2sf);
	(v2sf) =	vpush v0, $0x4;
	_ =	sdelay $0x1  }
0x2e1: {  	s20 =	spop (v2sf);
	(v2sf) =	vpush v0, $0x5;
	_ =	sdelay $0x1  }
0x2e2: {  	s22 =	spop (v2sf);
	(v2sf) =	vpush v0, $0x6;
	_ =	sdelay $0x1  }
0x2e3: {  	s0 =	sand.u32 $0x1FFFFFF0, s18  }
0x2e4: {  	s19 =	sadd.s32 $0xFFFFF880, s28;
	s0 =	sadd.s32 s3, s0;
	s24 =	spop (v2sf);
	(v2sf) =	vpush v0, $0x7  }
0x2e5: {  	[tilespmem:s19], [sflag:$0x4] =	stream.linear.gather [hbm4b:s0+s2], $0x80, $0x38;
	[tilespmem:$0x10200] =	vst v63  }
0x2e6: {  	s0 =	sand.u32 $0x1FFFFFF0, s20  }
0x2e7: {  	s21 =	sadd.s32 $0xFFFFF900, s28;
	s0 =	sadd.s32 s3, s0  }
0x2e8: {  	[tilespmem:s21], [sflag:$0x4] =	stream.linear.gather [hbm4b:s0+s2], $0x80, $0x38;
	[tilespmem:$0x10200] =	vst v63  }
0x2e9: {  	s0 =	sand.u32 $0x1FFFFFF0, s22  }
0x2ea: {  	s23 =	sadd.s32 $0xFFFFF980, s28;
	s0 =	sadd.s32 s3, s0  }
0x2eb: {  	[tilespmem:s23], [sflag:$0x4] =	stream.linear.gather [hbm4b:s0+s2], $0x80, $0x38;
	[tilespmem:$0x10200] =	vst v63  }
0x2ec: {  	s26 =	spop (v2sf);
	(v2sf) =	vpush v0, $0x8  }
0x2ed: {  	s0 =	sand.u32 $0x1FFFFFF0, s24  }
0x2ee: {  	s25 =	sadd.s32 $0xFFFFFA00, s28;
	s0 =	sadd.s32 s3, s0;
	s30 =	spop (v2sf);
	(v2sf) =	vpush v0, $0x9  }
0x2ef: {  	[tilespmem:s25], [sflag:$0x4] =	stream.linear.gather [hbm4b:s0+s2], $0x80, $0x38;
	[tilespmem:$0x10200] =	vst v63  }
0x2f0: {  	s0 =	sand.u32 $0x1FFFFFF0, s26;
	s4 =	spop (v2sf);
	(v2sf) =	vpush v0, $0xA  }
0x2f1: {  	s29 =	sadd.s32 $0xFFFFFA80, s28;
	s0 =	sadd.s32 s3, s0  }
0x2f2: {  	[tilespmem:s29], [sflag:$0x4] =	stream.linear.gather [hbm4b:s0+s2], $0x80, $0x38;
	[tilespmem:$0x10200] =	vst v63  }
0x2f3: {  	s6 =	spop (v2sf);
	(v2sf) =	vpush v0, $0xB  }
0x2f4: {  	s0 =	sand.u32 $0x1FFFFFF0, s30  }
0x2f5: {  	s31 =	sadd.s32 $0xFFFFFB00, s28;
	s0 =	sadd.s32 s3, s0  }
0x2f6: {  	[tilespmem:s31], [sflag:$0x4] =	stream.linear.gather [hbm4b:s0+s2], $0x80, $0x38;
	[tilespmem:$0x10200] =	vst v63  }
0x2f7: {  	s0 =	sand.u32 $0x1FFFFFF0, s4  }
0x2f8: {  	s5 =	sadd.s32 $0xFFFFFB80, s28;
	s0 =	sadd.s32 s3, s0  }
0x2f9: {  	[tilespmem:s5], [sflag:$0x4] =	stream.linear.gather [hbm4b:s0+s2], $0x80, $0x38;
	[tilespmem:$0x10200] =	vst v63  }
0x2fa: {  	s0 =	sand.u32 $0x1FFFFFF0, s6  }
0x2fb: {  	s7 =	sadd.s32 $0xFFFFFC00, s28;
	s0 =	sadd.s32 s3, s0;
	s8 =	spop (v2sf);
	(v2sf) =	vpush v0, $0xC  }
0x2fc: {  	[tilespmem:s7], [sflag:$0x4] =	stream.linear.gather [hbm4b:s0+s2], $0x80, $0x38;
	[tilespmem:$0x10200] =	vst v63  }
0x2fd: {  	s10 =	spop (v2sf);
	(v2sf) =	vpush v0, $0xD  }
0x2fe: {  	s0 =	sand.u32 $0x1FFFFFF0, s8  }
0x2ff: {  	s9 =	sadd.s32 $0xFFFFFC80, s28;
	s0 =	sadd.s32 s3, s0;
	s12 =	spop (v2sf)  }
0x300: {  	(v2sf) =	vpush v0, $0xE;
	[tilespmem:s9], [sflag:$0x4] =	stream.linear.gather [hbm4b:s0+s2], $0x80, $0x38;
	[tilespmem:$0x10200] =	vst v63  }
0x301: {  	s0 =	sand.u32 $0x1FFFFFF0, s10  }
0x302: {  	s11 =	sadd.s32 $0xFFFFFD00, s28;
	s14 =	spop (v2sf);
	s0 =	sadd.s32 s3, s0  }
0x303: {  	(v2sf) =	vpush v0, $0xF;
	[tilespmem:s11], [sflag:$0x4] =	stream.linear.gather [hbm4b:s0+s2], $0x80, $0x38;
	[tilespmem:$0x10200] =	vst v63  }
0x304: {  	s0 =	sand.u32 $0x1FFFFFF0, s12  }
0x305: {  	s13 =	sadd.s32 $0xFFFFFD80, s28;
	s0 =	sadd.s32 s3, s0  }
0x306: {  	[tilespmem:s13], [sflag:$0x4] =	stream.linear.gather [hbm4b:s0+s2], $0x80, $0x38;
	[tilespmem:$0x10200] =	vst v63  }
0x307: {  	s0 =	sand.u32 $0x1FFFFFF0, s14  }
0x308: {  	s15 =	sadd.s32 $0xFFFFFE00, s28;
	s0 =	sadd.s32 s3, s0  }
0x309: {  	[tilespmem:s15], [sflag:$0x4] =	stream.linear.gather [hbm4b:s0+s2], $0x80, $0x38;
	[tilespmem:$0x10200] =	vst v63  }
0x30a: {  	s16 =	spop (v2sf)  }
0x30b: {  	s0 =	sand.u32 $0x1FFFFFF0, s16  }
0x30c: {  	s17 =	sadd.s32 $0xFFFFFE80, s28;
	s18 =	spop (v2sf);
	s0 =	sadd.s32 s3, s0  }
0x30d: {  	[tilespmem:s17], [sflag:$0x4] =	stream.linear.gather [hbm4b:s0+s2], $0x80, $0x38;
	[tilespmem:$0x10200] =	vst v63  }
0x30e: {  	s0 =	sand.u32 $0x1FFFFFF0, s18  }
0x30f: {  	s19 =	sadd.s32 $0xFFFFFF00, s28;
	s20 =	spop (v2sf);
	s0 =	sadd.s32 s3, s0  }
0x310: {  	[tilespmem:s19], [sflag:$0x4] =	stream.linear.gather [hbm4b:s0+s2], $0x80, $0x38;
	[tilespmem:$0x10200] =	vst v63  }
0x311: {  	s0 =	sand.u32 $0x1FFFFFF0, s20  }
0x312: {  	s21 =	sadd.s32 $0xFFFFFF80, s28;
	s22 =	spop (v2sf);
	s0 =	sadd.s32 s3, s0  }
0x313: {  	[tilespmem:s21], [sflag:$0x4] =	stream.linear.gather [hbm4b:s0+s2], $0x80, $0x38;
	[tilespmem:$0x10200] =	vst v63  }
0x314: {  	s0 =	sand.u32 $0x1FFFFFF0, s22  }
0x315: {  	s23 =	simm.s32 $0x1;
	s0 =	sadd.s32 s3, s0  }
0x316: {  	[tilespmem:s28], [sflag:$0x4] =	stream.linear.gather [hbm4b:s0+s2], $0x80, $0x38;
	[tilespmem:$0x10200] =	vst v63  }
0x317: {  	_ =	swait.ge [sflag:s23], $0x4000  }
0x318: {  	[sflag:s23] =	ssyncset.done $0x0  }
0x319: {  	s24 =	simm.s32 $0x2;
	[sflag:s23] =	ssyncadd.s32 $0xFFFFC000  }
0x31a: {  	_ =	swait.ge [sflag:s24], $0x4000  }
0x31b: {  	[sflag:s24] =	ssyncset.done $0x0  }
0x31c: {  	s25 =	simm.s32 $0x3;
	[sflag:s24] =	ssyncadd.s32 $0xFFFFC000  }
0x31d: {  	_ =	swait.ge [sflag:s25], $0x4000  }
0x31e: {  	[sflag:s25] =	ssyncset.done $0x0  }
0x31f: {  	s26 =	simm.s32 $0x4;
	[sflag:s25] =	ssyncadd.s32 $0xFFFFC000  }
0x320: {  	_ =	swait.ge [sflag:s26], $0x4000  }
0x321: {  	s1 =	simm.s32 $0x5;
	[sflag:s26] =	ssyncset.done $0x0  }
0x322: {  	s29 =	simm.s32 $0x200;
	s28 =	rddreg [dreg:$0x16];
	[sflag:s26] =	ssyncadd.s32 $0xFFFFC000  }
0x323: {  	[hbm4b:s28+s2] =	stream.linear.scatter [tilespmem:s29], [sflag:$0x5], $0x10000, $0x38;
	[tilespmem:$0x10200] =	vst v63  }
0x324: {  	_ =	swait.ge [sflag:s1], $0x10000  }
0x325: {  	s30 =	rddreg [dreg:$0x18]  }
0x326: {  	s31 =	rddreg [dreg:$0x17];
	s4 =	sadd.s32 $0x1, s30  }
0x327: {  	p0 =	sne.s32 s4, s31  }
.Ltmp1:
0x328: {  	_ = 	snop;
	(pc) =	sbr.rel @p0 .LBB2_1-.Ltmp1, $3  }
0x329: {  	_ =	sdelay $0x1  }
0x32a: {  	[sflag:s1] =	ssyncset.done $0x0  }
0x32b: {  	[sflag:s1] =	ssyncadd.s32 $0xFFFF0000  }
0x32c: {  	_ =	sfence.sel $0x180000  }
0x32d: {  	[bflag:$0x0] =	sbarrier.arrive $0xFFFF  }
0x32e: {  	_ =	strace $0x90000047  }
0x32f: {  	s0 =	stileid.u32;
	[bflag:$0x2] =	sbarrier.arrive $0xFFFF  }
0x330: {  	p0 =	sne.s32 s0, $0x0;
	s0 =	rddreg [dreg:$0x2]  }
0x331: {  	s0 =	sadd.s32 @!p0 $0x100000, s0  }
0x332: {  	[sflag:s0] =	ssyncadd.tile.s32 @!p0 $0x1;
	_ =	shalt  }
.Lfunc_end2:
_tile_overlayer_lowered:
.L_overlay_start_2:
0x333: {  	(tag) =	ssettag $0x2  }
0x334: {  	s0 =	rddreg [dreg:$0x0];
	s2 =	stileid.u32  }
0x335: {  	s1 =	rddreg [dreg:$0x1];
	p0 =	sne.s32 s2, $0x0  }
0x336: {  	s3 =	rddreg [dreg:$0x2];
	[bflag:$0x3] =	sbarrier.arrive $0xFFFF;
	s2 =	simm.s32 @!p0 $0x1C05  }
0x337: {  	[timem:s3], [sflag:s2] =	dma.local @!p0 [hbm:s0], s1  }
0x338: {  	s0 =	simm.s32 @!p0 $0x5  }
0x339: {  	_ =	swait.ge @!p0 [sflag:s0], s1  }
0x33a: {  	s1 =	ssub.s32 @!p0 $0x0, s1;
	[sflag:s0] =	ssyncset.done @!p0 $0x0  }
0x33b: {  	[sflag:s0] =	ssyncadd.s32 @!p0 s1  }
0x33c: {  	[bflag:$0x3] =	sbarrier.arrive $0xFFFF  }
0x33d: {  	_ =	shalt  }

</sc_bundles>
